<compile_context>
chip_gen: v7x
topology: tpu7x:2x2x1
jax: 0.10.2.dev20260603
libtpu: 0.0.44.dev20260713+nightly
codegen_flags: <defaults>
</compile_context>

<pallas_src>
import functools

import jax
import jax.numpy as jnp
from jax import lax
from jax.experimental import pallas as pl
from jax.experimental.pallas import tpu as pltpu
from jax.experimental.pallas import tpu_sc as plsc

N_NODES = 10000
D = 128
NC = 2
NS = 16
NW = NC * NS
C = 128
ZB = 400
NZB = N_NODES // ZB


def _sc_mesh():
    return plsc.VectorSubcoreMesh(core_axis_name="c", subcore_axis_name="s")


def _run_pipelined_gather(wid, table_h, sidx_h, ridx_h, sout_h, rout_h,
                          idxbufs, rowbufs, sems, A, CH, K):
    si, ri = idxbufs[0:2], idxbufs[2:4]
    sr, rr = rowbufs[0:2], rowbufs[2:4]
    sis, ris = sems[0:2], sems[2:4]
    gss, grs = sems[4:6], sems[6:8]
    wss, wrs = sems[8:10], sems[10:12]

    @pl.when(wid < A)
    def _():
        tb = wid * (CH * K)

        def fire_idx(k, p):
            base = tb + k * CH
            pltpu.async_copy(sidx_h.at[pl.ds(base, CH)], si[p], sis[p])
            pltpu.async_copy(ridx_h.at[pl.ds(base, CH)], ri[p], ris[p])

        def step(k, p):
            base = tb + k * CH
            pltpu.make_async_copy(
                sidx_h.at[pl.ds(base, CH)], si[p], sis[p]).wait()
            pltpu.make_async_copy(
                ridx_h.at[pl.ds(base, CH)], ri[p], ris[p]).wait()

            @pl.when(k >= 2)
            def _():
                pltpu.make_async_copy(
                    sr[p], sout_h.at[pl.ds(base, CH)], wss[p]).wait()
                pltpu.make_async_copy(
                    rr[p], rout_h.at[pl.ds(base, CH)], wrs[p]).wait()

            cp_s = pltpu.async_copy(table_h.at[si[p]], sr[p], gss[p])
            cp_r = pltpu.async_copy(table_h.at[ri[p]], rr[p], grs[p])
            cp_s.wait()
            cp_r.wait()

            @pl.when(k + 2 < K)
            def _():
                fire_idx(k + 2, p)

            pltpu.async_copy(sr[p], sout_h.at[pl.ds(base, CH)], wss[p])
            pltpu.async_copy(rr[p], rout_h.at[pl.ds(base, CH)], wrs[p])

        fire_idx(0, 0)
        fire_idx(1, 1)

        def pair(i, carry):
            step(2 * i, 0)
            step(2 * i + 1, 1)
            return carry

        lax.fori_loop(0, K // 2, pair, 0)
        if K % 2:
            step(K - 1, (K - 1) % 2)
        for p in range(2):
            pltpu.make_async_copy(
                sr[p], sout_h.at[pl.ds(tb, CH)], wss[p]).wait()
            pltpu.make_async_copy(
                rr[p], rout_h.at[pl.ds(tb, CH)], wrs[p]).wait()


def _gather_pairs(table, sidx, ridx, A, CH):
    E = sidx.shape[0]
    K = E // (A * CH)
    assert A * CH * K == E and K >= 2

    @functools.partial(
        pl.kernel,
        out_type=[jax.ShapeDtypeStruct((E, D), jnp.float32)] * 2,
        mesh=_sc_mesh(),
        scratch_types=(
            [pltpu.VMEM((CH,), jnp.int32)] * 4
            + [pltpu.VMEM((CH, D), jnp.float32)] * 4
            + [pltpu.SemaphoreType.DMA] * 12
        ),
    )
    def gather_kernel(table_h, sidx_h, ridx_h, sout_h, rout_h, *scr):
        wid = lax.axis_index("s") * NC + lax.axis_index("c")
        _run_pipelined_gather(wid, table_h, sidx_h, ridx_h, sout_h, rout_h,
                              scr[0:4], scr[4:8], scr[8:20], A, CH, K)

    return gather_kernel(table, sidx, ridx)


def _run_pipelined_scatter(wid, vals_h, ridx_h, acc_sh, bufs, sems, A, CH, K):
    idx, val = bufs[0:2], bufs[2:4]
    isem, vsem, ssem = sems[0:2], sems[2:4], sems[4:6]

    @pl.when(wid < A)
    def _():
        tb = wid * (CH * K)

        def fire_iv(k, p):
            base = tb + k * CH
            pltpu.async_copy(ridx_h.at[pl.ds(base, CH)], idx[p], isem[p])
            pltpu.async_copy(vals_h.at[pl.ds(base, CH)], val[p], vsem[p])

        def step(k, p):
            base = tb + k * CH
            pltpu.make_async_copy(
                ridx_h.at[pl.ds(base, CH)], idx[p], isem[p]).wait()
            pltpu.make_async_copy(
                vals_h.at[pl.ds(base, CH)], val[p], vsem[p]).wait()
            cp = pltpu.async_copy(val[p], acc_sh.at[idx[p]], ssem[p],
                                  add=True)
            cp.wait()

            @pl.when(k + 2 < K)
            def _():
                fire_iv(k + 2, p)

        fire_iv(0, 0)
        fire_iv(1, 1)

        def pair(i, carry):
            step(2 * i, 0)
            step(2 * i + 1, 1)
            return carry

        lax.fori_loop(0, K // 2, pair, 0)
        if K % 2:
            step(K - 1, (K - 1) % 2)


def _segment_sum_partials(vals, ridx, zeros_blk, A, CH):
    E = vals.shape[0]
    K = E // (A * CH)
    assert A * CH * K == E and K >= 2

    @functools.partial(
        pl.kernel,
        out_type=jax.ShapeDtypeStruct((NC, N_NODES, D), jnp.float32),
        mesh=_sc_mesh(),
        scratch_types=(
            [pltpu.VMEM((CH,), jnp.int32)] * 2
            + [pltpu.VMEM((CH, D), jnp.float32)] * 2
            + [pltpu.VMEM_SHARED((N_NODES, D), jnp.float32)]
            + [pltpu.SMEM((1,), jnp.int32)]
            + [pltpu.SemaphoreType.DMA] * 6
        ),
    )
    def scatter_kernel(vals_h, ridx_h, zeros_h, out_h, *scr):
        acc_sh = scr[4]
        spin_ref = scr[5]
        cid = lax.axis_index("c")
        sid = lax.axis_index("s")
        wid = sid * NC + cid

        def settle(n):
            spin_ref[0] = lax.fori_loop(0, n, lambda i, c: c + 1,
                                        spin_ref[0])

        for kz in range(-(-NZB // NS)):
            b = sid + kz * NS

            @pl.when(b < NZB)
            def _():
                pltpu.sync_copy(zeros_h, acc_sh.at[pl.ds(b * ZB, ZB)])

        settle(4096)
        plsc.subcore_barrier()
        _run_pipelined_scatter(wid, vals_h, ridx_h, acc_sh,
                               scr[0:4], scr[6:12], A, CH, K)
        settle(4096)
        plsc.subcore_barrier()

        for kd in range(-(-NZB // NS)):
            b = sid + kd * NS

            @pl.when(b < NZB)
            def _():
                pltpu.sync_copy(acc_sh.at[pl.ds(b * ZB, ZB)],
                                out_h.at[cid, pl.ds(b * ZB, ZB)])

    return scatter_kernel(vals, ridx, zeros_blk)


def _edge_mlp(gs, gr, ef, W1, b1, W2, b2, block):
    E = gs.shape[0]

    def body(gs_r, gr_r, ef_r, w1_r, b1_r, w2_r, b2_r, mlp_r, new_r):
        w1 = w1_r[...].astype(jnp.bfloat16)
        ef_blk = ef_r[...]
        x = (jnp.dot(gs_r[...].astype(jnp.bfloat16), w1[0:D],
                     preferred_element_type=jnp.float32)
             + jnp.dot(gr_r[...].astype(jnp.bfloat16), w1[D:2 * D],
                       preferred_element_type=jnp.float32)
             + jnp.dot(ef_blk.astype(jnp.bfloat16), w1[2 * D:3 * D],
                       preferred_element_type=jnp.float32)
             + b1_r[...])
        h = jnp.maximum(x, 0.0).astype(jnp.bfloat16)
        y = (jnp.dot(h, w2_r[...].astype(jnp.bfloat16),
                     preferred_element_type=jnp.float32) + b2_r[...])
        mlp_r[...] = y
        new_r[...] = y + ef_blk

    full = lambda i: (0, 0)
    blk = lambda i: (i, 0)
    return pl.pallas_call(
        body,
        grid=(E // block,),
        in_specs=[
            pl.BlockSpec((block, D), blk),
            pl.BlockSpec((block, D), blk),
            pl.BlockSpec((block, D), blk),
            pl.BlockSpec((3 * D, D), full),
            pl.BlockSpec((1, D), full),
            pl.BlockSpec((D, D), full),
            pl.BlockSpec((1, D), full),
        ],
        out_specs=[pl.BlockSpec((block, D), blk)] * 2,
        out_shape=[jax.ShapeDtypeStruct((E, D), jnp.float32)] * 2,
    )(gs, gr, ef, W1, b1.reshape(1, D), W2, b2.reshape(1, D))


def _node_mlp(nodes, aggm, aggw, W1, b1, W2, b2, block):
    def body(n_r, am_r, aw_r, w1_r, b1_r, w2_r, b2_r, out_r):
        w1 = w1_r[...].astype(jnp.bfloat16)
        nf = n_r[...]
        am = (am_r[0] + am_r[1]).astype(jnp.bfloat16)
        aw = (aw_r[0] + aw_r[1]).astype(jnp.bfloat16)
        x = (jnp.dot(nf.astype(jnp.bfloat16), w1[0:D],
                     preferred_element_type=jnp.float32)
             + jnp.dot(am, w1[D:2 * D], preferred_element_type=jnp.float32)
             + jnp.dot(aw, w1[2 * D:3 * D], preferred_element_type=jnp.float32)
             + b1_r[...])
        h = jnp.maximum(x, 0.0).astype(jnp.bfloat16)
        out_r[...] = (jnp.dot(h, w2_r[...].astype(jnp.bfloat16),
                              preferred_element_type=jnp.float32)
                      + b2_r[...] + nf)

    full = lambda i: (0, 0)
    blk = lambda i: (i, 0)
    pblk = lambda i: (0, i, 0)
    return pl.pallas_call(
        body,
        grid=(N_NODES // block,),
        in_specs=[
            pl.BlockSpec((block, D), blk),
            pl.BlockSpec((NC, block, D), pblk),
            pl.BlockSpec((NC, block, D), pblk),
            pl.BlockSpec((3 * D, D), full),
            pl.BlockSpec((1, D), full),
            pl.BlockSpec((D, D), full),
            pl.BlockSpec((1, D), full),
        ],
        out_specs=pl.BlockSpec((block, D), blk),
        out_shape=jax.ShapeDtypeStruct((N_NODES, D), jnp.float32),
    )(nodes, aggm, aggw, W1, b1.reshape(1, D), W2, b2.reshape(1, D))


def kernel(node_features, mesh_edge_features, world_edge_features,
           mesh_senders, mesh_receivers, world_senders, world_receivers,
           mesh_W1, mesh_b1, mesh_W2, mesh_b2,
           world_W1, world_b1, world_W2, world_b2,
           node_W1, node_b1, node_W2, node_b2):
    ms_rows, mr_rows = _gather_pairs(node_features, mesh_senders,
                                     mesh_receivers, 32, 80)
    ws_rows, wr_rows = _gather_pairs(node_features, world_senders,
                                     world_receivers, 25, 128)

    mlp_m, new_mesh = _edge_mlp(ms_rows, mr_rows, mesh_edge_features,
                                mesh_W1, mesh_b1, mesh_W2, mesh_b2, 1000)
    mlp_w, new_world = _edge_mlp(ws_rows, wr_rows, world_edge_features,
                                 world_W1, world_b1, world_W2, world_b2, 1000)

    zeros_blk = jnp.zeros((ZB, D), jnp.float32)
    aggm = _segment_sum_partials(mlp_m, mesh_receivers, zeros_blk, 32, 80)
    aggw = _segment_sum_partials(mlp_w, world_receivers, zeros_blk, 25, 128)

    new_node = _node_mlp(node_features, aggm, aggw,
                         node_W1, node_b1, node_W2, node_b2, 1000)
    return (new_node, new_mesh, new_world)

# --- scband reference (transcript-rebuilt; emitter-appended) ---
"""Pipeline reference for scband-graph-net-block-13219909337176 (READ-ONLY COPY).

The authoritative reference and input builder live on the scoring server;
editing this copy changes nothing except your own understanding.
"""

import jax, jax.numpy as jnp
import numpy as np

N = 10000
E_MESH = 320000
E_WORLD = 80000
D = 128
H = 128


def _mlp(x, W1, b1, W2, b2):
    h = jax.nn.relu(x @ W1 + b1)
    return h @ W2 + b2


def setup_inputs(seed: int = 0) -> dict:
    key = jax.random.key(seed)
    ks = jax.random.split(key, 24)
    inp = {}
    inp['node_features'] = jax.random.normal(ks[0], (N, D), dtype=jnp.float32)
    inp['mesh_edge_features'] = jax.random.normal(ks[1], (E_MESH, D), dtype=jnp.float32)
    inp['world_edge_features'] = jax.random.normal(ks[2], (E_WORLD, D), dtype=jnp.float32)
    inp['mesh_senders'] = jax.random.randint(ks[3], (E_MESH,), 0, N, dtype=jnp.int32)
    inp['mesh_receivers'] = jax.random.randint(ks[4], (E_MESH,), 0, N, dtype=jnp.int32)
    inp['world_senders'] = jax.random.randint(ks[5], (E_WORLD,), 0, N, dtype=jnp.int32)
    inp['world_receivers'] = jax.random.randint(ks[6], (E_WORLD,), 0, N, dtype=jnp.int32)
    # learned params: edge models take concat(sender, receiver, edge) = 3*D; node model takes concat(node, agg_mesh, agg_world) = 3*D
    def w(k, shape, fan_in):
        return jax.random.normal(k, shape, dtype=jnp.float32) * (2.0 / fan_in) ** 0.5
    inp['mesh_W1'] = w(ks[7], (3 * D, H), 3 * D)
    inp['mesh_b1'] = jnp.zeros((H,), dtype=jnp.float32)
    inp['mesh_W2'] = w(ks[8], (H, D), H)
    inp['mesh_b2'] = jnp.zeros((D,), dtype=jnp.float32)
    inp['world_W1'] = w(ks[9], (3 * D, H), 3 * D)
    inp['world_b1'] = jnp.zeros((H,), dtype=jnp.float32)
    inp['world_W2'] = w(ks[10], (H, D), H)
    inp['world_b2'] = jnp.zeros((D,), dtype=jnp.float32)
    inp['node_W1'] = w(ks[11], (3 * D, H), 3 * D)
    inp['node_b1'] = jnp.zeros((H,), dtype=jnp.float32)
    inp['node_W2'] = w(ks[12], (H, D), H)
    inp['node_b2'] = jnp.zeros((D,), dtype=jnp.float32)
    return inp


def reference(node_features, mesh_edge_features, world_edge_features,
              mesh_senders, mesh_receivers, world_senders, world_receivers,
              mesh_W1, mesh_b1, mesh_W2, mesh_b2,
              world_W1, world_b1, world_W2, world_b2,
              node_W1, node_b1, node_W2, node_b2):
    # _update_edge_features for mesh_edges
    mesh_in = jnp.concatenate([
        jnp.take(node_features, mesh_senders, axis=0),
        jnp.take(node_features, mesh_receivers, axis=0),
        mesh_edge_features,
    ], axis=-1)
    new_mesh = _mlp(mesh_in, mesh_W1, mesh_b1, mesh_W2, mesh_b2)
    # _update_edge_features for world_edges
    world_in = jnp.concatenate([
        jnp.take(node_features, world_senders, axis=0),
        jnp.take(node_features, world_receivers, axis=0),
        world_edge_features,
    ], axis=-1)
    new_world = _mlp(world_in, world_W1, world_b1, world_W2, world_b2)
    # _update_node_features: unsorted_segment_operation with 'sum' aggregator
    agg_mesh = jax.ops.segment_sum(new_mesh, mesh_receivers, num_segments=N)
    agg_world = jax.ops.segment_sum(new_world, world_receivers, num_segments=N)
    node_in = jnp.concatenate([node_features, agg_mesh, agg_world], axis=-1)
    new_node = _mlp(node_in, node_W1, node_b1, node_W2, node_b2)
    # residual connections
    new_node = new_node + node_features
    new_mesh = new_mesh + mesh_edge_features
    new_world = new_world + world_edge_features
    return (new_node, new_mesh, new_world)

if __name__ == "__main__":
    import jax
    _d = setup_inputs()
    print(jax.jit(kernel)(*tuple(_d.values())))

</pallas_src>

<mosaic_0001>
#map = affine_map<(d0, d1) -> (0, 0)>
#map1 = affine_map<(d0, d1) -> (0)>
#map2 = affine_map<(d0, d1) -> (0, 0, 0)>
module attributes {stable_mosaic.version = 14 : i64} {
  func.func @scatter_kernel(%arg0: i32, %arg1: i32, %arg2: memref<320000x128xf32, #tpu.memory_space<hbm>>, %arg3: memref<320000xi32, #tpu.memory_space<hbm>>, %arg4: memref<400x128xf32, #tpu.memory_space<hbm>>, %arg5: memref<2x10000x128xf32, #tpu.memory_space<hbm>>, %arg6: memref<80xi32, #tpu.memory_space<vmem>>, %arg7: memref<80xi32, #tpu.memory_space<vmem>>, %arg8: memref<80x128xf32, #tpu.memory_space<vmem>>, %arg9: memref<80x128xf32, #tpu.memory_space<vmem>>, %arg10: memref<10000x128xf32, #tpu.memory_space<vmem_shared>>, %arg11: memref<1xi32, #tpu.memory_space<smem>>, %arg12: memref<!tpu.dma_semaphore, #tpu.memory_space<semaphore_mem>>, %arg13: memref<!tpu.dma_semaphore, #tpu.memory_space<semaphore_mem>>, %arg14: memref<!tpu.dma_semaphore, #tpu.memory_space<semaphore_mem>>, %arg15: memref<!tpu.dma_semaphore, #tpu.memory_space<semaphore_mem>>, %arg16: memref<!tpu.dma_semaphore, #tpu.memory_space<semaphore_mem>>, %arg17: memref<!tpu.dma_semaphore, #tpu.memory_space<semaphore_mem>>) attributes {dimension_semantics = [#tpu.dimension_semantics<core_parallel>, #tpu.dimension_semantics<subcore_parallel>], iteration_bounds = array<i64: 2, 16>, scalar_prefetch = 0 : i64, scratch_operands = 12 : i64, tpu.core_type = #tpu.core_type<sc_vector_subcore>, window_params = [{transform_indices = #map}, {transform_indices = #map1}, {transform_indices = #map}, {transform_indices = #map2}]} {
    %mul3A = arith.constant 2 : i32
    %mul3A_0 = arith.muli %arg1, %mul3A : i32
    %add3A = arith.addi %mul3A_0, %arg0 : i32
    %add3A_1 = arith.constant 0 : i32
    %add3A_2 = arith.addi %arg1, %add3A_1 : i32
    %lt3A = arith.constant 25 : i32
    %lt3A_3 = arith.cmpi slt, %add3A_2, %lt3A : i32
    %convert_element_type3A = arith.extui %lt3A_3 : i1 to i32
    %cond3A = arith.constant 0 : i32
    %cond3A_4 = arith.cmpi ne, %convert_element_type3A, %cond3A : i32
    scf.if %cond3A_4 {
      %mul3A_53 = arith.constant 400 : i32
      %mul3A_54 = arith.muli %add3A_2, %mul3A_53 : i32
      "tpu.region"() ({
        %run_scoped3A = tpu.sem_alloc : memref<!tpu.dma_semaphore, #tpu.memory_space<semaphore_mem>>
        %dma_start3A = arith.constant 0 : i32
        %dma_start3A_55 = tpu.memref_slice %arg10[%mul3A_54, %dma_start3A] : memref<10000x128xf32, #tpu.memory_space<vmem_shared>> -> memref<400x128xf32, #tpu.memory_space<vmem_shared>>
        tpu.enqueue_dma source(%arg4 : memref<400x128xf32, #tpu.memory_space<hbm>>) target(%dma_start3A_55 : memref<400x128xf32, #tpu.memory_space<vmem_shared>>) target_semaphore(%run_scoped3A : memref<!tpu.dma_semaphore, #tpu.memory_space<semaphore_mem>>)
        %dma_wait3A = arith.constant 0 : i32
        %dma_wait3A_56 = tpu.memref_slice %arg10[%mul3A_54, %dma_wait3A] : memref<10000x128xf32, #tpu.memory_space<vmem_shared>> -> memref<400x128xf32, #tpu.memory_space<vmem_shared>>
        tpu.wait_dma2 semaphore(%run_scoped3A : memref<!tpu.dma_semaphore, #tpu.memory_space<semaphore_mem>>) src(%arg4 : memref<400x128xf32, #tpu.memory_space<hbm>>) dst(%dma_wait3A_56 : memref<400x128xf32, #tpu.memory_space<vmem_shared>>)
        tpu.yield
      }) : () -> ()
    } else {
    }
    %add3A_5 = arith.constant 16 : i32
    %add3A_6 = arith.addi %arg1, %add3A_5 : i32
    %lt3A_7 = arith.constant 25 : i32
    %lt3A_8 = arith.cmpi slt, %add3A_6, %lt3A_7 : i32
    %convert_element_type3A_9 = arith.extui %lt3A_8 : i1 to i32
    %cond3A_10 = arith.constant 0 : i32
    %cond3A_11 = arith.cmpi ne, %convert_element_type3A_9, %cond3A_10 : i32
    scf.if %cond3A_11 {
      %mul3A_53 = arith.constant 400 : i32
      %mul3A_54 = arith.muli %add3A_6, %mul3A_53 : i32
      "tpu.region"() ({
        %run_scoped3A = tpu.sem_alloc : memref<!tpu.dma_semaphore, #tpu.memory_space<semaphore_mem>>
        %dma_start3A = arith.constant 0 : i32
        %dma_start3A_55 = tpu.memref_slice %arg10[%mul3A_54, %dma_start3A] : memref<10000x128xf32, #tpu.memory_space<vmem_shared>> -> memref<400x128xf32, #tpu.memory_space<vmem_shared>>
        tpu.enqueue_dma source(%arg4 : memref<400x128xf32, #tpu.memory_space<hbm>>) target(%dma_start3A_55 : memref<400x128xf32, #tpu.memory_space<vmem_shared>>) target_semaphore(%run_scoped3A : memref<!tpu.dma_semaphore, #tpu.memory_space<semaphore_mem>>)
        %dma_wait3A = arith.constant 0 : i32
        %dma_wait3A_56 = tpu.memref_slice %arg10[%mul3A_54, %dma_wait3A] : memref<10000x128xf32, #tpu.memory_space<vmem_shared>> -> memref<400x128xf32, #tpu.memory_space<vmem_shared>>
        tpu.wait_dma2 semaphore(%run_scoped3A : memref<!tpu.dma_semaphore, #tpu.memory_space<semaphore_mem>>) src(%arg4 : memref<400x128xf32, #tpu.memory_space<hbm>>) dst(%dma_wait3A_56 : memref<400x128xf32, #tpu.memory_space<vmem_shared>>)
        tpu.yield
      }) : () -> ()
    } else {
    }
    %get3A = arith.constant 0 : i32
    %get3A_12 = arith.index_cast %get3A : i32 to index
    %get3A_13 = memref.load %arg11[%get3A_12] : memref<1xi32, #tpu.memory_space<smem>>
    %scan3A = arith.constant 0 : i32
    %scan3A_14 = arith.constant 4096 : i32
    %scan3A_15 = arith.addi %scan3A, %scan3A_14 : i32
    %scan3A_16 = arith.constant 1 : i32
    %scan3A_17 = scf.for %scan3A_53 = %scan3A to %scan3A_15 step %scan3A_16 iter_args(%scan3A_54 = %get3A_13) -> (i32)  : i32 {
      %add3A_55 = arith.constant 1 : i32
      %add3A_56 = arith.addi %scan3A_54, %add3A_55 : i32
      scf.yield %add3A_56 : i32
    }
    %scan3A_18 = arith.constant 4096 : i32
    %swap3A = arith.constant 0 : i32
    %swap3A_19 = arith.index_cast %swap3A : i32 to index
    %swap3A_20 = memref.load %arg11[%swap3A_19] : memref<1xi32, #tpu.memory_space<smem>>
    memref.store %scan3A_17, %arg11[%swap3A_19] : memref<1xi32, #tpu.memory_space<smem>>
    %barrier3A = arith.constant 0 : index
    tpu.barrier barrier_id(%barrier3A)
    %lt3A_21 = arith.constant 32 : i32
    %lt3A_22 = arith.cmpi slt, %add3A, %lt3A_21 : i32
    %convert_element_type3A_23 = arith.extui %lt3A_22 : i1 to i32
    %cond3A_24 = arith.constant 0 : i32
    %cond3A_25 = arith.cmpi ne, %convert_element_type3A_23, %cond3A_24 : i32
    scf.if %cond3A_25 {
      %mul3A_53 = arith.constant 10000 : i32
      %mul3A_54 = arith.muli %add3A, %mul3A_53 : i32
      %add3A_55 = arith.constant 0 : i32
      %add3A_56 = arith.addi %mul3A_54, %add3A_55 : i32
      %dma_start3A = tpu.memref_slice %arg3[%add3A_56] : memref<320000xi32, #tpu.memory_space<hbm>> -> memref<80xi32, #tpu.memory_space<hbm>>
      %dma_start3A_57 = tpu.memref_slice %arg3[%add3A_56] : memref<320000xi32, #tpu.memory_space<hbm>> -> memref<80xi32, #tpu.memory_space<hbm>>
      tpu.enqueue_dma source(%dma_start3A_57 : memref<80xi32, #tpu.memory_space<hbm>>) target(%arg6 : memref<80xi32, #tpu.memory_space<vmem>>) target_semaphore(%arg12 : memref<!tpu.dma_semaphore, #tpu.memory_space<semaphore_mem>>)
      %dma_start3A_58 = arith.constant 0 : i32
      %dma_start3A_59 = tpu.memref_slice %arg2[%add3A_56, %dma_start3A_58] : memref<320000x128xf32, #tpu.memory_space<hbm>> -> memref<80x128xf32, #tpu.memory_space<hbm>>
      %dma_start3A_60 = arith.constant 0 : i32
      %dma_start3A_61 = tpu.memref_slice %arg2[%add3A_56, %dma_start3A_60] : memref<320000x128xf32, #tpu.memory_space<hbm>> -> memref<80x128xf32, #tpu.memory_space<hbm>>
      tpu.enqueue_dma source(%dma_start3A_61 : memref<80x128xf32, #tpu.memory_space<hbm>>) target(%arg8 : memref<80x128xf32, #tpu.memory_space<vmem>>) target_semaphore(%arg14 : memref<!tpu.dma_semaphore, #tpu.memory_space<semaphore_mem>>)
      %add3A_62 = arith.constant 80 : i32
      %add3A_63 = arith.addi %mul3A_54, %add3A_62 : i32
      %dma_start3A_64 = tpu.memref_slice %arg3[%add3A_63] : memref<320000xi32, #tpu.memory_space<hbm>> -> memref<80xi32, #tpu.memory_space<hbm>>
      %dma_start3A_65 = tpu.memref_slice %arg3[%add3A_63] : memref<320000xi32, #tpu.memory_space<hbm>> -> memref<80xi32, #tpu.memory_space<hbm>>
      tpu.enqueue_dma source(%dma_start3A_65 : memref<80xi32, #tpu.memory_space<hbm>>) target(%arg7 : memref<80xi32, #tpu.memory_space<vmem>>) target_semaphore(%arg13 : memref<!tpu.dma_semaphore, #tpu.memory_space<semaphore_mem>>)
      %dma_start3A_66 = arith.constant 0 : i32
      %dma_start3A_67 = tpu.memref_slice %arg2[%add3A_63, %dma_start3A_66] : memref<320000x128xf32, #tpu.memory_space<hbm>> -> memref<80x128xf32, #tpu.memory_space<hbm>>
      %dma_start3A_68 = arith.constant 0 : i32
      %dma_start3A_69 = tpu.memref_slice %arg2[%add3A_63, %dma_start3A_68] : memref<320000x128xf32, #tpu.memory_space<hbm>> -> memref<80x128xf32, #tpu.memory_space<hbm>>
      tpu.enqueue_dma source(%dma_start3A_69 : memref<80x128xf32, #tpu.memory_space<hbm>>) target(%arg9 : memref<80x128xf32, #tpu.memory_space<vmem>>) target_semaphore(%arg15 : memref<!tpu.dma_semaphore, #tpu.memory_space<semaphore_mem>>)
      %scan3A_70 = arith.constant 0 : i32
      %scan3A_71 = arith.constant 0 : i32
      %scan3A_72 = arith.constant 62 : i32
      %scan3A_73 = arith.addi %scan3A_71, %scan3A_72 : i32
      %scan3A_74 = arith.constant 1 : i32
      scf.for %scan3A_89 = %scan3A_71 to %scan3A_73 step %scan3A_74  : i32 {
        %mul3A_90 = arith.constant 2 : i32
        %mul3A_91 = arith.muli %mul3A_90, %scan3A_89 : i32
        %mul3A_92 = arith.constant 80 : i32
        %mul3A_93 = arith.muli %mul3A_91, %mul3A_92 : i32
        %add3A_94 = arith.addi %mul3A_54, %mul3A_93 : i32
        %dma_wait3A_95 = tpu.memref_slice %arg3[%add3A_94] : memref<320000xi32, #tpu.memory_space<hbm>> -> memref<80xi32, #tpu.memory_space<hbm>>
        %dma_wait3A_96 = tpu.memref_slice %arg3[%add3A_94] : memref<320000xi32, #tpu.memory_space<hbm>> -> memref<80xi32, #tpu.memory_space<hbm>>
        tpu.wait_dma2 semaphore(%arg12 : memref<!tpu.dma_semaphore, #tpu.memory_space<semaphore_mem>>) src(%dma_wait3A_96 : memref<80xi32, #tpu.memory_space<hbm>>) dst(%arg6 : memref<80xi32, #tpu.memory_space<vmem>>)
        %dma_wait3A_97 = arith.constant 0 : i32
        %dma_wait3A_98 = tpu.memref_slice %arg2[%add3A_94, %dma_wait3A_97] : memref<320000x128xf32, #tpu.memory_space<hbm>> -> memref<80x128xf32, #tpu.memory_space<hbm>>
        %dma_wait3A_99 = arith.constant 0 : i32
        %dma_wait3A_100 = tpu.memref_slice %arg2[%add3A_94, %dma_wait3A_99] : memref<320000x128xf32, #tpu.memory_space<hbm>> -> memref<80x128xf32, #tpu.memory_space<hbm>>
        tpu.wait_dma2 semaphore(%arg14 : memref<!tpu.dma_semaphore, #tpu.memory_space<semaphore_mem>>) src(%dma_wait3A_100 : memref<80x128xf32, #tpu.memory_space<hbm>>) dst(%arg8 : memref<80x128xf32, #tpu.memory_space<vmem>>)
        %dma_start3A_101 = arith.constant 0 : i32
        %dma_start3A_102 = arith.constant 0 : i32
        %dma_start3A_103 = tpu.memref_slice %arg10[%dma_start3A_101, %dma_start3A_102] : memref<10000x128xf32, #tpu.memory_space<vmem_shared>> -> memref<10000x128xf32, #tpu.memory_space<vmem_shared>>
        tpu.enqueue_indirect_dma source(%arg8 : memref<80x128xf32, #tpu.memory_space<vmem>>) target(%dma_start3A_103 : memref<10000x128xf32, #tpu.memory_space<vmem_shared>>) offsets(%arg6 : memref<80xi32, #tpu.memory_space<vmem>>) semaphore(%arg16 : memref<!tpu.dma_semaphore, #tpu.memory_space<semaphore_mem>>) {add = true}
        %dma_wait3A_104 = arith.constant 0 : i32
        %dma_wait3A_105 = arith.constant 0 : i32
        %dma_wait3A_106 = tpu.memref_slice %arg10[%dma_wait3A_104, %dma_wait3A_105] : memref<10000x128xf32, #tpu.memory_space<vmem_shared>> -> memref<10000x128xf32, #tpu.memory_space<vmem_shared>>
        tpu.wait_indirect_dma semaphore(%arg16 : memref<!tpu.dma_semaphore, #tpu.memory_space<semaphore_mem>>) src(%arg8 : memref<80x128xf32, #tpu.memory_space<vmem>>) dst(%dma_wait3A_106 : memref<10000x128xf32, #tpu.memory_space<vmem_shared>>)
        %add3A_107 = arith.constant 2 : i32
        %add3A_108 = arith.addi %mul3A_91, %add3A_107 : i32
        %lt3A_109 = arith.constant 125 : i32
        %lt3A_110 = arith.cmpi slt, %add3A_108, %lt3A_109 : i32
        %convert_element_type3A_111 = arith.extui %lt3A_110 : i1 to i32
        %cond3A_112 = arith.constant 0 : i32
        %cond3A_113 = arith.cmpi ne, %convert_element_type3A_111, %cond3A_112 : i32
        scf.if %cond3A_113 {
          %add3A_140 = arith.constant 2 : i32
          %add3A_141 = arith.addi %mul3A_91, %add3A_140 : i32
          %mul3A_142 = arith.constant 80 : i32
          %mul3A_143 = arith.muli %add3A_141, %mul3A_142 : i32
          %add3A_144 = arith.addi %mul3A_54, %mul3A_143 : i32
          %dma_start3A_145 = tpu.memref_slice %arg3[%add3A_144] : memref<320000xi32, #tpu.memory_space<hbm>> -> memref<80xi32, #tpu.memory_space<hbm>>
          %dma_start3A_146 = tpu.memref_slice %arg3[%add3A_144] : memref<320000xi32, #tpu.memory_space<hbm>> -> memref<80xi32, #tpu.memory_space<hbm>>
          tpu.enqueue_dma source(%dma_start3A_146 : memref<80xi32, #tpu.memory_space<hbm>>) target(%arg6 : memref<80xi32, #tpu.memory_space<vmem>>) target_semaphore(%arg12 : memref<!tpu.dma_semaphore, #tpu.memory_space<semaphore_mem>>)
          %dma_start3A_147 = arith.constant 0 : i32
          %dma_start3A_148 = tpu.memref_slice %arg2[%add3A_144, %dma_start3A_147] : memref<320000x128xf32, #tpu.memory_space<hbm>> -> memref<80x128xf32, #tpu.memory_space<hbm>>
          %dma_start3A_149 = arith.constant 0 : i32
          %dma_start3A_150 = tpu.memref_slice %arg2[%add3A_144, %dma_start3A_149] : memref<320000x128xf32, #tpu.memory_space<hbm>> -> memref<80x128xf32, #tpu.memory_space<hbm>>
          tpu.enqueue_dma source(%dma_start3A_150 : memref<80x128xf32, #tpu.memory_space<hbm>>) target(%arg8 : memref<80x128xf32, #tpu.memory_space<vmem>>) target_semaphore(%arg14 : memref<!tpu.dma_semaphore, #tpu.memory_space<semaphore_mem>>)
        } else {
        }
        %mul3A_114 = arith.constant 2 : i32
        %mul3A_115 = arith.muli %mul3A_114, %scan3A_89 : i32
        %add3A_116 = arith.constant 1 : i32
        %add3A_117 = arith.addi %mul3A_115, %add3A_116 : i32
        %mul3A_118 = arith.constant 80 : i32
        %mul3A_119 = arith.muli %add3A_117, %mul3A_118 : i32
        %add3A_120 = arith.addi %mul3A_54, %mul3A_119 : i32
        %dma_wait3A_121 = tpu.memref_slice %arg3[%add3A_120] : memref<320000xi32, #tpu.memory_space<hbm>> -> memref<80xi32, #tpu.memory_space<hbm>>
        %dma_wait3A_122 = tpu.memref_slice %arg3[%add3A_120] : memref<320000xi32, #tpu.memory_space<hbm>> -> memref<80xi32, #tpu.memory_space<hbm>>
        tpu.wait_dma2 semaphore(%arg13 : memref<!tpu.dma_semaphore, #tpu.memory_space<semaphore_mem>>) src(%dma_wait3A_122 : memref<80xi32, #tpu.memory_space<hbm>>) dst(%arg7 : memref<80xi32, #tpu.memory_space<vmem>>)
        %dma_wait3A_123 = arith.constant 0 : i32
        %dma_wait3A_124 = tpu.memref_slice %arg2[%add3A_120, %dma_wait3A_123] : memref<320000x128xf32, #tpu.memory_space<hbm>> -> memref<80x128xf32, #tpu.memory_space<hbm>>
        %dma_wait3A_125 = arith.constant 0 : i32
        %dma_wait3A_126 = tpu.memref_slice %arg2[%add3A_120, %dma_wait3A_125] : memref<320000x128xf32, #tpu.memory_space<hbm>> -> memref<80x128xf32, #tpu.memory_space<hbm>>
        tpu.wait_dma2 semaphore(%arg15 : memref<!tpu.dma_semaphore, #tpu.memory_space<semaphore_mem>>) src(%dma_wait3A_126 : memref<80x128xf32, #tpu.memory_space<hbm>>) dst(%arg9 : memref<80x128xf32, #tpu.memory_space<vmem>>)
        %dma_start3A_127 = arith.constant 0 : i32
        %dma_start3A_128 = arith.constant 0 : i32
        %dma_start3A_129 = tpu.memref_slice %arg10[%dma_start3A_127, %dma_start3A_128] : memref<10000x128xf32, #tpu.memory_space<vmem_shared>> -> memref<10000x128xf32, #tpu.memory_space<vmem_shared>>
        tpu.enqueue_indirect_dma source(%arg9 : memref<80x128xf32, #tpu.memory_space<vmem>>) target(%dma_start3A_129 : memref<10000x128xf32, #tpu.memory_space<vmem_shared>>) offsets(%arg7 : memref<80xi32, #tpu.memory_space<vmem>>) semaphore(%arg17 : memref<!tpu.dma_semaphore, #tpu.memory_space<semaphore_mem>>) {add = true}
        %dma_wait3A_130 = arith.constant 0 : i32
        %dma_wait3A_131 = arith.constant 0 : i32
        %dma_wait3A_132 = tpu.memref_slice %arg10[%dma_wait3A_130, %dma_wait3A_131] : memref<10000x128xf32, #tpu.memory_space<vmem_shared>> -> memref<10000x128xf32, #tpu.memory_space<vmem_shared>>
        tpu.wait_indirect_dma semaphore(%arg17 : memref<!tpu.dma_semaphore, #tpu.memory_space<semaphore_mem>>) src(%arg9 : memref<80x128xf32, #tpu.memory_space<vmem>>) dst(%dma_wait3A_132 : memref<10000x128xf32, #tpu.memory_space<vmem_shared>>)
        %add3A_133 = arith.constant 2 : i32
        %add3A_134 = arith.addi %add3A_117, %add3A_133 : i32
        %lt3A_135 = arith.constant 125 : i32
        %lt3A_136 = arith.cmpi slt, %add3A_134, %lt3A_135 : i32
        %convert_element_type3A_137 = arith.extui %lt3A_136 : i1 to i32
        %cond3A_138 = arith.constant 0 : i32
        %cond3A_139 = arith.cmpi ne, %convert_element_type3A_137, %cond3A_138 : i32
        scf.if %cond3A_139 {
          %add3A_140 = arith.constant 2 : i32
          %add3A_141 = arith.addi %add3A_117, %add3A_140 : i32
          %mul3A_142 = arith.constant 80 : i32
          %mul3A_143 = arith.muli %add3A_141, %mul3A_142 : i32
          %add3A_144 = arith.addi %mul3A_54, %mul3A_143 : i32
          %dma_start3A_145 = tpu.memref_slice %arg3[%add3A_144] : memref<320000xi32, #tpu.memory_space<hbm>> -> memref<80xi32, #tpu.memory_space<hbm>>
          %dma_start3A_146 = tpu.memref_slice %arg3[%add3A_144] : memref<320000xi32, #tpu.memory_space<hbm>> -> memref<80xi32, #tpu.memory_space<hbm>>
          tpu.enqueue_dma source(%dma_start3A_146 : memref<80xi32, #tpu.memory_space<hbm>>) target(%arg7 : memref<80xi32, #tpu.memory_space<vmem>>) target_semaphore(%arg13 : memref<!tpu.dma_semaphore, #tpu.memory_space<semaphore_mem>>)
          %dma_start3A_147 = arith.constant 0 : i32
          %dma_start3A_148 = tpu.memref_slice %arg2[%add3A_144, %dma_start3A_147] : memref<320000x128xf32, #tpu.memory_space<hbm>> -> memref<80x128xf32, #tpu.memory_space<hbm>>
          %dma_start3A_149 = arith.constant 0 : i32
          %dma_start3A_150 = tpu.memref_slice %arg2[%add3A_144, %dma_start3A_149] : memref<320000x128xf32, #tpu.memory_space<hbm>> -> memref<80x128xf32, #tpu.memory_space<hbm>>
          tpu.enqueue_dma source(%dma_start3A_150 : memref<80x128xf32, #tpu.memory_space<hbm>>) target(%arg9 : memref<80x128xf32, #tpu.memory_space<vmem>>) target_semaphore(%arg15 : memref<!tpu.dma_semaphore, #tpu.memory_space<semaphore_mem>>)
        } else {
        }
      }
      %scan3A_75 = arith.constant 62 : i32
      %add3A_76 = arith.constant 9920 : i32
      %add3A_77 = arith.addi %mul3A_54, %add3A_76 : i32
      %dma_wait3A = tpu.memref_slice %arg3[%add3A_77] : memref<320000xi32, #tpu.memory_space<hbm>> -> memref<80xi32, #tpu.memory_space<hbm>>
      %dma_wait3A_78 = tpu.memref_slice %arg3[%add3A_77] : memref<320000xi32, #tpu.memory_space<hbm>> -> memref<80xi32, #tpu.memory_space<hbm>>
      tpu.wait_dma2 semaphore(%arg12 : memref<!tpu.dma_semaphore, #tpu.memory_space<semaphore_mem>>) src(%dma_wait3A_78 : memref<80xi32, #tpu.memory_space<hbm>>) dst(%arg6 : memref<80xi32, #tpu.memory_space<vmem>>)
      %dma_wait3A_79 = arith.constant 0 : i32
      %dma_wait3A_80 = tpu.memref_slice %arg2[%add3A_77, %dma_wait3A_79] : memref<320000x128xf32, #tpu.memory_space<hbm>> -> memref<80x128xf32, #tpu.memory_space<hbm>>
      %dma_wait3A_81 = arith.constant 0 : i32
      %dma_wait3A_82 = tpu.memref_slice %arg2[%add3A_77, %dma_wait3A_81] : memref<320000x128xf32, #tpu.memory_space<hbm>> -> memref<80x128xf32, #tpu.memory_space<hbm>>
      tpu.wait_dma2 semaphore(%arg14 : memref<!tpu.dma_semaphore, #tpu.memory_space<semaphore_mem>>) src(%dma_wait3A_82 : memref<80x128xf32, #tpu.memory_space<hbm>>) dst(%arg8 : memref<80x128xf32, #tpu.memory_space<vmem>>)
      %dma_start3A_83 = arith.constant 0 : i32
      %dma_start3A_84 = arith.constant 0 : i32
      %dma_start3A_85 = tpu.memref_slice %arg10[%dma_start3A_83, %dma_start3A_84] : memref<10000x128xf32, #tpu.memory_space<vmem_shared>> -> memref<10000x128xf32, #tpu.memory_space<vmem_shared>>
      tpu.enqueue_indirect_dma source(%arg8 : memref<80x128xf32, #tpu.memory_space<vmem>>) target(%dma_start3A_85 : memref<10000x128xf32, #tpu.memory_space<vmem_shared>>) offsets(%arg6 : memref<80xi32, #tpu.memory_space<vmem>>) semaphore(%arg16 : memref<!tpu.dma_semaphore, #tpu.memory_space<semaphore_mem>>) {add = true}
      %dma_wait3A_86 = arith.constant 0 : i32
      %dma_wait3A_87 = arith.constant 0 : i32
      %dma_wait3A_88 = tpu.memref_slice %arg10[%dma_wait3A_86, %dma_wait3A_87] : memref<10000x128xf32, #tpu.memory_space<vmem_shared>> -> memref<10000x128xf32, #tpu.memory_space<vmem_shared>>
      tpu.wait_indirect_dma semaphore(%arg16 : memref<!tpu.dma_semaphore, #tpu.memory_space<semaphore_mem>>) src(%arg8 : memref<80x128xf32, #tpu.memory_space<vmem>>) dst(%dma_wait3A_88 : memref<10000x128xf32, #tpu.memory_space<vmem_shared>>)
    } else {
    }
    %get3A_26 = arith.constant 0 : i32
    %get3A_27 = arith.index_cast %get3A_26 : i32 to index
    %get3A_28 = memref.load %arg11[%get3A_27] : memref<1xi32, #tpu.memory_space<smem>>
    %scan3A_29 = arith.constant 0 : i32
    %scan3A_30 = arith.constant 4096 : i32
    %scan3A_31 = arith.addi %scan3A_29, %scan3A_30 : i32
    %scan3A_32 = arith.constant 1 : i32
    %scan3A_33 = scf.for %scan3A_53 = %scan3A_29 to %scan3A_31 step %scan3A_32 iter_args(%scan3A_54 = %get3A_28) -> (i32)  : i32 {
      %add3A_55 = arith.constant 1 : i32
      %add3A_56 = arith.addi %scan3A_54, %add3A_55 : i32
      scf.yield %add3A_56 : i32
    }
    %scan3A_34 = arith.constant 4096 : i32
    %swap3A_35 = arith.constant 0 : i32
    %swap3A_36 = arith.index_cast %swap3A_35 : i32 to index
    %swap3A_37 = memref.load %arg11[%swap3A_36] : memref<1xi32, #tpu.memory_space<smem>>
    memref.store %scan3A_33, %arg11[%swap3A_36] : memref<1xi32, #tpu.memory_space<smem>>
    %barrier3A_38 = arith.constant 0 : index
    tpu.barrier barrier_id(%barrier3A_38)
    %add3A_39 = arith.constant 0 : i32
    %add3A_40 = arith.addi %arg1, %add3A_39 : i32
    %lt3A_41 = arith.constant 25 : i32
    %lt3A_42 = arith.cmpi slt, %add3A_40, %lt3A_41 : i32
    %convert_element_type3A_43 = arith.extui %lt3A_42 : i1 to i32
    %cond3A_44 = arith.constant 0 : i32
    %cond3A_45 = arith.cmpi ne, %convert_element_type3A_43, %cond3A_44 : i32
    scf.if %cond3A_45 {
      %mul3A_53 = arith.constant 400 : i32
      %mul3A_54 = arith.muli %add3A_40, %mul3A_53 : i32
      %mul3A_55 = arith.constant 400 : i32
      %mul3A_56 = arith.muli %add3A_40, %mul3A_55 : i32
      "tpu.region"() ({
        %run_scoped3A = tpu.sem_alloc : memref<!tpu.dma_semaphore, #tpu.memory_space<semaphore_mem>>
        %dma_start3A = arith.constant 0 : i32
        %dma_start3A_57 = tpu.memref_slice %arg5[%arg0, %mul3A_56, %dma_start3A] : memref<2x10000x128xf32, #tpu.memory_space<hbm>> -> memref<1x400x128xf32, #tpu.memory_space<hbm>>
        %dma_start3A_58 = tpu.memref_squeeze %dma_start3A_57 : memref<1x400x128xf32, #tpu.memory_space<hbm>> -> memref<400x128xf32, #tpu.memory_space<hbm>>
        %dma_start3A_59 = arith.constant 0 : i32
        %dma_start3A_60 = tpu.memref_slice %arg10[%mul3A_54, %dma_start3A_59] : memref<10000x128xf32, #tpu.memory_space<vmem_shared>> -> memref<400x128xf32, #tpu.memory_space<vmem_shared>>
        tpu.enqueue_dma source(%dma_start3A_60 : memref<400x128xf32, #tpu.memory_space<vmem_shared>>) target(%dma_start3A_58 : memref<400x128xf32, #tpu.memory_space<hbm>>) target_semaphore(%run_scoped3A : memref<!tpu.dma_semaphore, #tpu.memory_space<semaphore_mem>>)
        %dma_wait3A = arith.constant 0 : i32
        %dma_wait3A_61 = tpu.memref_slice %arg5[%arg0, %mul3A_56, %dma_wait3A] : memref<2x10000x128xf32, #tpu.memory_space<hbm>> -> memref<1x400x128xf32, #tpu.memory_space<hbm>>
        %dma_wait3A_62 = tpu.memref_squeeze %dma_wait3A_61 : memref<1x400x128xf32, #tpu.memory_space<hbm>> -> memref<400x128xf32, #tpu.memory_space<hbm>>
        %dma_wait3A_63 = arith.constant 0 : i32
        %dma_wait3A_64 = tpu.memref_slice %arg10[%mul3A_54, %dma_wait3A_63] : memref<10000x128xf32, #tpu.memory_space<vmem_shared>> -> memref<400x128xf32, #tpu.memory_space<vmem_shared>>
        tpu.wait_dma2 semaphore(%run_scoped3A : memref<!tpu.dma_semaphore, #tpu.memory_space<semaphore_mem>>) src(%dma_wait3A_64 : memref<400x128xf32, #tpu.memory_space<vmem_shared>>) dst(%dma_wait3A_62 : memref<400x128xf32, #tpu.memory_space<hbm>>)
        tpu.yield
      }) : () -> ()
    } else {
    }
    %add3A_46 = arith.constant 16 : i32
    %add3A_47 = arith.addi %arg1, %add3A_46 : i32
    %lt3A_48 = arith.constant 25 : i32
    %lt3A_49 = arith.cmpi slt, %add3A_47, %lt3A_48 : i32
    %convert_element_type3A_50 = arith.extui %lt3A_49 : i1 to i32
    %cond3A_51 = arith.constant 0 : i32
    %cond3A_52 = arith.cmpi ne, %convert_element_type3A_50, %cond3A_51 : i32
    scf.if %cond3A_52 {
      %mul3A_53 = arith.constant 400 : i32
      %mul3A_54 = arith.muli %add3A_47, %mul3A_53 : i32
      %mul3A_55 = arith.constant 400 : i32
      %mul3A_56 = arith.muli %add3A_47, %mul3A_55 : i32
      "tpu.region"() ({
        %run_scoped3A = tpu.sem_alloc : memref<!tpu.dma_semaphore, #tpu.memory_space<semaphore_mem>>
        %dma_start3A = arith.constant 0 : i32
        %dma_start3A_57 = tpu.memref_slice %arg5[%arg0, %mul3A_56, %dma_start3A] : memref<2x10000x128xf32, #tpu.memory_space<hbm>> -> memref<1x400x128xf32, #tpu.memory_space<hbm>>
        %dma_start3A_58 = tpu.memref_squeeze %dma_start3A_57 : memref<1x400x128xf32, #tpu.memory_space<hbm>> -> memref<400x128xf32, #tpu.memory_space<hbm>>
        %dma_start3A_59 = arith.constant 0 : i32
        %dma_start3A_60 = tpu.memref_slice %arg10[%mul3A_54, %dma_start3A_59] : memref<10000x128xf32, #tpu.memory_space<vmem_shared>> -> memref<400x128xf32, #tpu.memory_space<vmem_shared>>
        tpu.enqueue_dma source(%dma_start3A_60 : memref<400x128xf32, #tpu.memory_space<vmem_shared>>) target(%dma_start3A_58 : memref<400x128xf32, #tpu.memory_space<hbm>>) target_semaphore(%run_scoped3A : memref<!tpu.dma_semaphore, #tpu.memory_space<semaphore_mem>>)
        %dma_wait3A = arith.constant 0 : i32
        %dma_wait3A_61 = tpu.memref_slice %arg5[%arg0, %mul3A_56, %dma_wait3A] : memref<2x10000x128xf32, #tpu.memory_space<hbm>> -> memref<1x400x128xf32, #tpu.memory_space<hbm>>
        %dma_wait3A_62 = tpu.memref_squeeze %dma_wait3A_61 : memref<1x400x128xf32, #tpu.memory_space<hbm>> -> memref<400x128xf32, #tpu.memory_space<hbm>>
        %dma_wait3A_63 = arith.constant 0 : i32
        %dma_wait3A_64 = tpu.memref_slice %arg10[%mul3A_54, %dma_wait3A_63] : memref<10000x128xf32, #tpu.memory_space<vmem_shared>> -> memref<400x128xf32, #tpu.memory_space<vmem_shared>>
        tpu.wait_dma2 semaphore(%run_scoped3A : memref<!tpu.dma_semaphore, #tpu.memory_space<semaphore_mem>>) src(%dma_wait3A_64 : memref<400x128xf32, #tpu.memory_space<vmem_shared>>) dst(%dma_wait3A_62 : memref<400x128xf32, #tpu.memory_space<hbm>>)
        tpu.yield
      }) : () -> ()
    } else {
    }
    return
  }
}

#map = affine_map<(d0, d1) -> (0, 0)>
#map1 = affine_map<(d0, d1) -> (0)>
module attributes {stable_mosaic.version = 14 : i64} {
  func.func @gather_kernel(%arg0: i32, %arg1: i32, %arg2: memref<10000x128xf32, #tpu.memory_space<hbm>>, %arg3: memref<80000xi32, #tpu.memory_space<hbm>>, %arg4: memref<80000xi32, #tpu.memory_space<hbm>>, %arg5: memref<80000x128xf32, #tpu.memory_space<hbm>>, %arg6: memref<80000x128xf32, #tpu.memory_space<hbm>>, %arg7: memref<128xi32, #tpu.memory_space<vmem>>, %arg8: memref<128xi32, #tpu.memory_space<vmem>>, %arg9: memref<128xi32, #tpu.memory_space<vmem>>, %arg10: memref<128xi32, #tpu.memory_space<vmem>>, %arg11: memref<128x128xf32, #tpu.memory_space<vmem>>, %arg12: memref<128x128xf32, #tpu.memory_space<vmem>>, %arg13: memref<128x128xf32, #tpu.memory_space<vmem>>, %arg14: memref<128x128xf32, #tpu.memory_space<vmem>>, %arg15: memref<!tpu.dma_semaphore, #tpu.memory_space<semaphore_mem>>, %arg16: memref<!tpu.dma_semaphore, #tpu.memory_space<semaphore_mem>>, %arg17: memref<!tpu.dma_semaphore, #tpu.memory_space<semaphore_mem>>, %arg18: memref<!tpu.dma_semaphore, #tpu.memory_space<semaphore_mem>>, %arg19: memref<!tpu.dma_semaphore, #tpu.memory_space<semaphore_mem>>, %arg20: memref<!tpu.dma_semaphore, #tpu.memory_space<semaphore_mem>>, %arg21: memref<!tpu.dma_semaphore, #tpu.memory_space<semaphore_mem>>, %arg22: memref<!tpu.dma_semaphore, #tpu.memory_space<semaphore_mem>>, %arg23: memref<!tpu.dma_semaphore, #tpu.memory_space<semaphore_mem>>, %arg24: memref<!tpu.dma_semaphore, #tpu.memory_space<semaphore_mem>>, %arg25: memref<!tpu.dma_semaphore, #tpu.memory_space<semaphore_mem>>, %arg26: memref<!tpu.dma_semaphore, #tpu.memory_space<semaphore_mem>>) attributes {dimension_semantics = [#tpu.dimension_semantics<core_parallel>, #tpu.dimension_semantics<subcore_parallel>], iteration_bounds = array<i64: 2, 16>, scalar_prefetch = 0 : i64, scratch_operands = 20 : i64, tpu.core_type = #tpu.core_type<sc_vector_subcore>, window_params = [{transform_indices = #map}, {transform_indices = #map1}, {transform_indices = #map1}, {transform_indices = #map}, {transform_indices = #map}]} {
    %mul3A = arith.constant 2 : i32
    %mul3A_0 = arith.muli %arg1, %mul3A : i32
    %add3A = arith.addi %mul3A_0, %arg0 : i32
    %lt3A = arith.constant 25 : i32
    %lt3A_1 = arith.cmpi slt, %add3A, %lt3A : i32
    %convert_element_type3A = arith.extui %lt3A_1 : i1 to i32
    %cond3A = arith.constant 0 : i32
    %cond3A_2 = arith.cmpi ne, %convert_element_type3A, %cond3A : i32
    scf.if %cond3A_2 {
      %mul3A_3 = arith.constant 3200 : i32
      %mul3A_4 = arith.muli %add3A, %mul3A_3 : i32
      %add3A_5 = arith.constant 0 : i32
      %add3A_6 = arith.addi %mul3A_4, %add3A_5 : i32
      %dma_start3A = tpu.memref_slice %arg3[%add3A_6] : memref<80000xi32, #tpu.memory_space<hbm>> -> memref<128xi32, #tpu.memory_space<hbm>>
      %dma_start3A_7 = tpu.memref_slice %arg3[%add3A_6] : memref<80000xi32, #tpu.memory_space<hbm>> -> memref<128xi32, #tpu.memory_space<hbm>>
      tpu.enqueue_dma source(%dma_start3A_7 : memref<128xi32, #tpu.memory_space<hbm>>) target(%arg7 : memref<128xi32, #tpu.memory_space<vmem>>) target_semaphore(%arg15 : memref<!tpu.dma_semaphore, #tpu.memory_space<semaphore_mem>>)
      %dma_start3A_8 = tpu.memref_slice %arg4[%add3A_6] : memref<80000xi32, #tpu.memory_space<hbm>> -> memref<128xi32, #tpu.memory_space<hbm>>
      %dma_start3A_9 = tpu.memref_slice %arg4[%add3A_6] : memref<80000xi32, #tpu.memory_space<hbm>> -> memref<128xi32, #tpu.memory_space<hbm>>
      tpu.enqueue_dma source(%dma_start3A_9 : memref<128xi32, #tpu.memory_space<hbm>>) target(%arg9 : memref<128xi32, #tpu.memory_space<vmem>>) target_semaphore(%arg17 : memref<!tpu.dma_semaphore, #tpu.memory_space<semaphore_mem>>)
      %add3A_10 = arith.constant 128 : i32
      %add3A_11 = arith.addi %mul3A_4, %add3A_10 : i32
      %dma_start3A_12 = tpu.memref_slice %arg3[%add3A_11] : memref<80000xi32, #tpu.memory_space<hbm>> -> memref<128xi32, #tpu.memory_space<hbm>>
      %dma_start3A_13 = tpu.memref_slice %arg3[%add3A_11] : memref<80000xi32, #tpu.memory_space<hbm>> -> memref<128xi32, #tpu.memory_space<hbm>>
      tpu.enqueue_dma source(%dma_start3A_13 : memref<128xi32, #tpu.memory_space<hbm>>) target(%arg8 : memref<128xi32, #tpu.memory_space<vmem>>) target_semaphore(%arg16 : memref<!tpu.dma_semaphore, #tpu.memory_space<semaphore_mem>>)
      %dma_start3A_14 = tpu.memref_slice %arg4[%add3A_11] : memref<80000xi32, #tpu.memory_space<hbm>> -> memref<128xi32, #tpu.memory_space<hbm>>
      %dma_start3A_15 = tpu.memref_slice %arg4[%add3A_11] : memref<80000xi32, #tpu.memory_space<hbm>> -> memref<128xi32, #tpu.memory_space<hbm>>
      tpu.enqueue_dma source(%dma_start3A_15 : memref<128xi32, #tpu.memory_space<hbm>>) target(%arg10 : memref<128xi32, #tpu.memory_space<vmem>>) target_semaphore(%arg18 : memref<!tpu.dma_semaphore, #tpu.memory_space<semaphore_mem>>)
      %scan3A = arith.constant 0 : i32
      %scan3A_16 = arith.constant 0 : i32
      %scan3A_17 = arith.constant 12 : i32
      %scan3A_18 = arith.addi %scan3A_16, %scan3A_17 : i32
      %scan3A_19 = arith.constant 1 : i32
      scf.for %scan3A_70 = %scan3A_16 to %scan3A_18 step %scan3A_19  : i32 {
        %mul3A_71 = arith.constant 2 : i32
        %mul3A_72 = arith.muli %mul3A_71, %scan3A_70 : i32
        %mul3A_73 = arith.constant 128 : i32
        %mul3A_74 = arith.muli %mul3A_72, %mul3A_73 : i32
        %add3A_75 = arith.addi %mul3A_4, %mul3A_74 : i32
        %dma_wait3A_76 = tpu.memref_slice %arg3[%add3A_75] : memref<80000xi32, #tpu.memory_space<hbm>> -> memref<128xi32, #tpu.memory_space<hbm>>
        %dma_wait3A_77 = tpu.memref_slice %arg3[%add3A_75] : memref<80000xi32, #tpu.memory_space<hbm>> -> memref<128xi32, #tpu.memory_space<hbm>>
        tpu.wait_dma2 semaphore(%arg15 : memref<!tpu.dma_semaphore, #tpu.memory_space<semaphore_mem>>) src(%dma_wait3A_77 : memref<128xi32, #tpu.memory_space<hbm>>) dst(%arg7 : memref<128xi32, #tpu.memory_space<vmem>>)
        %dma_wait3A_78 = tpu.memref_slice %arg4[%add3A_75] : memref<80000xi32, #tpu.memory_space<hbm>> -> memref<128xi32, #tpu.memory_space<hbm>>
        %dma_wait3A_79 = tpu.memref_slice %arg4[%add3A_75] : memref<80000xi32, #tpu.memory_space<hbm>> -> memref<128xi32, #tpu.memory_space<hbm>>
        tpu.wait_dma2 semaphore(%arg17 : memref<!tpu.dma_semaphore, #tpu.memory_space<semaphore_mem>>) src(%dma_wait3A_79 : memref<128xi32, #tpu.memory_space<hbm>>) dst(%arg9 : memref<128xi32, #tpu.memory_space<vmem>>)
        %ge3A = arith.constant 2 : i32
        %ge3A_80 = arith.cmpi sge, %mul3A_72, %ge3A : i32
        %convert_element_type3A_81 = arith.extui %ge3A_80 : i1 to i32
        %cond3A_82 = arith.constant 0 : i32
        %cond3A_83 = arith.cmpi ne, %convert_element_type3A_81, %cond3A_82 : i32
        scf.if %cond3A_83 {
          %dma_wait3A_154 = arith.constant 0 : i32
          %dma_wait3A_155 = tpu.memref_slice %arg5[%add3A_75, %dma_wait3A_154] : memref<80000x128xf32, #tpu.memory_space<hbm>> -> memref<128x128xf32, #tpu.memory_space<hbm>>
          %dma_wait3A_156 = arith.constant 0 : i32
          %dma_wait3A_157 = tpu.memref_slice %arg5[%add3A_75, %dma_wait3A_156] : memref<80000x128xf32, #tpu.memory_space<hbm>> -> memref<128x128xf32, #tpu.memory_space<hbm>>
          tpu.wait_dma2 semaphore(%arg23 : memref<!tpu.dma_semaphore, #tpu.memory_space<semaphore_mem>>) src(%arg11 : memref<128x128xf32, #tpu.memory_space<vmem>>) dst(%dma_wait3A_157 : memref<128x128xf32, #tpu.memory_space<hbm>>)
          %dma_wait3A_158 = arith.constant 0 : i32
          %dma_wait3A_159 = tpu.memref_slice %arg6[%add3A_75, %dma_wait3A_158] : memref<80000x128xf32, #tpu.memory_space<hbm>> -> memref<128x128xf32, #tpu.memory_space<hbm>>
          %dma_wait3A_160 = arith.constant 0 : i32
          %dma_wait3A_161 = tpu.memref_slice %arg6[%add3A_75, %dma_wait3A_160] : memref<80000x128xf32, #tpu.memory_space<hbm>> -> memref<128x128xf32, #tpu.memory_space<hbm>>
          tpu.wait_dma2 semaphore(%arg25 : memref<!tpu.dma_semaphore, #tpu.memory_space<semaphore_mem>>) src(%arg13 : memref<128x128xf32, #tpu.memory_space<vmem>>) dst(%dma_wait3A_161 : memref<128x128xf32, #tpu.memory_space<hbm>>)
        } else {
        }
        %dma_start3A_84 = arith.constant 0 : i32
        %dma_start3A_85 = arith.constant 0 : i32
        %dma_start3A_86 = tpu.memref_slice %arg2[%dma_start3A_84, %dma_start3A_85] : memref<10000x128xf32, #tpu.memory_space<hbm>> -> memref<10000x128xf32, #tpu.memory_space<hbm>>
        tpu.enqueue_indirect_dma source(%dma_start3A_86 : memref<10000x128xf32, #tpu.memory_space<hbm>>) target(%arg11 : memref<128x128xf32, #tpu.memory_space<vmem>>) offsets(%arg7 : memref<128xi32, #tpu.memory_space<vmem>>) semaphore(%arg19 : memref<!tpu.dma_semaphore, #tpu.memory_space<semaphore_mem>>)
        %dma_start3A_87 = arith.constant 0 : i32
        %dma_start3A_88 = arith.constant 0 : i32
        %dma_start3A_89 = tpu.memref_slice %arg2[%dma_start3A_87, %dma_start3A_88] : memref<10000x128xf32, #tpu.memory_space<hbm>> -> memref<10000x128xf32, #tpu.memory_space<hbm>>
        tpu.enqueue_indirect_dma source(%dma_start3A_89 : memref<10000x128xf32, #tpu.memory_space<hbm>>) target(%arg13 : memref<128x128xf32, #tpu.memory_space<vmem>>) offsets(%arg9 : memref<128xi32, #tpu.memory_space<vmem>>) semaphore(%arg21 : memref<!tpu.dma_semaphore, #tpu.memory_space<semaphore_mem>>)
        %dma_wait3A_90 = arith.constant 0 : i32
        %dma_wait3A_91 = arith.constant 0 : i32
        %dma_wait3A_92 = tpu.memref_slice %arg2[%dma_wait3A_90, %dma_wait3A_91] : memref<10000x128xf32, #tpu.memory_space<hbm>> -> memref<10000x128xf32, #tpu.memory_space<hbm>>
        tpu.wait_indirect_dma semaphore(%arg19 : memref<!tpu.dma_semaphore, #tpu.memory_space<semaphore_mem>>) src(%dma_wait3A_92 : memref<10000x128xf32, #tpu.memory_space<hbm>>) dst(%arg11 : memref<128x128xf32, #tpu.memory_space<vmem>>)
        %dma_wait3A_93 = arith.constant 0 : i32
        %dma_wait3A_94 = arith.constant 0 : i32
        %dma_wait3A_95 = tpu.memref_slice %arg2[%dma_wait3A_93, %dma_wait3A_94] : memref<10000x128xf32, #tpu.memory_space<hbm>> -> memref<10000x128xf32, #tpu.memory_space<hbm>>
        tpu.wait_indirect_dma semaphore(%arg21 : memref<!tpu.dma_semaphore, #tpu.memory_space<semaphore_mem>>) src(%dma_wait3A_95 : memref<10000x128xf32, #tpu.memory_space<hbm>>) dst(%arg13 : memref<128x128xf32, #tpu.memory_space<vmem>>)
        %add3A_96 = arith.constant 2 : i32
        %add3A_97 = arith.addi %mul3A_72, %add3A_96 : i32
        %lt3A_98 = arith.constant 25 : i32
        %lt3A_99 = arith.cmpi slt, %add3A_97, %lt3A_98 : i32
        %convert_element_type3A_100 = arith.extui %lt3A_99 : i1 to i32
        %cond3A_101 = arith.constant 0 : i32
        %cond3A_102 = arith.cmpi ne, %convert_element_type3A_100, %cond3A_101 : i32
        scf.if %cond3A_102 {
          %add3A_154 = arith.constant 2 : i32
          %add3A_155 = arith.addi %mul3A_72, %add3A_154 : i32
          %mul3A_156 = arith.constant 128 : i32
          %mul3A_157 = arith.muli %add3A_155, %mul3A_156 : i32
          %add3A_158 = arith.addi %mul3A_4, %mul3A_157 : i32
          %dma_start3A_159 = tpu.memref_slice %arg3[%add3A_158] : memref<80000xi32, #tpu.memory_space<hbm>> -> memref<128xi32, #tpu.memory_space<hbm>>
          %dma_start3A_160 = tpu.memref_slice %arg3[%add3A_158] : memref<80000xi32, #tpu.memory_space<hbm>> -> memref<128xi32, #tpu.memory_space<hbm>>
          tpu.enqueue_dma source(%dma_start3A_160 : memref<128xi32, #tpu.memory_space<hbm>>) target(%arg7 : memref<128xi32, #tpu.memory_space<vmem>>) target_semaphore(%arg15 : memref<!tpu.dma_semaphore, #tpu.memory_space<semaphore_mem>>)
          %dma_start3A_161 = tpu.memref_slice %arg4[%add3A_158] : memref<80000xi32, #tpu.memory_space<hbm>> -> memref<128xi32, #tpu.memory_space<hbm>>
          %dma_start3A_162 = tpu.memref_slice %arg4[%add3A_158] : memref<80000xi32, #tpu.memory_space<hbm>> -> memref<128xi32, #tpu.memory_space<hbm>>
          tpu.enqueue_dma source(%dma_start3A_162 : memref<128xi32, #tpu.memory_space<hbm>>) target(%arg9 : memref<128xi32, #tpu.memory_space<vmem>>) target_semaphore(%arg17 : memref<!tpu.dma_semaphore, #tpu.memory_space<semaphore_mem>>)
        } else {
        }
        %dma_start3A_103 = arith.constant 0 : i32
        %dma_start3A_104 = tpu.memref_slice %arg5[%add3A_75, %dma_start3A_103] : memref<80000x128xf32, #tpu.memory_space<hbm>> -> memref<128x128xf32, #tpu.memory_space<hbm>>
        %dma_start3A_105 = arith.constant 0 : i32
        %dma_start3A_106 = tpu.memref_slice %arg5[%add3A_75, %dma_start3A_105] : memref<80000x128xf32, #tpu.memory_space<hbm>> -> memref<128x128xf32, #tpu.memory_space<hbm>>
        tpu.enqueue_dma source(%arg11 : memref<128x128xf32, #tpu.memory_space<vmem>>) target(%dma_start3A_106 : memref<128x128xf32, #tpu.memory_space<hbm>>) target_semaphore(%arg23 : memref<!tpu.dma_semaphore, #tpu.memory_space<semaphore_mem>>)
        %dma_start3A_107 = arith.constant 0 : i32
        %dma_start3A_108 = tpu.memref_slice %arg6[%add3A_75, %dma_start3A_107] : memref<80000x128xf32, #tpu.memory_space<hbm>> -> memref<128x128xf32, #tpu.memory_space<hbm>>
        %dma_start3A_109 = arith.constant 0 : i32
        %dma_start3A_110 = tpu.memref_slice %arg6[%add3A_75, %dma_start3A_109] : memref<80000x128xf32, #tpu.memory_space<hbm>> -> memref<128x128xf32, #tpu.memory_space<hbm>>
        tpu.enqueue_dma source(%arg13 : memref<128x128xf32, #tpu.memory_space<vmem>>) target(%dma_start3A_110 : memref<128x128xf32, #tpu.memory_space<hbm>>) target_semaphore(%arg25 : memref<!tpu.dma_semaphore, #tpu.memory_space<semaphore_mem>>)
        %mul3A_111 = arith.constant 2 : i32
        %mul3A_112 = arith.muli %mul3A_111, %scan3A_70 : i32
        %add3A_113 = arith.constant 1 : i32
        %add3A_114 = arith.addi %mul3A_112, %add3A_113 : i32
        %mul3A_115 = arith.constant 128 : i32
        %mul3A_116 = arith.muli %add3A_114, %mul3A_115 : i32
        %add3A_117 = arith.addi %mul3A_4, %mul3A_116 : i32
        %dma_wait3A_118 = tpu.memref_slice %arg3[%add3A_117] : memref<80000xi32, #tpu.memory_space<hbm>> -> memref<128xi32, #tpu.memory_space<hbm>>
        %dma_wait3A_119 = tpu.memref_slice %arg3[%add3A_117] : memref<80000xi32, #tpu.memory_space<hbm>> -> memref<128xi32, #tpu.memory_space<hbm>>
        tpu.wait_dma2 semaphore(%arg16 : memref<!tpu.dma_semaphore, #tpu.memory_space<semaphore_mem>>) src(%dma_wait3A_119 : memref<128xi32, #tpu.memory_space<hbm>>) dst(%arg8 : memref<128xi32, #tpu.memory_space<vmem>>)
        %dma_wait3A_120 = tpu.memref_slice %arg4[%add3A_117] : memref<80000xi32, #tpu.memory_space<hbm>> -> memref<128xi32, #tpu.memory_space<hbm>>
        %dma_wait3A_121 = tpu.memref_slice %arg4[%add3A_117] : memref<80000xi32, #tpu.memory_space<hbm>> -> memref<128xi32, #tpu.memory_space<hbm>>
        tpu.wait_dma2 semaphore(%arg18 : memref<!tpu.dma_semaphore, #tpu.memory_space<semaphore_mem>>) src(%dma_wait3A_121 : memref<128xi32, #tpu.memory_space<hbm>>) dst(%arg10 : memref<128xi32, #tpu.memory_space<vmem>>)
        %ge3A_122 = arith.constant 2 : i32
        %ge3A_123 = arith.cmpi sge, %add3A_114, %ge3A_122 : i32
        %convert_element_type3A_124 = arith.extui %ge3A_123 : i1 to i32
        %cond3A_125 = arith.constant 0 : i32
        %cond3A_126 = arith.cmpi ne, %convert_element_type3A_124, %cond3A_125 : i32
        scf.if %cond3A_126 {
          %dma_wait3A_154 = arith.constant 0 : i32
          %dma_wait3A_155 = tpu.memref_slice %arg5[%add3A_117, %dma_wait3A_154] : memref<80000x128xf32, #tpu.memory_space<hbm>> -> memref<128x128xf32, #tpu.memory_space<hbm>>
          %dma_wait3A_156 = arith.constant 0 : i32
          %dma_wait3A_157 = tpu.memref_slice %arg5[%add3A_117, %dma_wait3A_156] : memref<80000x128xf32, #tpu.memory_space<hbm>> -> memref<128x128xf32, #tpu.memory_space<hbm>>
          tpu.wait_dma2 semaphore(%arg24 : memref<!tpu.dma_semaphore, #tpu.memory_space<semaphore_mem>>) src(%arg12 : memref<128x128xf32, #tpu.memory_space<vmem>>) dst(%dma_wait3A_157 : memref<128x128xf32, #tpu.memory_space<hbm>>)
          %dma_wait3A_158 = arith.constant 0 : i32
          %dma_wait3A_159 = tpu.memref_slice %arg6[%add3A_117, %dma_wait3A_158] : memref<80000x128xf32, #tpu.memory_space<hbm>> -> memref<128x128xf32, #tpu.memory_space<hbm>>
          %dma_wait3A_160 = arith.constant 0 : i32
          %dma_wait3A_161 = tpu.memref_slice %arg6[%add3A_117, %dma_wait3A_160] : memref<80000x128xf32, #tpu.memory_space<hbm>> -> memref<128x128xf32, #tpu.memory_space<hbm>>
          tpu.wait_dma2 semaphore(%arg26 : memref<!tpu.dma_semaphore, #tpu.memory_space<semaphore_mem>>) src(%arg14 : memref<128x128xf32, #tpu.memory_space<vmem>>) dst(%dma_wait3A_161 : memref<128x128xf32, #tpu.memory_space<hbm>>)
        } else {
        }
        %dma_start3A_127 = arith.constant 0 : i32
        %dma_start3A_128 = arith.constant 0 : i32
        %dma_start3A_129 = tpu.memref_slice %arg2[%dma_start3A_127, %dma_start3A_128] : memref<10000x128xf32, #tpu.memory_space<hbm>> -> memref<10000x128xf32, #tpu.memory_space<hbm>>
        tpu.enqueue_indirect_dma source(%dma_start3A_129 : memref<10000x128xf32, #tpu.memory_space<hbm>>) target(%arg12 : memref<128x128xf32, #tpu.memory_space<vmem>>) offsets(%arg8 : memref<128xi32, #tpu.memory_space<vmem>>) semaphore(%arg20 : memref<!tpu.dma_semaphore, #tpu.memory_space<semaphore_mem>>)
        %dma_start3A_130 = arith.constant 0 : i32
        %dma_start3A_131 = arith.constant 0 : i32
        %dma_start3A_132 = tpu.memref_slice %arg2[%dma_start3A_130, %dma_start3A_131] : memref<10000x128xf32, #tpu.memory_space<hbm>> -> memref<10000x128xf32, #tpu.memory_space<hbm>>
        tpu.enqueue_indirect_dma source(%dma_start3A_132 : memref<10000x128xf32, #tpu.memory_space<hbm>>) target(%arg14 : memref<128x128xf32, #tpu.memory_space<vmem>>) offsets(%arg10 : memref<128xi32, #tpu.memory_space<vmem>>) semaphore(%arg22 : memref<!tpu.dma_semaphore, #tpu.memory_space<semaphore_mem>>)
        %dma_wait3A_133 = arith.constant 0 : i32
        %dma_wait3A_134 = arith.constant 0 : i32
        %dma_wait3A_135 = tpu.memref_slice %arg2[%dma_wait3A_133, %dma_wait3A_134] : memref<10000x128xf32, #tpu.memory_space<hbm>> -> memref<10000x128xf32, #tpu.memory_space<hbm>>
        tpu.wait_indirect_dma semaphore(%arg20 : memref<!tpu.dma_semaphore, #tpu.memory_space<semaphore_mem>>) src(%dma_wait3A_135 : memref<10000x128xf32, #tpu.memory_space<hbm>>) dst(%arg12 : memref<128x128xf32, #tpu.memory_space<vmem>>)
        %dma_wait3A_136 = arith.constant 0 : i32
        %dma_wait3A_137 = arith.constant 0 : i32
        %dma_wait3A_138 = tpu.memref_slice %arg2[%dma_wait3A_136, %dma_wait3A_137] : memref<10000x128xf32, #tpu.memory_space<hbm>> -> memref<10000x128xf32, #tpu.memory_space<hbm>>
        tpu.wait_indirect_dma semaphore(%arg22 : memref<!tpu.dma_semaphore, #tpu.memory_space<semaphore_mem>>) src(%dma_wait3A_138 : memref<10000x128xf32, #tpu.memory_space<hbm>>) dst(%arg14 : memref<128x128xf32, #tpu.memory_space<vmem>>)
        %add3A_139 = arith.constant 2 : i32
        %add3A_140 = arith.addi %add3A_114, %add3A_139 : i32
        %lt3A_141 = arith.constant 25 : i32
        %lt3A_142 = arith.cmpi slt, %add3A_140, %lt3A_141 : i32
        %convert_element_type3A_143 = arith.extui %lt3A_142 : i1 to i32
        %cond3A_144 = arith.constant 0 : i32
        %cond3A_145 = arith.cmpi ne, %convert_element_type3A_143, %cond3A_144 : i32
        scf.if %cond3A_145 {
          %add3A_154 = arith.constant 2 : i32
          %add3A_155 = arith.addi %add3A_114, %add3A_154 : i32
          %mul3A_156 = arith.constant 128 : i32
          %mul3A_157 = arith.muli %add3A_155, %mul3A_156 : i32
          %add3A_158 = arith.addi %mul3A_4, %mul3A_157 : i32
          %dma_start3A_159 = tpu.memref_slice %arg3[%add3A_158] : memref<80000xi32, #tpu.memory_space<hbm>> -> memref<128xi32, #tpu.memory_space<hbm>>
          %dma_start3A_160 = tpu.memref_slice %arg3[%add3A_158] : memref<80000xi32, #tpu.memory_space<hbm>> -> memref<128xi32, #tpu.memory_space<hbm>>
          tpu.enqueue_dma source(%dma_start3A_160 : memref<128xi32, #tpu.memory_space<hbm>>) target(%arg8 : memref<128xi32, #tpu.memory_space<vmem>>) target_semaphore(%arg16 : memref<!tpu.dma_semaphore, #tpu.memory_space<semaphore_mem>>)
          %dma_start3A_161 = tpu.memref_slice %arg4[%add3A_158] : memref<80000xi32, #tpu.memory_space<hbm>> -> memref<128xi32, #tpu.memory_space<hbm>>
          %dma_start3A_162 = tpu.memref_slice %arg4[%add3A_158] : memref<80000xi32, #tpu.memory_space<hbm>> -> memref<128xi32, #tpu.memory_space<hbm>>
          tpu.enqueue_dma source(%dma_start3A_162 : memref<128xi32, #tpu.memory_space<hbm>>) target(%arg10 : memref<128xi32, #tpu.memory_space<vmem>>) target_semaphore(%arg18 : memref<!tpu.dma_semaphore, #tpu.memory_space<semaphore_mem>>)
        } else {
        }
        %dma_start3A_146 = arith.constant 0 : i32
        %dma_start3A_147 = tpu.memref_slice %arg5[%add3A_117, %dma_start3A_146] : memref<80000x128xf32, #tpu.memory_space<hbm>> -> memref<128x128xf32, #tpu.memory_space<hbm>>
        %dma_start3A_148 = arith.constant 0 : i32
        %dma_start3A_149 = tpu.memref_slice %arg5[%add3A_117, %dma_start3A_148] : memref<80000x128xf32, #tpu.memory_space<hbm>> -> memref<128x128xf32, #tpu.memory_space<hbm>>
        tpu.enqueue_dma source(%arg12 : memref<128x128xf32, #tpu.memory_space<vmem>>) target(%dma_start3A_149 : memref<128x128xf32, #tpu.memory_space<hbm>>) target_semaphore(%arg24 : memref<!tpu.dma_semaphore, #tpu.memory_space<semaphore_mem>>)
        %dma_start3A_150 = arith.constant 0 : i32
        %dma_start3A_151 = tpu.memref_slice %arg6[%add3A_117, %dma_start3A_150] : memref<80000x128xf32, #tpu.memory_space<hbm>> -> memref<128x128xf32, #tpu.memory_space<hbm>>
        %dma_start3A_152 = arith.constant 0 : i32
        %dma_start3A_153 = tpu.memref_slice %arg6[%add3A_117, %dma_start3A_152] : memref<80000x128xf32, #tpu.memory_space<hbm>> -> memref<128x128xf32, #tpu.memory_space<hbm>>
        tpu.enqueue_dma source(%arg14 : memref<128x128xf32, #tpu.memory_space<vmem>>) target(%dma_start3A_153 : memref<128x128xf32, #tpu.memory_space<hbm>>) target_semaphore(%arg26 : memref<!tpu.dma_semaphore, #tpu.memory_space<semaphore_mem>>)
      }
      %scan3A_20 = arith.constant 12 : i32
      %add3A_21 = arith.constant 3072 : i32
      %add3A_22 = arith.addi %mul3A_4, %add3A_21 : i32
      %dma_wait3A = tpu.memref_slice %arg3[%add3A_22] : memref<80000xi32, #tpu.memory_space<hbm>> -> memref<128xi32, #tpu.memory_space<hbm>>
      %dma_wait3A_23 = tpu.memref_slice %arg3[%add3A_22] : memref<80000xi32, #tpu.memory_space<hbm>> -> memref<128xi32, #tpu.memory_space<hbm>>
      tpu.wait_dma2 semaphore(%arg15 : memref<!tpu.dma_semaphore, #tpu.memory_space<semaphore_mem>>) src(%dma_wait3A_23 : memref<128xi32, #tpu.memory_space<hbm>>) dst(%arg7 : memref<128xi32, #tpu.memory_space<vmem>>)
      %dma_wait3A_24 = tpu.memref_slice %arg4[%add3A_22] : memref<80000xi32, #tpu.memory_space<hbm>> -> memref<128xi32, #tpu.memory_space<hbm>>
      %dma_wait3A_25 = tpu.memref_slice %arg4[%add3A_22] : memref<80000xi32, #tpu.memory_space<hbm>> -> memref<128xi32, #tpu.memory_space<hbm>>
      tpu.wait_dma2 semaphore(%arg17 : memref<!tpu.dma_semaphore, #tpu.memory_space<semaphore_mem>>) src(%dma_wait3A_25 : memref<128xi32, #tpu.memory_space<hbm>>) dst(%arg9 : memref<128xi32, #tpu.memory_space<vmem>>)
      %dma_wait3A_26 = arith.constant 0 : i32
      %dma_wait3A_27 = tpu.memref_slice %arg5[%add3A_22, %dma_wait3A_26] : memref<80000x128xf32, #tpu.memory_space<hbm>> -> memref<128x128xf32, #tpu.memory_space<hbm>>
      %dma_wait3A_28 = arith.constant 0 : i32
      %dma_wait3A_29 = tpu.memref_slice %arg5[%add3A_22, %dma_wait3A_28] : memref<80000x128xf32, #tpu.memory_space<hbm>> -> memref<128x128xf32, #tpu.memory_space<hbm>>
      tpu.wait_dma2 semaphore(%arg23 : memref<!tpu.dma_semaphore, #tpu.memory_space<semaphore_mem>>) src(%arg11 : memref<128x128xf32, #tpu.memory_space<vmem>>) dst(%dma_wait3A_29 : memref<128x128xf32, #tpu.memory_space<hbm>>)
      %dma_wait3A_30 = arith.constant 0 : i32
      %dma_wait3A_31 = tpu.memref_slice %arg6[%add3A_22, %dma_wait3A_30] : memref<80000x128xf32, #tpu.memory_space<hbm>> -> memref<128x128xf32, #tpu.memory_space<hbm>>
      %dma_wait3A_32 = arith.constant 0 : i32
      %dma_wait3A_33 = tpu.memref_slice %arg6[%add3A_22, %dma_wait3A_32] : memref<80000x128xf32, #tpu.memory_space<hbm>> -> memref<128x128xf32, #tpu.memory_space<hbm>>
      tpu.wait_dma2 semaphore(%arg25 : memref<!tpu.dma_semaphore, #tpu.memory_space<semaphore_mem>>) src(%arg13 : memref<128x128xf32, #tpu.memory_space<vmem>>) dst(%dma_wait3A_33 : memref<128x128xf32, #tpu.memory_space<hbm>>)
      %dma_start3A_34 = arith.constant 0 : i32
      %dma_start3A_35 = arith.constant 0 : i32
      %dma_start3A_36 = tpu.memref_slice %arg2[%dma_start3A_34, %dma_start3A_35] : memref<10000x128xf32, #tpu.memory_space<hbm>> -> memref<10000x128xf32, #tpu.memory_space<hbm>>
      tpu.enqueue_indirect_dma source(%dma_start3A_36 : memref<10000x128xf32, #tpu.memory_space<hbm>>) target(%arg11 : memref<128x128xf32, #tpu.memory_space<vmem>>) offsets(%arg7 : memref<128xi32, #tpu.memory_space<vmem>>) semaphore(%arg19 : memref<!tpu.dma_semaphore, #tpu.memory_space<semaphore_mem>>)
      %dma_start3A_37 = arith.constant 0 : i32
      %dma_start3A_38 = arith.constant 0 : i32
      %dma_start3A_39 = tpu.memref_slice %arg2[%dma_start3A_37, %dma_start3A_38] : memref<10000x128xf32, #tpu.memory_space<hbm>> -> memref<10000x128xf32, #tpu.memory_space<hbm>>
      tpu.enqueue_indirect_dma source(%dma_start3A_39 : memref<10000x128xf32, #tpu.memory_space<hbm>>) target(%arg13 : memref<128x128xf32, #tpu.memory_space<vmem>>) offsets(%arg9 : memref<128xi32, #tpu.memory_space<vmem>>) semaphore(%arg21 : memref<!tpu.dma_semaphore, #tpu.memory_space<semaphore_mem>>)
      %dma_wait3A_40 = arith.constant 0 : i32
      %dma_wait3A_41 = arith.constant 0 : i32
      %dma_wait3A_42 = tpu.memref_slice %arg2[%dma_wait3A_40, %dma_wait3A_41] : memref<10000x128xf32, #tpu.memory_space<hbm>> -> memref<10000x128xf32, #tpu.memory_space<hbm>>
      tpu.wait_indirect_dma semaphore(%arg19 : memref<!tpu.dma_semaphore, #tpu.memory_space<semaphore_mem>>) src(%dma_wait3A_42 : memref<10000x128xf32, #tpu.memory_space<hbm>>) dst(%arg11 : memref<128x128xf32, #tpu.memory_space<vmem>>)
      %dma_wait3A_43 = arith.constant 0 : i32
      %dma_wait3A_44 = arith.constant 0 : i32
      %dma_wait3A_45 = tpu.memref_slice %arg2[%dma_wait3A_43, %dma_wait3A_44] : memref<10000x128xf32, #tpu.memory_space<hbm>> -> memref<10000x128xf32, #tpu.memory_space<hbm>>
      tpu.wait_indirect_dma semaphore(%arg21 : memref<!tpu.dma_semaphore, #tpu.memory_space<semaphore_mem>>) src(%dma_wait3A_45 : memref<10000x128xf32, #tpu.memory_space<hbm>>) dst(%arg13 : memref<128x128xf32, #tpu.memory_space<vmem>>)
      %dma_start3A_46 = arith.constant 0 : i32
      %dma_start3A_47 = tpu.memref_slice %arg5[%add3A_22, %dma_start3A_46] : memref<80000x128xf32, #tpu.memory_space<hbm>> -> memref<128x128xf32, #tpu.memory_space<hbm>>
      %dma_start3A_48 = arith.constant 0 : i32
      %dma_start3A_49 = tpu.memref_slice %arg5[%add3A_22, %dma_start3A_48] : memref<80000x128xf32, #tpu.memory_space<hbm>> -> memref<128x128xf32, #tpu.memory_space<hbm>>
      tpu.enqueue_dma source(%arg11 : memref<128x128xf32, #tpu.memory_space<vmem>>) target(%dma_start3A_49 : memref<128x128xf32, #tpu.memory_space<hbm>>) target_semaphore(%arg23 : memref<!tpu.dma_semaphore, #tpu.memory_space<semaphore_mem>>)
      %dma_start3A_50 = arith.constant 0 : i32
      %dma_start3A_51 = tpu.memref_slice %arg6[%add3A_22, %dma_start3A_50] : memref<80000x128xf32, #tpu.memory_space<hbm>> -> memref<128x128xf32, #tpu.memory_space<hbm>>
      %dma_start3A_52 = arith.constant 0 : i32
      %dma_start3A_53 = tpu.memref_slice %arg6[%add3A_22, %dma_start3A_52] : memref<80000x128xf32, #tpu.memory_space<hbm>> -> memref<128x128xf32, #tpu.memory_space<hbm>>
      tpu.enqueue_dma source(%arg13 : memref<128x128xf32, #tpu.memory_space<vmem>>) target(%dma_start3A_53 : memref<128x128xf32, #tpu.memory_space<hbm>>) target_semaphore(%arg25 : memref<!tpu.dma_semaphore, #tpu.memory_space<semaphore_mem>>)
      %dma_wait3A_54 = arith.constant 0 : i32
      %dma_wait3A_55 = tpu.memref_slice %arg5[%mul3A_4, %dma_wait3A_54] : memref<80000x128xf32, #tpu.memory_space<hbm>> -> memref<128x128xf32, #tpu.memory_space<hbm>>
      %dma_wait3A_56 = arith.constant 0 : i32
      %dma_wait3A_57 = tpu.memref_slice %arg5[%mul3A_4, %dma_wait3A_56] : memref<80000x128xf32, #tpu.memory_space<hbm>> -> memref<128x128xf32, #tpu.memory_space<hbm>>
      tpu.wait_dma2 semaphore(%arg23 : memref<!tpu.dma_semaphore, #tpu.memory_space<semaphore_mem>>) src(%arg11 : memref<128x128xf32, #tpu.memory_space<vmem>>) dst(%dma_wait3A_57 : memref<128x128xf32, #tpu.memory_space<hbm>>)
      %dma_wait3A_58 = arith.constant 0 : i32
      %dma_wait3A_59 = tpu.memref_slice %arg6[%mul3A_4, %dma_wait3A_58] : memref<80000x128xf32, #tpu.memory_space<hbm>> -> memref<128x128xf32, #tpu.memory_space<hbm>>
      %dma_wait3A_60 = arith.constant 0 : i32
      %dma_wait3A_61 = tpu.memref_slice %arg6[%mul3A_4, %dma_wait3A_60] : memref<80000x128xf32, #tpu.memory_space<hbm>> -> memref<128x128xf32, #tpu.memory_space<hbm>>
      tpu.wait_dma2 semaphore(%arg25 : memref<!tpu.dma_semaphore, #tpu.memory_space<semaphore_mem>>) src(%arg13 : memref<128x128xf32, #tpu.memory_space<vmem>>) dst(%dma_wait3A_61 : memref<128x128xf32, #tpu.memory_space<hbm>>)
      %dma_wait3A_62 = arith.constant 0 : i32
      %dma_wait3A_63 = tpu.memref_slice %arg5[%mul3A_4, %dma_wait3A_62] : memref<80000x128xf32, #tpu.memory_space<hbm>> -> memref<128x128xf32, #tpu.memory_space<hbm>>
      %dma_wait3A_64 = arith.constant 0 : i32
      %dma_wait3A_65 = tpu.memref_slice %arg5[%mul3A_4, %dma_wait3A_64] : memref<80000x128xf32, #tpu.memory_space<hbm>> -> memref<128x128xf32, #tpu.memory_space<hbm>>
      tpu.wait_dma2 semaphore(%arg24 : memref<!tpu.dma_semaphore, #tpu.memory_space<semaphore_mem>>) src(%arg12 : memref<128x128xf32, #tpu.memory_space<vmem>>) dst(%dma_wait3A_65 : memref<128x128xf32, #tpu.memory_space<hbm>>)
      %dma_wait3A_66 = arith.constant 0 : i32
      %dma_wait3A_67 = tpu.memref_slice %arg6[%mul3A_4, %dma_wait3A_66] : memref<80000x128xf32, #tpu.memory_space<hbm>> -> memref<128x128xf32, #tpu.memory_space<hbm>>
      %dma_wait3A_68 = arith.constant 0 : i32
      %dma_wait3A_69 = tpu.memref_slice %arg6[%mul3A_4, %dma_wait3A_68] : memref<80000x128xf32, #tpu.memory_space<hbm>> -> memref<128x128xf32, #tpu.memory_space<hbm>>
      tpu.wait_dma2 semaphore(%arg26 : memref<!tpu.dma_semaphore, #tpu.memory_space<semaphore_mem>>) src(%arg14 : memref<128x128xf32, #tpu.memory_space<vmem>>) dst(%dma_wait3A_69 : memref<128x128xf32, #tpu.memory_space<hbm>>)
    } else {
    }
    return
  }
}

#map = affine_map<(d0, d1) -> (0, 0)>
#map1 = affine_map<(d0, d1) -> (0)>
#map2 = affine_map<(d0, d1) -> (0, 0, 0)>
module attributes {stable_mosaic.version = 14 : i64} {
  func.func @scatter_kernel(%arg0: i32, %arg1: i32, %arg2: memref<80000x128xf32, #tpu.memory_space<hbm>>, %arg3: memref<80000xi32, #tpu.memory_space<hbm>>, %arg4: memref<400x128xf32, #tpu.memory_space<hbm>>, %arg5: memref<2x10000x128xf32, #tpu.memory_space<hbm>>, %arg6: memref<128xi32, #tpu.memory_space<vmem>>, %arg7: memref<128xi32, #tpu.memory_space<vmem>>, %arg8: memref<128x128xf32, #tpu.memory_space<vmem>>, %arg9: memref<128x128xf32, #tpu.memory_space<vmem>>, %arg10: memref<10000x128xf32, #tpu.memory_space<vmem_shared>>, %arg11: memref<1xi32, #tpu.memory_space<smem>>, %arg12: memref<!tpu.dma_semaphore, #tpu.memory_space<semaphore_mem>>, %arg13: memref<!tpu.dma_semaphore, #tpu.memory_space<semaphore_mem>>, %arg14: memref<!tpu.dma_semaphore, #tpu.memory_space<semaphore_mem>>, %arg15: memref<!tpu.dma_semaphore, #tpu.memory_space<semaphore_mem>>, %arg16: memref<!tpu.dma_semaphore, #tpu.memory_space<semaphore_mem>>, %arg17: memref<!tpu.dma_semaphore, #tpu.memory_space<semaphore_mem>>) attributes {dimension_semantics = [#tpu.dimension_semantics<core_parallel>, #tpu.dimension_semantics<subcore_parallel>], iteration_bounds = array<i64: 2, 16>, scalar_prefetch = 0 : i64, scratch_operands = 12 : i64, tpu.core_type = #tpu.core_type<sc_vector_subcore>, window_params = [{transform_indices = #map}, {transform_indices = #map1}, {transform_indices = #map}, {transform_indices = #map2}]} {
    %mul3A = arith.constant 2 : i32
    %mul3A_0 = arith.muli %arg1, %mul3A : i32
    %add3A = arith.addi %mul3A_0, %arg0 : i32
    %add3A_1 = arith.constant 0 : i32
    %add3A_2 = arith.addi %arg1, %add3A_1 : i32
    %lt3A = arith.constant 25 : i32
    %lt3A_3 = arith.cmpi slt, %add3A_2, %lt3A : i32
    %convert_element_type3A = arith.extui %lt3A_3 : i1 to i32
    %cond3A = arith.constant 0 : i32
    %cond3A_4 = arith.cmpi ne, %convert_element_type3A, %cond3A : i32
    scf.if %cond3A_4 {
      %mul3A_53 = arith.constant 400 : i32
      %mul3A_54 = arith.muli %add3A_2, %mul3A_53 : i32
      "tpu.region"() ({
        %run_scoped3A = tpu.sem_alloc : memref<!tpu.dma_semaphore, #tpu.memory_space<semaphore_mem>>
        %dma_start3A = arith.constant 0 : i32
        %dma_start3A_55 = tpu.memref_slice %arg10[%mul3A_54, %dma_start3A] : memref<10000x128xf32, #tpu.memory_space<vmem_shared>> -> memref<400x128xf32, #tpu.memory_space<vmem_shared>>
        tpu.enqueue_dma source(%arg4 : memref<400x128xf32, #tpu.memory_space<hbm>>) target(%dma_start3A_55 : memref<400x128xf32, #tpu.memory_space<vmem_shared>>) target_semaphore(%run_scoped3A : memref<!tpu.dma_semaphore, #tpu.memory_space<semaphore_mem>>)
        %dma_wait3A = arith.constant 0 : i32
        %dma_wait3A_56 = tpu.memref_slice %arg10[%mul3A_54, %dma_wait3A] : memref<10000x128xf32, #tpu.memory_space<vmem_shared>> -> memref<400x128xf32, #tpu.memory_space<vmem_shared>>
        tpu.wait_dma2 semaphore(%run_scoped3A : memref<!tpu.dma_semaphore, #tpu.memory_space<semaphore_mem>>) src(%arg4 : memref<400x128xf32, #tpu.memory_space<hbm>>) dst(%dma_wait3A_56 : memref<400x128xf32, #tpu.memory_space<vmem_shared>>)
        tpu.yield
      }) : () -> ()
    } else {
    }
    %add3A_5 = arith.constant 16 : i32
    %add3A_6 = arith.addi %arg1, %add3A_5 : i32
    %lt3A_7 = arith.constant 25 : i32
    %lt3A_8 = arith.cmpi slt, %add3A_6, %lt3A_7 : i32
    %convert_element_type3A_9 = arith.extui %lt3A_8 : i1 to i32
    %cond3A_10 = arith.constant 0 : i32
    %cond3A_11 = arith.cmpi ne, %convert_element_type3A_9, %cond3A_10 : i32
    scf.if %cond3A_11 {
      %mul3A_53 = arith.constant 400 : i32
      %mul3A_54 = arith.muli %add3A_6, %mul3A_53 : i32
      "tpu.region"() ({
        %run_scoped3A = tpu.sem_alloc : memref<!tpu.dma_semaphore, #tpu.memory_space<semaphore_mem>>
        %dma_start3A = arith.constant 0 : i32
        %dma_start3A_55 = tpu.memref_slice %arg10[%mul3A_54, %dma_start3A] : memref<10000x128xf32, #tpu.memory_space<vmem_shared>> -> memref<400x128xf32, #tpu.memory_space<vmem_shared>>
        tpu.enqueue_dma source(%arg4 : memref<400x128xf32, #tpu.memory_space<hbm>>) target(%dma_start3A_55 : memref<400x128xf32, #tpu.memory_space<vmem_shared>>) target_semaphore(%run_scoped3A : memref<!tpu.dma_semaphore, #tpu.memory_space<semaphore_mem>>)
        %dma_wait3A = arith.constant 0 : i32
        %dma_wait3A_56 = tpu.memref_slice %arg10[%mul3A_54, %dma_wait3A] : memref<10000x128xf32, #tpu.memory_space<vmem_shared>> -> memref<400x128xf32, #tpu.memory_space<vmem_shared>>
        tpu.wait_dma2 semaphore(%run_scoped3A : memref<!tpu.dma_semaphore, #tpu.memory_space<semaphore_mem>>) src(%arg4 : memref<400x128xf32, #tpu.memory_space<hbm>>) dst(%dma_wait3A_56 : memref<400x128xf32, #tpu.memory_space<vmem_shared>>)
        tpu.yield
      }) : () -> ()
    } else {
    }
    %get3A = arith.constant 0 : i32
    %get3A_12 = arith.index_cast %get3A : i32 to index
    %get3A_13 = memref.load %arg11[%get3A_12] : memref<1xi32, #tpu.memory_space<smem>>
    %scan3A = arith.constant 0 : i32
    %scan3A_14 = arith.constant 4096 : i32
    %scan3A_15 = arith.addi %scan3A, %scan3A_14 : i32
    %scan3A_16 = arith.constant 1 : i32
    %scan3A_17 = scf.for %scan3A_53 = %scan3A to %scan3A_15 step %scan3A_16 iter_args(%scan3A_54 = %get3A_13) -> (i32)  : i32 {
      %add3A_55 = arith.constant 1 : i32
      %add3A_56 = arith.addi %scan3A_54, %add3A_55 : i32
      scf.yield %add3A_56 : i32
    }
    %scan3A_18 = arith.constant 4096 : i32
    %swap3A = arith.constant 0 : i32
    %swap3A_19 = arith.index_cast %swap3A : i32 to index
    %swap3A_20 = memref.load %arg11[%swap3A_19] : memref<1xi32, #tpu.memory_space<smem>>
    memref.store %scan3A_17, %arg11[%swap3A_19] : memref<1xi32, #tpu.memory_space<smem>>
    %barrier3A = arith.constant 0 : index
    tpu.barrier barrier_id(%barrier3A)
    %lt3A_21 = arith.constant 25 : i32
    %lt3A_22 = arith.cmpi slt, %add3A, %lt3A_21 : i32
    %convert_element_type3A_23 = arith.extui %lt3A_22 : i1 to i32
    %cond3A_24 = arith.constant 0 : i32
    %cond3A_25 = arith.cmpi ne, %convert_element_type3A_23, %cond3A_24 : i32
    scf.if %cond3A_25 {
      %mul3A_53 = arith.constant 3200 : i32
      %mul3A_54 = arith.muli %add3A, %mul3A_53 : i32
      %add3A_55 = arith.constant 0 : i32
      %add3A_56 = arith.addi %mul3A_54, %add3A_55 : i32
      %dma_start3A = tpu.memref_slice %arg3[%add3A_56] : memref<80000xi32, #tpu.memory_space<hbm>> -> memref<128xi32, #tpu.memory_space<hbm>>
      %dma_start3A_57 = tpu.memref_slice %arg3[%add3A_56] : memref<80000xi32, #tpu.memory_space<hbm>> -> memref<128xi32, #tpu.memory_space<hbm>>
      tpu.enqueue_dma source(%dma_start3A_57 : memref<128xi32, #tpu.memory_space<hbm>>) target(%arg6 : memref<128xi32, #tpu.memory_space<vmem>>) target_semaphore(%arg12 : memref<!tpu.dma_semaphore, #tpu.memory_space<semaphore_mem>>)
      %dma_start3A_58 = arith.constant 0 : i32
      %dma_start3A_59 = tpu.memref_slice %arg2[%add3A_56, %dma_start3A_58] : memref<80000x128xf32, #tpu.memory_space<hbm>> -> memref<128x128xf32, #tpu.memory_space<hbm>>
      %dma_start3A_60 = arith.constant 0 : i32
      %dma_start3A_61 = tpu.memref_slice %arg2[%add3A_56, %dma_start3A_60] : memref<80000x128xf32, #tpu.memory_space<hbm>> -> memref<128x128xf32, #tpu.memory_space<hbm>>
      tpu.enqueue_dma source(%dma_start3A_61 : memref<128x128xf32, #tpu.memory_space<hbm>>) target(%arg8 : memref<128x128xf32, #tpu.memory_space<vmem>>) target_semaphore(%arg14 : memref<!tpu.dma_semaphore, #tpu.memory_space<semaphore_mem>>)
      %add3A_62 = arith.constant 128 : i32
      %add3A_63 = arith.addi %mul3A_54, %add3A_62 : i32
      %dma_start3A_64 = tpu.memref_slice %arg3[%add3A_63] : memref<80000xi32, #tpu.memory_space<hbm>> -> memref<128xi32, #tpu.memory_space<hbm>>
      %dma_start3A_65 = tpu.memref_slice %arg3[%add3A_63] : memref<80000xi32, #tpu.memory_space<hbm>> -> memref<128xi32, #tpu.memory_space<hbm>>
      tpu.enqueue_dma source(%dma_start3A_65 : memref<128xi32, #tpu.memory_space<hbm>>) target(%arg7 : memref<128xi32, #tpu.memory_space<vmem>>) target_semaphore(%arg13 : memref<!tpu.dma_semaphore, #tpu.memory_space<semaphore_mem>>)
      %dma_start3A_66 = arith.constant 0 : i32
      %dma_start3A_67 = tpu.memref_slice %arg2[%add3A_63, %dma_start3A_66] : memref<80000x128xf32, #tpu.memory_space<hbm>> -> memref<128x128xf32, #tpu.memory_space<hbm>>
      %dma_start3A_68 = arith.constant 0 : i32
      %dma_start3A_69 = tpu.memref_slice %arg2[%add3A_63, %dma_start3A_68] : memref<80000x128xf32, #tpu.memory_space<hbm>> -> memref<128x128xf32, #tpu.memory_space<hbm>>
      tpu.enqueue_dma source(%dma_start3A_69 : memref<128x128xf32, #tpu.memory_space<hbm>>) target(%arg9 : memref<128x128xf32, #tpu.memory_space<vmem>>) target_semaphore(%arg15 : memref<!tpu.dma_semaphore, #tpu.memory_space<semaphore_mem>>)
      %scan3A_70 = arith.constant 0 : i32
      %scan3A_71 = arith.constant 0 : i32
      %scan3A_72 = arith.constant 12 : i32
      %scan3A_73 = arith.addi %scan3A_71, %scan3A_72 : i32
      %scan3A_74 = arith.constant 1 : i32
      scf.for %scan3A_89 = %scan3A_71 to %scan3A_73 step %scan3A_74  : i32 {
        %mul3A_90 = arith.constant 2 : i32
        %mul3A_91 = arith.muli %mul3A_90, %scan3A_89 : i32
        %mul3A_92 = arith.constant 128 : i32
        %mul3A_93 = arith.muli %mul3A_91, %mul3A_92 : i32
        %add3A_94 = arith.addi %mul3A_54, %mul3A_93 : i32
        %dma_wait3A_95 = tpu.memref_slice %arg3[%add3A_94] : memref<80000xi32, #tpu.memory_space<hbm>> -> memref<128xi32, #tpu.memory_space<hbm>>
        %dma_wait3A_96 = tpu.memref_slice %arg3[%add3A_94] : memref<80000xi32, #tpu.memory_space<hbm>> -> memref<128xi32, #tpu.memory_space<hbm>>
        tpu.wait_dma2 semaphore(%arg12 : memref<!tpu.dma_semaphore, #tpu.memory_space<semaphore_mem>>) src(%dma_wait3A_96 : memref<128xi32, #tpu.memory_space<hbm>>) dst(%arg6 : memref<128xi32, #tpu.memory_space<vmem>>)
        %dma_wait3A_97 = arith.constant 0 : i32
        %dma_wait3A_98 = tpu.memref_slice %arg2[%add3A_94, %dma_wait3A_97] : memref<80000x128xf32, #tpu.memory_space<hbm>> -> memref<128x128xf32, #tpu.memory_space<hbm>>
        %dma_wait3A_99 = arith.constant 0 : i32
        %dma_wait3A_100 = tpu.memref_slice %arg2[%add3A_94, %dma_wait3A_99] : memref<80000x128xf32, #tpu.memory_space<hbm>> -> memref<128x128xf32, #tpu.memory_space<hbm>>
        tpu.wait_dma2 semaphore(%arg14 : memref<!tpu.dma_semaphore, #tpu.memory_space<semaphore_mem>>) src(%dma_wait3A_100 : memref<128x128xf32, #tpu.memory_space<hbm>>) dst(%arg8 : memref<128x128xf32, #tpu.memory_space<vmem>>)
        %dma_start3A_101 = arith.constant 0 : i32
        %dma_start3A_102 = arith.constant 0 : i32
        %dma_start3A_103 = tpu.memref_slice %arg10[%dma_start3A_101, %dma_start3A_102] : memref<10000x128xf32, #tpu.memory_space<vmem_shared>> -> memref<10000x128xf32, #tpu.memory_space<vmem_shared>>
        tpu.enqueue_indirect_dma source(%arg8 : memref<128x128xf32, #tpu.memory_space<vmem>>) target(%dma_start3A_103 : memref<10000x128xf32, #tpu.memory_space<vmem_shared>>) offsets(%arg6 : memref<128xi32, #tpu.memory_space<vmem>>) semaphore(%arg16 : memref<!tpu.dma_semaphore, #tpu.memory_space<semaphore_mem>>) {add = true}
        %dma_wait3A_104 = arith.constant 0 : i32
        %dma_wait3A_105 = arith.constant 0 : i32
        %dma_wait3A_106 = tpu.memref_slice %arg10[%dma_wait3A_104, %dma_wait3A_105] : memref<10000x128xf32, #tpu.memory_space<vmem_shared>> -> memref<10000x128xf32, #tpu.memory_space<vmem_shared>>
        tpu.wait_indirect_dma semaphore(%arg16 : memref<!tpu.dma_semaphore, #tpu.memory_space<semaphore_mem>>) src(%arg8 : memref<128x128xf32, #tpu.memory_space<vmem>>) dst(%dma_wait3A_106 : memref<10000x128xf32, #tpu.memory_space<vmem_shared>>)
        %add3A_107 = arith.constant 2 : i32
        %add3A_108 = arith.addi %mul3A_91, %add3A_107 : i32
        %lt3A_109 = arith.constant 25 : i32
        %lt3A_110 = arith.cmpi slt, %add3A_108, %lt3A_109 : i32
        %convert_element_type3A_111 = arith.extui %lt3A_110 : i1 to i32
        %cond3A_112 = arith.constant 0 : i32
        %cond3A_113 = arith.cmpi ne, %convert_element_type3A_111, %cond3A_112 : i32
        scf.if %cond3A_113 {
          %add3A_140 = arith.constant 2 : i32
          %add3A_141 = arith.addi %mul3A_91, %add3A_140 : i32
          %mul3A_142 = arith.constant 128 : i32
          %mul3A_143 = arith.muli %add3A_141, %mul3A_142 : i32
          %add3A_144 = arith.addi %mul3A_54, %mul3A_143 : i32
          %dma_start3A_145 = tpu.memref_slice %arg3[%add3A_144] : memref<80000xi32, #tpu.memory_space<hbm>> -> memref<128xi32, #tpu.memory_space<hbm>>
          %dma_start3A_146 = tpu.memref_slice %arg3[%add3A_144] : memref<80000xi32, #tpu.memory_space<hbm>> -> memref<128xi32, #tpu.memory_space<hbm>>
          tpu.enqueue_dma source(%dma_start3A_146 : memref<128xi32, #tpu.memory_space<hbm>>) target(%arg6 : memref<128xi32, #tpu.memory_space<vmem>>) target_semaphore(%arg12 : memref<!tpu.dma_semaphore, #tpu.memory_space<semaphore_mem>>)
          %dma_start3A_147 = arith.constant 0 : i32
          %dma_start3A_148 = tpu.memref_slice %arg2[%add3A_144, %dma_start3A_147] : memref<80000x128xf32, #tpu.memory_space<hbm>> -> memref<128x128xf32, #tpu.memory_space<hbm>>
          %dma_start3A_149 = arith.constant 0 : i32
          %dma_start3A_150 = tpu.memref_slice %arg2[%add3A_144, %dma_start3A_149] : memref<80000x128xf32, #tpu.memory_space<hbm>> -> memref<128x128xf32, #tpu.memory_space<hbm>>
          tpu.enqueue_dma source(%dma_start3A_150 : memref<128x128xf32, #tpu.memory_space<hbm>>) target(%arg8 : memref<128x128xf32, #tpu.memory_space<vmem>>) target_semaphore(%arg14 : memref<!tpu.dma_semaphore, #tpu.memory_space<semaphore_mem>>)
        } else {
        }
        %mul3A_114 = arith.constant 2 : i32
        %mul3A_115 = arith.muli %mul3A_114, %scan3A_89 : i32
        %add3A_116 = arith.constant 1 : i32
        %add3A_117 = arith.addi %mul3A_115, %add3A_116 : i32
        %mul3A_118 = arith.constant 128 : i32
        %mul3A_119 = arith.muli %add3A_117, %mul3A_118 : i32
        %add3A_120 = arith.addi %mul3A_54, %mul3A_119 : i32
        %dma_wait3A_121 = tpu.memref_slice %arg3[%add3A_120] : memref<80000xi32, #tpu.memory_space<hbm>> -> memref<128xi32, #tpu.memory_space<hbm>>
        %dma_wait3A_122 = tpu.memref_slice %arg3[%add3A_120] : memref<80000xi32, #tpu.memory_space<hbm>> -> memref<128xi32, #tpu.memory_space<hbm>>
        tpu.wait_dma2 semaphore(%arg13 : memref<!tpu.dma_semaphore, #tpu.memory_space<semaphore_mem>>) src(%dma_wait3A_122 : memref<128xi32, #tpu.memory_space<hbm>>) dst(%arg7 : memref<128xi32, #tpu.memory_space<vmem>>)
        %dma_wait3A_123 = arith.constant 0 : i32
        %dma_wait3A_124 = tpu.memref_slice %arg2[%add3A_120, %dma_wait3A_123] : memref<80000x128xf32, #tpu.memory_space<hbm>> -> memref<128x128xf32, #tpu.memory_space<hbm>>
        %dma_wait3A_125 = arith.constant 0 : i32
        %dma_wait3A_126 = tpu.memref_slice %arg2[%add3A_120, %dma_wait3A_125] : memref<80000x128xf32, #tpu.memory_space<hbm>> -> memref<128x128xf32, #tpu.memory_space<hbm>>
        tpu.wait_dma2 semaphore(%arg15 : memref<!tpu.dma_semaphore, #tpu.memory_space<semaphore_mem>>) src(%dma_wait3A_126 : memref<128x128xf32, #tpu.memory_space<hbm>>) dst(%arg9 : memref<128x128xf32, #tpu.memory_space<vmem>>)
        %dma_start3A_127 = arith.constant 0 : i32
        %dma_start3A_128 = arith.constant 0 : i32
        %dma_start3A_129 = tpu.memref_slice %arg10[%dma_start3A_127, %dma_start3A_128] : memref<10000x128xf32, #tpu.memory_space<vmem_shared>> -> memref<10000x128xf32, #tpu.memory_space<vmem_shared>>
        tpu.enqueue_indirect_dma source(%arg9 : memref<128x128xf32, #tpu.memory_space<vmem>>) target(%dma_start3A_129 : memref<10000x128xf32, #tpu.memory_space<vmem_shared>>) offsets(%arg7 : memref<128xi32, #tpu.memory_space<vmem>>) semaphore(%arg17 : memref<!tpu.dma_semaphore, #tpu.memory_space<semaphore_mem>>) {add = true}
        %dma_wait3A_130 = arith.constant 0 : i32
        %dma_wait3A_131 = arith.constant 0 : i32
        %dma_wait3A_132 = tpu.memref_slice %arg10[%dma_wait3A_130, %dma_wait3A_131] : memref<10000x128xf32, #tpu.memory_space<vmem_shared>> -> memref<10000x128xf32, #tpu.memory_space<vmem_shared>>
        tpu.wait_indirect_dma semaphore(%arg17 : memref<!tpu.dma_semaphore, #tpu.memory_space<semaphore_mem>>) src(%arg9 : memref<128x128xf32, #tpu.memory_space<vmem>>) dst(%dma_wait3A_132 : memref<10000x128xf32, #tpu.memory_space<vmem_shared>>)
        %add3A_133 = arith.constant 2 : i32
        %add3A_134 = arith.addi %add3A_117, %add3A_133 : i32
        %lt3A_135 = arith.constant 25 : i32
        %lt3A_136 = arith.cmpi slt, %add3A_134, %lt3A_135 : i32
        %convert_element_type3A_137 = arith.extui %lt3A_136 : i1 to i32
        %cond3A_138 = arith.constant 0 : i32
        %cond3A_139 = arith.cmpi ne, %convert_element_type3A_137, %cond3A_138 : i32
        scf.if %cond3A_139 {
          %add3A_140 = arith.constant 2 : i32
          %add3A_141 = arith.addi %add3A_117, %add3A_140 : i32
          %mul3A_142 = arith.constant 128 : i32
          %mul3A_143 = arith.muli %add3A_141, %mul3A_142 : i32
          %add3A_144 = arith.addi %mul3A_54, %mul3A_143 : i32
          %dma_start3A_145 = tpu.memref_slice %arg3[%add3A_144] : memref<80000xi32, #tpu.memory_space<hbm>> -> memref<128xi32, #tpu.memory_space<hbm>>
          %dma_start3A_146 = tpu.memref_slice %arg3[%add3A_144] : memref<80000xi32, #tpu.memory_space<hbm>> -> memref<128xi32, #tpu.memory_space<hbm>>
          tpu.enqueue_dma source(%dma_start3A_146 : memref<128xi32, #tpu.memory_space<hbm>>) target(%arg7 : memref<128xi32, #tpu.memory_space<vmem>>) target_semaphore(%arg13 : memref<!tpu.dma_semaphore, #tpu.memory_space<semaphore_mem>>)
          %dma_start3A_147 = arith.constant 0 : i32
          %dma_start3A_148 = tpu.memref_slice %arg2[%add3A_144, %dma_start3A_147] : memref<80000x128xf32, #tpu.memory_space<hbm>> -> memref<128x128xf32, #tpu.memory_space<hbm>>
          %dma_start3A_149 = arith.constant 0 : i32
          %dma_start3A_150 = tpu.memref_slice %arg2[%add3A_144, %dma_start3A_149] : memref<80000x128xf32, #tpu.memory_space<hbm>> -> memref<128x128xf32, #tpu.memory_space<hbm>>
          tpu.enqueue_dma source(%dma_start3A_150 : memref<128x128xf32, #tpu.memory_space<hbm>>) target(%arg9 : memref<128x128xf32, #tpu.memory_space<vmem>>) target_semaphore(%arg15 : memref<!tpu.dma_semaphore, #tpu.memory_space<semaphore_mem>>)
        } else {
        }
      }
      %scan3A_75 = arith.constant 12 : i32
      %add3A_76 = arith.constant 3072 : i32
      %add3A_77 = arith.addi %mul3A_54, %add3A_76 : i32
      %dma_wait3A = tpu.memref_slice %arg3[%add3A_77] : memref<80000xi32, #tpu.memory_space<hbm>> -> memref<128xi32, #tpu.memory_space<hbm>>
      %dma_wait3A_78 = tpu.memref_slice %arg3[%add3A_77] : memref<80000xi32, #tpu.memory_space<hbm>> -> memref<128xi32, #tpu.memory_space<hbm>>
      tpu.wait_dma2 semaphore(%arg12 : memref<!tpu.dma_semaphore, #tpu.memory_space<semaphore_mem>>) src(%dma_wait3A_78 : memref<128xi32, #tpu.memory_space<hbm>>) dst(%arg6 : memref<128xi32, #tpu.memory_space<vmem>>)
      %dma_wait3A_79 = arith.constant 0 : i32
      %dma_wait3A_80 = tpu.memref_slice %arg2[%add3A_77, %dma_wait3A_79] : memref<80000x128xf32, #tpu.memory_space<hbm>> -> memref<128x128xf32, #tpu.memory_space<hbm>>
      %dma_wait3A_81 = arith.constant 0 : i32
      %dma_wait3A_82 = tpu.memref_slice %arg2[%add3A_77, %dma_wait3A_81] : memref<80000x128xf32, #tpu.memory_space<hbm>> -> memref<128x128xf32, #tpu.memory_space<hbm>>
      tpu.wait_dma2 semaphore(%arg14 : memref<!tpu.dma_semaphore, #tpu.memory_space<semaphore_mem>>) src(%dma_wait3A_82 : memref<128x128xf32, #tpu.memory_space<hbm>>) dst(%arg8 : memref<128x128xf32, #tpu.memory_space<vmem>>)
      %dma_start3A_83 = arith.constant 0 : i32
      %dma_start3A_84 = arith.constant 0 : i32
      %dma_start3A_85 = tpu.memref_slice %arg10[%dma_start3A_83, %dma_start3A_84] : memref<10000x128xf32, #tpu.memory_space<vmem_shared>> -> memref<10000x128xf32, #tpu.memory_space<vmem_shared>>
      tpu.enqueue_indirect_dma source(%arg8 : memref<128x128xf32, #tpu.memory_space<vmem>>) target(%dma_start3A_85 : memref<10000x128xf32, #tpu.memory_space<vmem_shared>>) offsets(%arg6 : memref<128xi32, #tpu.memory_space<vmem>>) semaphore(%arg16 : memref<!tpu.dma_semaphore, #tpu.memory_space<semaphore_mem>>) {add = true}
      %dma_wait3A_86 = arith.constant 0 : i32
      %dma_wait3A_87 = arith.constant 0 : i32
      %dma_wait3A_88 = tpu.memref_slice %arg10[%dma_wait3A_86, %dma_wait3A_87] : memref<10000x128xf32, #tpu.memory_space<vmem_shared>> -> memref<10000x128xf32, #tpu.memory_space<vmem_shared>>
      tpu.wait_indirect_dma semaphore(%arg16 : memref<!tpu.dma_semaphore, #tpu.memory_space<semaphore_mem>>) src(%arg8 : memref<128x128xf32, #tpu.memory_space<vmem>>) dst(%dma_wait3A_88 : memref<10000x128xf32, #tpu.memory_space<vmem_shared>>)
    } else {
    }
    %get3A_26 = arith.constant 0 : i32
    %get3A_27 = arith.index_cast %get3A_26 : i32 to index
    %get3A_28 = memref.load %arg11[%get3A_27] : memref<1xi32, #tpu.memory_space<smem>>
    %scan3A_29 = arith.constant 0 : i32
    %scan3A_30 = arith.constant 4096 : i32
    %scan3A_31 = arith.addi %scan3A_29, %scan3A_30 : i32
    %scan3A_32 = arith.constant 1 : i32
    %scan3A_33 = scf.for %scan3A_53 = %scan3A_29 to %scan3A_31 step %scan3A_32 iter_args(%scan3A_54 = %get3A_28) -> (i32)  : i32 {
      %add3A_55 = arith.constant 1 : i32
      %add3A_56 = arith.addi %scan3A_54, %add3A_55 : i32
      scf.yield %add3A_56 : i32
    }
    %scan3A_34 = arith.constant 4096 : i32
    %swap3A_35 = arith.constant 0 : i32
    %swap3A_36 = arith.index_cast %swap3A_35 : i32 to index
    %swap3A_37 = memref.load %arg11[%swap3A_36] : memref<1xi32, #tpu.memory_space<smem>>
    memref.store %scan3A_33, %arg11[%swap3A_36] : memref<1xi32, #tpu.memory_space<smem>>
    %barrier3A_38 = arith.constant 0 : index
    tpu.barrier barrier_id(%barrier3A_38)
    %add3A_39 = arith.constant 0 : i32
    %add3A_40 = arith.addi %arg1, %add3A_39 : i32
    %lt3A_41 = arith.constant 25 : i32
    %lt3A_42 = arith.cmpi slt, %add3A_40, %lt3A_41 : i32
    %convert_element_type3A_43 = arith.extui %lt3A_42 : i1 to i32
    %cond3A_44 = arith.constant 0 : i32
    %cond3A_45 = arith.cmpi ne, %convert_element_type3A_43, %cond3A_44 : i32
    scf.if %cond3A_45 {
      %mul3A_53 = arith.constant 400 : i32
      %mul3A_54 = arith.muli %add3A_40, %mul3A_53 : i32
      %mul3A_55 = arith.constant 400 : i32
      %mul3A_56 = arith.muli %add3A_40, %mul3A_55 : i32
      "tpu.region"() ({
        %run_scoped3A = tpu.sem_alloc : memref<!tpu.dma_semaphore, #tpu.memory_space<semaphore_mem>>
        %dma_start3A = arith.constant 0 : i32
        %dma_start3A_57 = tpu.memref_slice %arg5[%arg0, %mul3A_56, %dma_start3A] : memref<2x10000x128xf32, #tpu.memory_space<hbm>> -> memref<1x400x128xf32, #tpu.memory_space<hbm>>
        %dma_start3A_58 = tpu.memref_squeeze %dma_start3A_57 : memref<1x400x128xf32, #tpu.memory_space<hbm>> -> memref<400x128xf32, #tpu.memory_space<hbm>>
        %dma_start3A_59 = arith.constant 0 : i32
        %dma_start3A_60 = tpu.memref_slice %arg10[%mul3A_54, %dma_start3A_59] : memref<10000x128xf32, #tpu.memory_space<vmem_shared>> -> memref<400x128xf32, #tpu.memory_space<vmem_shared>>
        tpu.enqueue_dma source(%dma_start3A_60 : memref<400x128xf32, #tpu.memory_space<vmem_shared>>) target(%dma_start3A_58 : memref<400x128xf32, #tpu.memory_space<hbm>>) target_semaphore(%run_scoped3A : memref<!tpu.dma_semaphore, #tpu.memory_space<semaphore_mem>>)
        %dma_wait3A = arith.constant 0 : i32
        %dma_wait3A_61 = tpu.memref_slice %arg5[%arg0, %mul3A_56, %dma_wait3A] : memref<2x10000x128xf32, #tpu.memory_space<hbm>> -> memref<1x400x128xf32, #tpu.memory_space<hbm>>
        %dma_wait3A_62 = tpu.memref_squeeze %dma_wait3A_61 : memref<1x400x128xf32, #tpu.memory_space<hbm>> -> memref<400x128xf32, #tpu.memory_space<hbm>>
        %dma_wait3A_63 = arith.constant 0 : i32
        %dma_wait3A_64 = tpu.memref_slice %arg10[%mul3A_54, %dma_wait3A_63] : memref<10000x128xf32, #tpu.memory_space<vmem_shared>> -> memref<400x128xf32, #tpu.memory_space<vmem_shared>>
        tpu.wait_dma2 semaphore(%run_scoped3A : memref<!tpu.dma_semaphore, #tpu.memory_space<semaphore_mem>>) src(%dma_wait3A_64 : memref<400x128xf32, #tpu.memory_space<vmem_shared>>) dst(%dma_wait3A_62 : memref<400x128xf32, #tpu.memory_space<hbm>>)
        tpu.yield
      }) : () -> ()
    } else {
    }
    %add3A_46 = arith.constant 16 : i32
    %add3A_47 = arith.addi %arg1, %add3A_46 : i32
    %lt3A_48 = arith.constant 25 : i32
    %lt3A_49 = arith.cmpi slt, %add3A_47, %lt3A_48 : i32
    %convert_element_type3A_50 = arith.extui %lt3A_49 : i1 to i32
    %cond3A_51 = arith.constant 0 : i32
    %cond3A_52 = arith.cmpi ne, %convert_element_type3A_50, %cond3A_51 : i32
    scf.if %cond3A_52 {
      %mul3A_53 = arith.constant 400 : i32
      %mul3A_54 = arith.muli %add3A_47, %mul3A_53 : i32
      %mul3A_55 = arith.constant 400 : i32
      %mul3A_56 = arith.muli %add3A_47, %mul3A_55 : i32
      "tpu.region"() ({
        %run_scoped3A = tpu.sem_alloc : memref<!tpu.dma_semaphore, #tpu.memory_space<semaphore_mem>>
        %dma_start3A = arith.constant 0 : i32
        %dma_start3A_57 = tpu.memref_slice %arg5[%arg0, %mul3A_56, %dma_start3A] : memref<2x10000x128xf32, #tpu.memory_space<hbm>> -> memref<1x400x128xf32, #tpu.memory_space<hbm>>
        %dma_start3A_58 = tpu.memref_squeeze %dma_start3A_57 : memref<1x400x128xf32, #tpu.memory_space<hbm>> -> memref<400x128xf32, #tpu.memory_space<hbm>>
        %dma_start3A_59 = arith.constant 0 : i32
        %dma_start3A_60 = tpu.memref_slice %arg10[%mul3A_54, %dma_start3A_59] : memref<10000x128xf32, #tpu.memory_space<vmem_shared>> -> memref<400x128xf32, #tpu.memory_space<vmem_shared>>
        tpu.enqueue_dma source(%dma_start3A_60 : memref<400x128xf32, #tpu.memory_space<vmem_shared>>) target(%dma_start3A_58 : memref<400x128xf32, #tpu.memory_space<hbm>>) target_semaphore(%run_scoped3A : memref<!tpu.dma_semaphore, #tpu.memory_space<semaphore_mem>>)
        %dma_wait3A = arith.constant 0 : i32
        %dma_wait3A_61 = tpu.memref_slice %arg5[%arg0, %mul3A_56, %dma_wait3A] : memref<2x10000x128xf32, #tpu.memory_space<hbm>> -> memref<1x400x128xf32, #tpu.memory_space<hbm>>
        %dma_wait3A_62 = tpu.memref_squeeze %dma_wait3A_61 : memref<1x400x128xf32, #tpu.memory_space<hbm>> -> memref<400x128xf32, #tpu.memory_space<hbm>>
        %dma_wait3A_63 = arith.constant 0 : i32
        %dma_wait3A_64 = tpu.memref_slice %arg10[%mul3A_54, %dma_wait3A_63] : memref<10000x128xf32, #tpu.memory_space<vmem_shared>> -> memref<400x128xf32, #tpu.memory_space<vmem_shared>>
        tpu.wait_dma2 semaphore(%run_scoped3A : memref<!tpu.dma_semaphore, #tpu.memory_space<semaphore_mem>>) src(%dma_wait3A_64 : memref<400x128xf32, #tpu.memory_space<vmem_shared>>) dst(%dma_wait3A_62 : memref<400x128xf32, #tpu.memory_space<hbm>>)
        tpu.yield
      }) : () -> ()
    } else {
    }
    return
  }
}

#map = affine_map<(d0, d1) -> (0, 0)>
#map1 = affine_map<(d0, d1) -> (0)>
module attributes {stable_mosaic.version = 14 : i64} {
  func.func @gather_kernel(%arg0: i32, %arg1: i32, %arg2: memref<10000x128xf32, #tpu.memory_space<hbm>>, %arg3: memref<320000xi32, #tpu.memory_space<hbm>>, %arg4: memref<320000xi32, #tpu.memory_space<hbm>>, %arg5: memref<320000x128xf32, #tpu.memory_space<hbm>>, %arg6: memref<320000x128xf32, #tpu.memory_space<hbm>>, %arg7: memref<80xi32, #tpu.memory_space<vmem>>, %arg8: memref<80xi32, #tpu.memory_space<vmem>>, %arg9: memref<80xi32, #tpu.memory_space<vmem>>, %arg10: memref<80xi32, #tpu.memory_space<vmem>>, %arg11: memref<80x128xf32, #tpu.memory_space<vmem>>, %arg12: memref<80x128xf32, #tpu.memory_space<vmem>>, %arg13: memref<80x128xf32, #tpu.memory_space<vmem>>, %arg14: memref<80x128xf32, #tpu.memory_space<vmem>>, %arg15: memref<!tpu.dma_semaphore, #tpu.memory_space<semaphore_mem>>, %arg16: memref<!tpu.dma_semaphore, #tpu.memory_space<semaphore_mem>>, %arg17: memref<!tpu.dma_semaphore, #tpu.memory_space<semaphore_mem>>, %arg18: memref<!tpu.dma_semaphore, #tpu.memory_space<semaphore_mem>>, %arg19: memref<!tpu.dma_semaphore, #tpu.memory_space<semaphore_mem>>, %arg20: memref<!tpu.dma_semaphore, #tpu.memory_space<semaphore_mem>>, %arg21: memref<!tpu.dma_semaphore, #tpu.memory_space<semaphore_mem>>, %arg22: memref<!tpu.dma_semaphore, #tpu.memory_space<semaphore_mem>>, %arg23: memref<!tpu.dma_semaphore, #tpu.memory_space<semaphore_mem>>, %arg24: memref<!tpu.dma_semaphore, #tpu.memory_space<semaphore_mem>>, %arg25: memref<!tpu.dma_semaphore, #tpu.memory_space<semaphore_mem>>, %arg26: memref<!tpu.dma_semaphore, #tpu.memory_space<semaphore_mem>>) attributes {dimension_semantics = [#tpu.dimension_semantics<core_parallel>, #tpu.dimension_semantics<subcore_parallel>], iteration_bounds = array<i64: 2, 16>, scalar_prefetch = 0 : i64, scratch_operands = 20 : i64, tpu.core_type = #tpu.core_type<sc_vector_subcore>, window_params = [{transform_indices = #map}, {transform_indices = #map1}, {transform_indices = #map1}, {transform_indices = #map}, {transform_indices = #map}]} {
    %mul3A = arith.constant 2 : i32
    %mul3A_0 = arith.muli %arg1, %mul3A : i32
    %add3A = arith.addi %mul3A_0, %arg0 : i32
    %lt3A = arith.constant 32 : i32
    %lt3A_1 = arith.cmpi slt, %add3A, %lt3A : i32
    %convert_element_type3A = arith.extui %lt3A_1 : i1 to i32
    %cond3A = arith.constant 0 : i32
    %cond3A_2 = arith.cmpi ne, %convert_element_type3A, %cond3A : i32
    scf.if %cond3A_2 {
      %mul3A_3 = arith.constant 10000 : i32
      %mul3A_4 = arith.muli %add3A, %mul3A_3 : i32
      %add3A_5 = arith.constant 0 : i32
      %add3A_6 = arith.addi %mul3A_4, %add3A_5 : i32
      %dma_start3A = tpu.memref_slice %arg3[%add3A_6] : memref<320000xi32, #tpu.memory_space<hbm>> -> memref<80xi32, #tpu.memory_space<hbm>>
      %dma_start3A_7 = tpu.memref_slice %arg3[%add3A_6] : memref<320000xi32, #tpu.memory_space<hbm>> -> memref<80xi32, #tpu.memory_space<hbm>>
      tpu.enqueue_dma source(%dma_start3A_7 : memref<80xi32, #tpu.memory_space<hbm>>) target(%arg7 : memref<80xi32, #tpu.memory_space<vmem>>) target_semaphore(%arg15 : memref<!tpu.dma_semaphore, #tpu.memory_space<semaphore_mem>>)
      %dma_start3A_8 = tpu.memref_slice %arg4[%add3A_6] : memref<320000xi32, #tpu.memory_space<hbm>> -> memref<80xi32, #tpu.memory_space<hbm>>
      %dma_start3A_9 = tpu.memref_slice %arg4[%add3A_6] : memref<320000xi32, #tpu.memory_space<hbm>> -> memref<80xi32, #tpu.memory_space<hbm>>
      tpu.enqueue_dma source(%dma_start3A_9 : memref<80xi32, #tpu.memory_space<hbm>>) target(%arg9 : memref<80xi32, #tpu.memory_space<vmem>>) target_semaphore(%arg17 : memref<!tpu.dma_semaphore, #tpu.memory_space<semaphore_mem>>)
      %add3A_10 = arith.constant 80 : i32
      %add3A_11 = arith.addi %mul3A_4, %add3A_10 : i32
      %dma_start3A_12 = tpu.memref_slice %arg3[%add3A_11] : memref<320000xi32, #tpu.memory_space<hbm>> -> memref<80xi32, #tpu.memory_space<hbm>>
      %dma_start3A_13 = tpu.memref_slice %arg3[%add3A_11] : memref<320000xi32, #tpu.memory_space<hbm>> -> memref<80xi32, #tpu.memory_space<hbm>>
      tpu.enqueue_dma source(%dma_start3A_13 : memref<80xi32, #tpu.memory_space<hbm>>) target(%arg8 : memref<80xi32, #tpu.memory_space<vmem>>) target_semaphore(%arg16 : memref<!tpu.dma_semaphore, #tpu.memory_space<semaphore_mem>>)
      %dma_start3A_14 = tpu.memref_slice %arg4[%add3A_11] : memref<320000xi32, #tpu.memory_space<hbm>> -> memref<80xi32, #tpu.memory_space<hbm>>
      %dma_start3A_15 = tpu.memref_slice %arg4[%add3A_11] : memref<320000xi32, #tpu.memory_space<hbm>> -> memref<80xi32, #tpu.memory_space<hbm>>
      tpu.enqueue_dma source(%dma_start3A_15 : memref<80xi32, #tpu.memory_space<hbm>>) target(%arg10 : memref<80xi32, #tpu.memory_space<vmem>>) target_semaphore(%arg18 : memref<!tpu.dma_semaphore, #tpu.memory_space<semaphore_mem>>)
      %scan3A = arith.constant 0 : i32
      %scan3A_16 = arith.constant 0 : i32
      %scan3A_17 = arith.constant 62 : i32
      %scan3A_18 = arith.addi %scan3A_16, %scan3A_17 : i32
      %scan3A_19 = arith.constant 1 : i32
      scf.for %scan3A_70 = %scan3A_16 to %scan3A_18 step %scan3A_19  : i32 {
        %mul3A_71 = arith.constant 2 : i32
        %mul3A_72 = arith.muli %mul3A_71, %scan3A_70 : i32
        %mul3A_73 = arith.constant 80 : i32
        %mul3A_74 = arith.muli %mul3A_72, %mul3A_73 : i32
        %add3A_75 = arith.addi %mul3A_4, %mul3A_74 : i32
        %dma_wait3A_76 = tpu.memref_slice %arg3[%add3A_75] : memref<320000xi32, #tpu.memory_space<hbm>> -> memref<80xi32, #tpu.memory_space<hbm>>
        %dma_wait3A_77 = tpu.memref_slice %arg3[%add3A_75] : memref<320000xi32, #tpu.memory_space<hbm>> -> memref<80xi32, #tpu.memory_space<hbm>>
        tpu.wait_dma2 semaphore(%arg15 : memref<!tpu.dma_semaphore, #tpu.memory_space<semaphore_mem>>) src(%dma_wait3A_77 : memref<80xi32, #tpu.memory_space<hbm>>) dst(%arg7 : memref<80xi32, #tpu.memory_space<vmem>>)
        %dma_wait3A_78 = tpu.memref_slice %arg4[%add3A_75] : memref<320000xi32, #tpu.memory_space<hbm>> -> memref<80xi32, #tpu.memory_space<hbm>>
        %dma_wait3A_79 = tpu.memref_slice %arg4[%add3A_75] : memref<320000xi32, #tpu.memory_space<hbm>> -> memref<80xi32, #tpu.memory_space<hbm>>
        tpu.wait_dma2 semaphore(%arg17 : memref<!tpu.dma_semaphore, #tpu.memory_space<semaphore_mem>>) src(%dma_wait3A_79 : memref<80xi32, #tpu.memory_space<hbm>>) dst(%arg9 : memref<80xi32, #tpu.memory_space<vmem>>)
        %ge3A = arith.constant 2 : i32
        %ge3A_80 = arith.cmpi sge, %mul3A_72, %ge3A : i32
        %convert_element_type3A_81 = arith.extui %ge3A_80 : i1 to i32
        %cond3A_82 = arith.constant 0 : i32
        %cond3A_83 = arith.cmpi ne, %convert_element_type3A_81, %cond3A_82 : i32
        scf.if %cond3A_83 {
          %dma_wait3A_154 = arith.constant 0 : i32
          %dma_wait3A_155 = tpu.memref_slice %arg5[%add3A_75, %dma_wait3A_154] : memref<320000x128xf32, #tpu.memory_space<hbm>> -> memref<80x128xf32, #tpu.memory_space<hbm>>
          %dma_wait3A_156 = arith.constant 0 : i32
          %dma_wait3A_157 = tpu.memref_slice %arg5[%add3A_75, %dma_wait3A_156] : memref<320000x128xf32, #tpu.memory_space<hbm>> -> memref<80x128xf32, #tpu.memory_space<hbm>>
          tpu.wait_dma2 semaphore(%arg23 : memref<!tpu.dma_semaphore, #tpu.memory_space<semaphore_mem>>) src(%arg11 : memref<80x128xf32, #tpu.memory_space<vmem>>) dst(%dma_wait3A_157 : memref<80x128xf32, #tpu.memory_space<hbm>>)
          %dma_wait3A_158 = arith.constant 0 : i32
          %dma_wait3A_159 = tpu.memref_slice %arg6[%add3A_75, %dma_wait3A_158] : memref<320000x128xf32, #tpu.memory_space<hbm>> -> memref<80x128xf32, #tpu.memory_space<hbm>>
          %dma_wait3A_160 = arith.constant 0 : i32
          %dma_wait3A_161 = tpu.memref_slice %arg6[%add3A_75, %dma_wait3A_160] : memref<320000x128xf32, #tpu.memory_space<hbm>> -> memref<80x128xf32, #tpu.memory_space<hbm>>
          tpu.wait_dma2 semaphore(%arg25 : memref<!tpu.dma_semaphore, #tpu.memory_space<semaphore_mem>>) src(%arg13 : memref<80x128xf32, #tpu.memory_space<vmem>>) dst(%dma_wait3A_161 : memref<80x128xf32, #tpu.memory_space<hbm>>)
        } else {
        }
        %dma_start3A_84 = arith.constant 0 : i32
        %dma_start3A_85 = arith.constant 0 : i32
        %dma_start3A_86 = tpu.memref_slice %arg2[%dma_start3A_84, %dma_start3A_85] : memref<10000x128xf32, #tpu.memory_space<hbm>> -> memref<10000x128xf32, #tpu.memory_space<hbm>>
        tpu.enqueue_indirect_dma source(%dma_start3A_86 : memref<10000x128xf32, #tpu.memory_space<hbm>>) target(%arg11 : memref<80x128xf32, #tpu.memory_space<vmem>>) offsets(%arg7 : memref<80xi32, #tpu.memory_space<vmem>>) semaphore(%arg19 : memref<!tpu.dma_semaphore, #tpu.memory_space<semaphore_mem>>)
        %dma_start3A_87 = arith.constant 0 : i32
        %dma_start3A_88 = arith.constant 0 : i32
        %dma_start3A_89 = tpu.memref_slice %arg2[%dma_start3A_87, %dma_start3A_88] : memref<10000x128xf32, #tpu.memory_space<hbm>> -> memref<10000x128xf32, #tpu.memory_space<hbm>>
        tpu.enqueue_indirect_dma source(%dma_start3A_89 : memref<10000x128xf32, #tpu.memory_space<hbm>>) target(%arg13 : memref<80x128xf32, #tpu.memory_space<vmem>>) offsets(%arg9 : memref<80xi32, #tpu.memory_space<vmem>>) semaphore(%arg21 : memref<!tpu.dma_semaphore, #tpu.memory_space<semaphore_mem>>)
        %dma_wait3A_90 = arith.constant 0 : i32
        %dma_wait3A_91 = arith.constant 0 : i32
        %dma_wait3A_92 = tpu.memref_slice %arg2[%dma_wait3A_90, %dma_wait3A_91] : memref<10000x128xf32, #tpu.memory_space<hbm>> -> memref<10000x128xf32, #tpu.memory_space<hbm>>
        tpu.wait_indirect_dma semaphore(%arg19 : memref<!tpu.dma_semaphore, #tpu.memory_space<semaphore_mem>>) src(%dma_wait3A_92 : memref<10000x128xf32, #tpu.memory_space<hbm>>) dst(%arg11 : memref<80x128xf32, #tpu.memory_space<vmem>>)
        %dma_wait3A_93 = arith.constant 0 : i32
        %dma_wait3A_94 = arith.constant 0 : i32
        %dma_wait3A_95 = tpu.memref_slice %arg2[%dma_wait3A_93, %dma_wait3A_94] : memref<10000x128xf32, #tpu.memory_space<hbm>> -> memref<10000x128xf32, #tpu.memory_space<hbm>>
        tpu.wait_indirect_dma semaphore(%arg21 : memref<!tpu.dma_semaphore, #tpu.memory_space<semaphore_mem>>) src(%dma_wait3A_95 : memref<10000x128xf32, #tpu.memory_space<hbm>>) dst(%arg13 : memref<80x128xf32, #tpu.memory_space<vmem>>)
        %add3A_96 = arith.constant 2 : i32
        %add3A_97 = arith.addi %mul3A_72, %add3A_96 : i32
        %lt3A_98 = arith.constant 125 : i32
        %lt3A_99 = arith.cmpi slt, %add3A_97, %lt3A_98 : i32
        %convert_element_type3A_100 = arith.extui %lt3A_99 : i1 to i32
        %cond3A_101 = arith.constant 0 : i32
        %cond3A_102 = arith.cmpi ne, %convert_element_type3A_100, %cond3A_101 : i32
        scf.if %cond3A_102 {
          %add3A_154 = arith.constant 2 : i32
          %add3A_155 = arith.addi %mul3A_72, %add3A_154 : i32
          %mul3A_156 = arith.constant 80 : i32
          %mul3A_157 = arith.muli %add3A_155, %mul3A_156 : i32
          %add3A_158 = arith.addi %mul3A_4, %mul3A_157 : i32
          %dma_start3A_159 = tpu.memref_slice %arg3[%add3A_158] : memref<320000xi32, #tpu.memory_space<hbm>> -> memref<80xi32, #tpu.memory_space<hbm>>
          %dma_start3A_160 = tpu.memref_slice %arg3[%add3A_158] : memref<320000xi32, #tpu.memory_space<hbm>> -> memref<80xi32, #tpu.memory_space<hbm>>
          tpu.enqueue_dma source(%dma_start3A_160 : memref<80xi32, #tpu.memory_space<hbm>>) target(%arg7 : memref<80xi32, #tpu.memory_space<vmem>>) target_semaphore(%arg15 : memref<!tpu.dma_semaphore, #tpu.memory_space<semaphore_mem>>)
          %dma_start3A_161 = tpu.memref_slice %arg4[%add3A_158] : memref<320000xi32, #tpu.memory_space<hbm>> -> memref<80xi32, #tpu.memory_space<hbm>>
          %dma_start3A_162 = tpu.memref_slice %arg4[%add3A_158] : memref<320000xi32, #tpu.memory_space<hbm>> -> memref<80xi32, #tpu.memory_space<hbm>>
          tpu.enqueue_dma source(%dma_start3A_162 : memref<80xi32, #tpu.memory_space<hbm>>) target(%arg9 : memref<80xi32, #tpu.memory_space<vmem>>) target_semaphore(%arg17 : memref<!tpu.dma_semaphore, #tpu.memory_space<semaphore_mem>>)
        } else {
        }
        %dma_start3A_103 = arith.constant 0 : i32
        %dma_start3A_104 = tpu.memref_slice %arg5[%add3A_75, %dma_start3A_103] : memref<320000x128xf32, #tpu.memory_space<hbm>> -> memref<80x128xf32, #tpu.memory_space<hbm>>
        %dma_start3A_105 = arith.constant 0 : i32
        %dma_start3A_106 = tpu.memref_slice %arg5[%add3A_75, %dma_start3A_105] : memref<320000x128xf32, #tpu.memory_space<hbm>> -> memref<80x128xf32, #tpu.memory_space<hbm>>
        tpu.enqueue_dma source(%arg11 : memref<80x128xf32, #tpu.memory_space<vmem>>) target(%dma_start3A_106 : memref<80x128xf32, #tpu.memory_space<hbm>>) target_semaphore(%arg23 : memref<!tpu.dma_semaphore, #tpu.memory_space<semaphore_mem>>)
        %dma_start3A_107 = arith.constant 0 : i32
        %dma_start3A_108 = tpu.memref_slice %arg6[%add3A_75, %dma_start3A_107] : memref<320000x128xf32, #tpu.memory_space<hbm>> -> memref<80x128xf32, #tpu.memory_space<hbm>>
        %dma_start3A_109 = arith.constant 0 : i32
        %dma_start3A_110 = tpu.memref_slice %arg6[%add3A_75, %dma_start3A_109] : memref<320000x128xf32, #tpu.memory_space<hbm>> -> memref<80x128xf32, #tpu.memory_space<hbm>>
        tpu.enqueue_dma source(%arg13 : memref<80x128xf32, #tpu.memory_space<vmem>>) target(%dma_start3A_110 : memref<80x128xf32, #tpu.memory_space<hbm>>) target_semaphore(%arg25 : memref<!tpu.dma_semaphore, #tpu.memory_space<semaphore_mem>>)
        %mul3A_111 = arith.constant 2 : i32
        %mul3A_112 = arith.muli %mul3A_111, %scan3A_70 : i32
        %add3A_113 = arith.constant 1 : i32
        %add3A_114 = arith.addi %mul3A_112, %add3A_113 : i32
        %mul3A_115 = arith.constant 80 : i32
        %mul3A_116 = arith.muli %add3A_114, %mul3A_115 : i32
        %add3A_117 = arith.addi %mul3A_4, %mul3A_116 : i32
        %dma_wait3A_118 = tpu.memref_slice %arg3[%add3A_117] : memref<320000xi32, #tpu.memory_space<hbm>> -> memref<80xi32, #tpu.memory_space<hbm>>
        %dma_wait3A_119 = tpu.memref_slice %arg3[%add3A_117] : memref<320000xi32, #tpu.memory_space<hbm>> -> memref<80xi32, #tpu.memory_space<hbm>>
        tpu.wait_dma2 semaphore(%arg16 : memref<!tpu.dma_semaphore, #tpu.memory_space<semaphore_mem>>) src(%dma_wait3A_119 : memref<80xi32, #tpu.memory_space<hbm>>) dst(%arg8 : memref<80xi32, #tpu.memory_space<vmem>>)
        %dma_wait3A_120 = tpu.memref_slice %arg4[%add3A_117] : memref<320000xi32, #tpu.memory_space<hbm>> -> memref<80xi32, #tpu.memory_space<hbm>>
        %dma_wait3A_121 = tpu.memref_slice %arg4[%add3A_117] : memref<320000xi32, #tpu.memory_space<hbm>> -> memref<80xi32, #tpu.memory_space<hbm>>
        tpu.wait_dma2 semaphore(%arg18 : memref<!tpu.dma_semaphore, #tpu.memory_space<semaphore_mem>>) src(%dma_wait3A_121 : memref<80xi32, #tpu.memory_space<hbm>>) dst(%arg10 : memref<80xi32, #tpu.memory_space<vmem>>)
        %ge3A_122 = arith.constant 2 : i32
        %ge3A_123 = arith.cmpi sge, %add3A_114, %ge3A_122 : i32
        %convert_element_type3A_124 = arith.extui %ge3A_123 : i1 to i32
        %cond3A_125 = arith.constant 0 : i32
        %cond3A_126 = arith.cmpi ne, %convert_element_type3A_124, %cond3A_125 : i32
        scf.if %cond3A_126 {
          %dma_wait3A_154 = arith.constant 0 : i32
          %dma_wait3A_155 = tpu.memref_slice %arg5[%add3A_117, %dma_wait3A_154] : memref<320000x128xf32, #tpu.memory_space<hbm>> -> memref<80x128xf32, #tpu.memory_space<hbm>>
          %dma_wait3A_156 = arith.constant 0 : i32
          %dma_wait3A_157 = tpu.memref_slice %arg5[%add3A_117, %dma_wait3A_156] : memref<320000x128xf32, #tpu.memory_space<hbm>> -> memref<80x128xf32, #tpu.memory_space<hbm>>
          tpu.wait_dma2 semaphore(%arg24 : memref<!tpu.dma_semaphore, #tpu.memory_space<semaphore_mem>>) src(%arg12 : memref<80x128xf32, #tpu.memory_space<vmem>>) dst(%dma_wait3A_157 : memref<80x128xf32, #tpu.memory_space<hbm>>)
          %dma_wait3A_158 = arith.constant 0 : i32
          %dma_wait3A_159 = tpu.memref_slice %arg6[%add3A_117, %dma_wait3A_158] : memref<320000x128xf32, #tpu.memory_space<hbm>> -> memref<80x128xf32, #tpu.memory_space<hbm>>
          %dma_wait3A_160 = arith.constant 0 : i32
          %dma_wait3A_161 = tpu.memref_slice %arg6[%add3A_117, %dma_wait3A_160] : memref<320000x128xf32, #tpu.memory_space<hbm>> -> memref<80x128xf32, #tpu.memory_space<hbm>>
          tpu.wait_dma2 semaphore(%arg26 : memref<!tpu.dma_semaphore, #tpu.memory_space<semaphore_mem>>) src(%arg14 : memref<80x128xf32, #tpu.memory_space<vmem>>) dst(%dma_wait3A_161 : memref<80x128xf32, #tpu.memory_space<hbm>>)
        } else {
        }
        %dma_start3A_127 = arith.constant 0 : i32
        %dma_start3A_128 = arith.constant 0 : i32
        %dma_start3A_129 = tpu.memref_slice %arg2[%dma_start3A_127, %dma_start3A_128] : memref<10000x128xf32, #tpu.memory_space<hbm>> -> memref<10000x128xf32, #tpu.memory_space<hbm>>
        tpu.enqueue_indirect_dma source(%dma_start3A_129 : memref<10000x128xf32, #tpu.memory_space<hbm>>) target(%arg12 : memref<80x128xf32, #tpu.memory_space<vmem>>) offsets(%arg8 : memref<80xi32, #tpu.memory_space<vmem>>) semaphore(%arg20 : memref<!tpu.dma_semaphore, #tpu.memory_space<semaphore_mem>>)
        %dma_start3A_130 = arith.constant 0 : i32
        %dma_start3A_131 = arith.constant 0 : i32
        %dma_start3A_132 = tpu.memref_slice %arg2[%dma_start3A_130, %dma_start3A_131] : memref<10000x128xf32, #tpu.memory_space<hbm>> -> memref<10000x128xf32, #tpu.memory_space<hbm>>
        tpu.enqueue_indirect_dma source(%dma_start3A_132 : memref<10000x128xf32, #tpu.memory_space<hbm>>) target(%arg14 : memref<80x128xf32, #tpu.memory_space<vmem>>) offsets(%arg10 : memref<80xi32, #tpu.memory_space<vmem>>) semaphore(%arg22 : memref<!tpu.dma_semaphore, #tpu.memory_space<semaphore_mem>>)
        %dma_wait3A_133 = arith.constant 0 : i32
        %dma_wait3A_134 = arith.constant 0 : i32
        %dma_wait3A_135 = tpu.memref_slice %arg2[%dma_wait3A_133, %dma_wait3A_134] : memref<10000x128xf32, #tpu.memory_space<hbm>> -> memref<10000x128xf32, #tpu.memory_space<hbm>>
        tpu.wait_indirect_dma semaphore(%arg20 : memref<!tpu.dma_semaphore, #tpu.memory_space<semaphore_mem>>) src(%dma_wait3A_135 : memref<10000x128xf32, #tpu.memory_space<hbm>>) dst(%arg12 : memref<80x128xf32, #tpu.memory_space<vmem>>)
        %dma_wait3A_136 = arith.constant 0 : i32
        %dma_wait3A_137 = arith.constant 0 : i32
        %dma_wait3A_138 = tpu.memref_slice %arg2[%dma_wait3A_136, %dma_wait3A_137] : memref<10000x128xf32, #tpu.memory_space<hbm>> -> memref<10000x128xf32, #tpu.memory_space<hbm>>
        tpu.wait_indirect_dma semaphore(%arg22 : memref<!tpu.dma_semaphore, #tpu.memory_space<semaphore_mem>>) src(%dma_wait3A_138 : memref<10000x128xf32, #tpu.memory_space<hbm>>) dst(%arg14 : memref<80x128xf32, #tpu.memory_space<vmem>>)
        %add3A_139 = arith.constant 2 : i32
        %add3A_140 = arith.addi %add3A_114, %add3A_139 : i32
        %lt3A_141 = arith.constant 125 : i32
        %lt3A_142 = arith.cmpi slt, %add3A_140, %lt3A_141 : i32
        %convert_element_type3A_143 = arith.extui %lt3A_142 : i1 to i32
        %cond3A_144 = arith.constant 0 : i32
        %cond3A_145 = arith.cmpi ne, %convert_element_type3A_143, %cond3A_144 : i32
        scf.if %cond3A_145 {
          %add3A_154 = arith.constant 2 : i32
          %add3A_155 = arith.addi %add3A_114, %add3A_154 : i32
          %mul3A_156 = arith.constant 80 : i32
          %mul3A_157 = arith.muli %add3A_155, %mul3A_156 : i32
          %add3A_158 = arith.addi %mul3A_4, %mul3A_157 : i32
          %dma_start3A_159 = tpu.memref_slice %arg3[%add3A_158] : memref<320000xi32, #tpu.memory_space<hbm>> -> memref<80xi32, #tpu.memory_space<hbm>>
          %dma_start3A_160 = tpu.memref_slice %arg3[%add3A_158] : memref<320000xi32, #tpu.memory_space<hbm>> -> memref<80xi32, #tpu.memory_space<hbm>>
          tpu.enqueue_dma source(%dma_start3A_160 : memref<80xi32, #tpu.memory_space<hbm>>) target(%arg8 : memref<80xi32, #tpu.memory_space<vmem>>) target_semaphore(%arg16 : memref<!tpu.dma_semaphore, #tpu.memory_space<semaphore_mem>>)
          %dma_start3A_161 = tpu.memref_slice %arg4[%add3A_158] : memref<320000xi32, #tpu.memory_space<hbm>> -> memref<80xi32, #tpu.memory_space<hbm>>
          %dma_start3A_162 = tpu.memref_slice %arg4[%add3A_158] : memref<320000xi32, #tpu.memory_space<hbm>> -> memref<80xi32, #tpu.memory_space<hbm>>
          tpu.enqueue_dma source(%dma_start3A_162 : memref<80xi32, #tpu.memory_space<hbm>>) target(%arg10 : memref<80xi32, #tpu.memory_space<vmem>>) target_semaphore(%arg18 : memref<!tpu.dma_semaphore, #tpu.memory_space<semaphore_mem>>)
        } else {
        }
        %dma_start3A_146 = arith.constant 0 : i32
        %dma_start3A_147 = tpu.memref_slice %arg5[%add3A_117, %dma_start3A_146] : memref<320000x128xf32, #tpu.memory_space<hbm>> -> memref<80x128xf32, #tpu.memory_space<hbm>>
        %dma_start3A_148 = arith.constant 0 : i32
        %dma_start3A_149 = tpu.memref_slice %arg5[%add3A_117, %dma_start3A_148] : memref<320000x128xf32, #tpu.memory_space<hbm>> -> memref<80x128xf32, #tpu.memory_space<hbm>>
        tpu.enqueue_dma source(%arg12 : memref<80x128xf32, #tpu.memory_space<vmem>>) target(%dma_start3A_149 : memref<80x128xf32, #tpu.memory_space<hbm>>) target_semaphore(%arg24 : memref<!tpu.dma_semaphore, #tpu.memory_space<semaphore_mem>>)
        %dma_start3A_150 = arith.constant 0 : i32
        %dma_start3A_151 = tpu.memref_slice %arg6[%add3A_117, %dma_start3A_150] : memref<320000x128xf32, #tpu.memory_space<hbm>> -> memref<80x128xf32, #tpu.memory_space<hbm>>
        %dma_start3A_152 = arith.constant 0 : i32
        %dma_start3A_153 = tpu.memref_slice %arg6[%add3A_117, %dma_start3A_152] : memref<320000x128xf32, #tpu.memory_space<hbm>> -> memref<80x128xf32, #tpu.memory_space<hbm>>
        tpu.enqueue_dma source(%arg14 : memref<80x128xf32, #tpu.memory_space<vmem>>) target(%dma_start3A_153 : memref<80x128xf32, #tpu.memory_space<hbm>>) target_semaphore(%arg26 : memref<!tpu.dma_semaphore, #tpu.memory_space<semaphore_mem>>)
      }
      %scan3A_20 = arith.constant 62 : i32
      %add3A_21 = arith.constant 9920 : i32
      %add3A_22 = arith.addi %mul3A_4, %add3A_21 : i32
      %dma_wait3A = tpu.memref_slice %arg3[%add3A_22] : memref<320000xi32, #tpu.memory_space<hbm>> -> memref<80xi32, #tpu.memory_space<hbm>>
      %dma_wait3A_23 = tpu.memref_slice %arg3[%add3A_22] : memref<320000xi32, #tpu.memory_space<hbm>> -> memref<80xi32, #tpu.memory_space<hbm>>
      tpu.wait_dma2 semaphore(%arg15 : memref<!tpu.dma_semaphore, #tpu.memory_space<semaphore_mem>>) src(%dma_wait3A_23 : memref<80xi32, #tpu.memory_space<hbm>>) dst(%arg7 : memref<80xi32, #tpu.memory_space<vmem>>)
      %dma_wait3A_24 = tpu.memref_slice %arg4[%add3A_22] : memref<320000xi32, #tpu.memory_space<hbm>> -> memref<80xi32, #tpu.memory_space<hbm>>
      %dma_wait3A_25 = tpu.memref_slice %arg4[%add3A_22] : memref<320000xi32, #tpu.memory_space<hbm>> -> memref<80xi32, #tpu.memory_space<hbm>>
      tpu.wait_dma2 semaphore(%arg17 : memref<!tpu.dma_semaphore, #tpu.memory_space<semaphore_mem>>) src(%dma_wait3A_25 : memref<80xi32, #tpu.memory_space<hbm>>) dst(%arg9 : memref<80xi32, #tpu.memory_space<vmem>>)
      %dma_wait3A_26 = arith.constant 0 : i32
      %dma_wait3A_27 = tpu.memref_slice %arg5[%add3A_22, %dma_wait3A_26] : memref<320000x128xf32, #tpu.memory_space<hbm>> -> memref<80x128xf32, #tpu.memory_space<hbm>>
      %dma_wait3A_28 = arith.constant 0 : i32
      %dma_wait3A_29 = tpu.memref_slice %arg5[%add3A_22, %dma_wait3A_28] : memref<320000x128xf32, #tpu.memory_space<hbm>> -> memref<80x128xf32, #tpu.memory_space<hbm>>
      tpu.wait_dma2 semaphore(%arg23 : memref<!tpu.dma_semaphore, #tpu.memory_space<semaphore_mem>>) src(%arg11 : memref<80x128xf32, #tpu.memory_space<vmem>>) dst(%dma_wait3A_29 : memref<80x128xf32, #tpu.memory_space<hbm>>)
      %dma_wait3A_30 = arith.constant 0 : i32
      %dma_wait3A_31 = tpu.memref_slice %arg6[%add3A_22, %dma_wait3A_30] : memref<320000x128xf32, #tpu.memory_space<hbm>> -> memref<80x128xf32, #tpu.memory_space<hbm>>
      %dma_wait3A_32 = arith.constant 0 : i32
      %dma_wait3A_33 = tpu.memref_slice %arg6[%add3A_22, %dma_wait3A_32] : memref<320000x128xf32, #tpu.memory_space<hbm>> -> memref<80x128xf32, #tpu.memory_space<hbm>>
      tpu.wait_dma2 semaphore(%arg25 : memref<!tpu.dma_semaphore, #tpu.memory_space<semaphore_mem>>) src(%arg13 : memref<80x128xf32, #tpu.memory_space<vmem>>) dst(%dma_wait3A_33 : memref<80x128xf32, #tpu.memory_space<hbm>>)
      %dma_start3A_34 = arith.constant 0 : i32
      %dma_start3A_35 = arith.constant 0 : i32
      %dma_start3A_36 = tpu.memref_slice %arg2[%dma_start3A_34, %dma_start3A_35] : memref<10000x128xf32, #tpu.memory_space<hbm>> -> memref<10000x128xf32, #tpu.memory_space<hbm>>
      tpu.enqueue_indirect_dma source(%dma_start3A_36 : memref<10000x128xf32, #tpu.memory_space<hbm>>) target(%arg11 : memref<80x128xf32, #tpu.memory_space<vmem>>) offsets(%arg7 : memref<80xi32, #tpu.memory_space<vmem>>) semaphore(%arg19 : memref<!tpu.dma_semaphore, #tpu.memory_space<semaphore_mem>>)
      %dma_start3A_37 = arith.constant 0 : i32
      %dma_start3A_38 = arith.constant 0 : i32
      %dma_start3A_39 = tpu.memref_slice %arg2[%dma_start3A_37, %dma_start3A_38] : memref<10000x128xf32, #tpu.memory_space<hbm>> -> memref<10000x128xf32, #tpu.memory_space<hbm>>
      tpu.enqueue_indirect_dma source(%dma_start3A_39 : memref<10000x128xf32, #tpu.memory_space<hbm>>) target(%arg13 : memref<80x128xf32, #tpu.memory_space<vmem>>) offsets(%arg9 : memref<80xi32, #tpu.memory_space<vmem>>) semaphore(%arg21 : memref<!tpu.dma_semaphore, #tpu.memory_space<semaphore_mem>>)
      %dma_wait3A_40 = arith.constant 0 : i32
      %dma_wait3A_41 = arith.constant 0 : i32
      %dma_wait3A_42 = tpu.memref_slice %arg2[%dma_wait3A_40, %dma_wait3A_41] : memref<10000x128xf32, #tpu.memory_space<hbm>> -> memref<10000x128xf32, #tpu.memory_space<hbm>>
      tpu.wait_indirect_dma semaphore(%arg19 : memref<!tpu.dma_semaphore, #tpu.memory_space<semaphore_mem>>) src(%dma_wait3A_42 : memref<10000x128xf32, #tpu.memory_space<hbm>>) dst(%arg11 : memref<80x128xf32, #tpu.memory_space<vmem>>)
      %dma_wait3A_43 = arith.constant 0 : i32
      %dma_wait3A_44 = arith.constant 0 : i32
      %dma_wait3A_45 = tpu.memref_slice %arg2[%dma_wait3A_43, %dma_wait3A_44] : memref<10000x128xf32, #tpu.memory_space<hbm>> -> memref<10000x128xf32, #tpu.memory_space<hbm>>
      tpu.wait_indirect_dma semaphore(%arg21 : memref<!tpu.dma_semaphore, #tpu.memory_space<semaphore_mem>>) src(%dma_wait3A_45 : memref<10000x128xf32, #tpu.memory_space<hbm>>) dst(%arg13 : memref<80x128xf32, #tpu.memory_space<vmem>>)
      %dma_start3A_46 = arith.constant 0 : i32
      %dma_start3A_47 = tpu.memref_slice %arg5[%add3A_22, %dma_start3A_46] : memref<320000x128xf32, #tpu.memory_space<hbm>> -> memref<80x128xf32, #tpu.memory_space<hbm>>
      %dma_start3A_48 = arith.constant 0 : i32
      %dma_start3A_49 = tpu.memref_slice %arg5[%add3A_22, %dma_start3A_48] : memref<320000x128xf32, #tpu.memory_space<hbm>> -> memref<80x128xf32, #tpu.memory_space<hbm>>
      tpu.enqueue_dma source(%arg11 : memref<80x128xf32, #tpu.memory_space<vmem>>) target(%dma_start3A_49 : memref<80x128xf32, #tpu.memory_space<hbm>>) target_semaphore(%arg23 : memref<!tpu.dma_semaphore, #tpu.memory_space<semaphore_mem>>)
      %dma_start3A_50 = arith.constant 0 : i32
      %dma_start3A_51 = tpu.memref_slice %arg6[%add3A_22, %dma_start3A_50] : memref<320000x128xf32, #tpu.memory_space<hbm>> -> memref<80x128xf32, #tpu.memory_space<hbm>>
      %dma_start3A_52 = arith.constant 0 : i32
      %dma_start3A_53 = tpu.memref_slice %arg6[%add3A_22, %dma_start3A_52] : memref<320000x128xf32, #tpu.memory_space<hbm>> -> memref<80x128xf32, #tpu.memory_space<hbm>>
      tpu.enqueue_dma source(%arg13 : memref<80x128xf32, #tpu.memory_space<vmem>>) target(%dma_start3A_53 : memref<80x128xf32, #tpu.memory_space<hbm>>) target_semaphore(%arg25 : memref<!tpu.dma_semaphore, #tpu.memory_space<semaphore_mem>>)
      %dma_wait3A_54 = arith.constant 0 : i32
      %dma_wait3A_55 = tpu.memref_slice %arg5[%mul3A_4, %dma_wait3A_54] : memref<320000x128xf32, #tpu.memory_space<hbm>> -> memref<80x128xf32, #tpu.memory_space<hbm>>
      %dma_wait3A_56 = arith.constant 0 : i32
      %dma_wait3A_57 = tpu.memref_slice %arg5[%mul3A_4, %dma_wait3A_56] : memref<320000x128xf32, #tpu.memory_space<hbm>> -> memref<80x128xf32, #tpu.memory_space<hbm>>
      tpu.wait_dma2 semaphore(%arg23 : memref<!tpu.dma_semaphore, #tpu.memory_space<semaphore_mem>>) src(%arg11 : memref<80x128xf32, #tpu.memory_space<vmem>>) dst(%dma_wait3A_57 : memref<80x128xf32, #tpu.memory_space<hbm>>)
      %dma_wait3A_58 = arith.constant 0 : i32
      %dma_wait3A_59 = tpu.memref_slice %arg6[%mul3A_4, %dma_wait3A_58] : memref<320000x128xf32, #tpu.memory_space<hbm>> -> memref<80x128xf32, #tpu.memory_space<hbm>>
      %dma_wait3A_60 = arith.constant 0 : i32
      %dma_wait3A_61 = tpu.memref_slice %arg6[%mul3A_4, %dma_wait3A_60] : memref<320000x128xf32, #tpu.memory_space<hbm>> -> memref<80x128xf32, #tpu.memory_space<hbm>>
      tpu.wait_dma2 semaphore(%arg25 : memref<!tpu.dma_semaphore, #tpu.memory_space<semaphore_mem>>) src(%arg13 : memref<80x128xf32, #tpu.memory_space<vmem>>) dst(%dma_wait3A_61 : memref<80x128xf32, #tpu.memory_space<hbm>>)
      %dma_wait3A_62 = arith.constant 0 : i32
      %dma_wait3A_63 = tpu.memref_slice %arg5[%mul3A_4, %dma_wait3A_62] : memref<320000x128xf32, #tpu.memory_space<hbm>> -> memref<80x128xf32, #tpu.memory_space<hbm>>
      %dma_wait3A_64 = arith.constant 0 : i32
      %dma_wait3A_65 = tpu.memref_slice %arg5[%mul3A_4, %dma_wait3A_64] : memref<320000x128xf32, #tpu.memory_space<hbm>> -> memref<80x128xf32, #tpu.memory_space<hbm>>
      tpu.wait_dma2 semaphore(%arg24 : memref<!tpu.dma_semaphore, #tpu.memory_space<semaphore_mem>>) src(%arg12 : memref<80x128xf32, #tpu.memory_space<vmem>>) dst(%dma_wait3A_65 : memref<80x128xf32, #tpu.memory_space<hbm>>)
      %dma_wait3A_66 = arith.constant 0 : i32
      %dma_wait3A_67 = tpu.memref_slice %arg6[%mul3A_4, %dma_wait3A_66] : memref<320000x128xf32, #tpu.memory_space<hbm>> -> memref<80x128xf32, #tpu.memory_space<hbm>>
      %dma_wait3A_68 = arith.constant 0 : i32
      %dma_wait3A_69 = tpu.memref_slice %arg6[%mul3A_4, %dma_wait3A_68] : memref<320000x128xf32, #tpu.memory_space<hbm>> -> memref<80x128xf32, #tpu.memory_space<hbm>>
      tpu.wait_dma2 semaphore(%arg26 : memref<!tpu.dma_semaphore, #tpu.memory_space<semaphore_mem>>) src(%arg14 : memref<80x128xf32, #tpu.memory_space<vmem>>) dst(%dma_wait3A_69 : memref<80x128xf32, #tpu.memory_space<hbm>>)
    } else {
    }
    return
  }
}

module attributes {stable_mosaic.version = 14 : i64} {
  func.func @body(%arg0: i32, %arg1: memref<1000x128xf32, #tpu.memory_space<vmem>>, %arg2: memref<1000x128xf32, #tpu.memory_space<vmem>>, %arg3: memref<1000x128xf32, #tpu.memory_space<vmem>>, %arg4: memref<384x128xf32, #tpu.memory_space<vmem>>, %arg5: memref<1x128xf32, #tpu.memory_space<vmem>>, %arg6: memref<128x128xf32, #tpu.memory_space<vmem>>, %arg7: memref<1x128xf32, #tpu.memory_space<vmem>>, %arg8: memref<1000x128xf32, #tpu.memory_space<vmem>>, %arg9: memref<1000x128xf32, #tpu.memory_space<vmem>>) attributes {dimension_semantics = [#tpu.dimension_semantics<arbitrary>], iteration_bounds = array<i64: 80>, scalar_prefetch = 0 : i64, scratch_operands = 0 : i64, tpu.core_type = #tpu.core_type<tc>, window_params = [{transform_indices = @transform_0, window_bounds = array<i64: 1000, 128>}, {transform_indices = @transform_1, window_bounds = array<i64: 1000, 128>}, {transform_indices = @transform_2, window_bounds = array<i64: 1000, 128>}, {pipeline_mode = #tpu.pipeline_mode<synchronous>, transform_indices = @transform_3, window_bounds = array<i64: 384, 128>}, {pipeline_mode = #tpu.pipeline_mode<synchronous>, transform_indices = @transform_4, window_bounds = array<i64: 1, 128>}, {pipeline_mode = #tpu.pipeline_mode<synchronous>, transform_indices = @transform_5, window_bounds = array<i64: 128, 128>}, {pipeline_mode = #tpu.pipeline_mode<synchronous>, transform_indices = @transform_6, window_bounds = array<i64: 1, 128>}, {transform_indices = @transform_7, window_bounds = array<i64: 1000, 128>}, {transform_indices = @transform_8, window_bounds = array<i64: 1000, 128>}]} {
    %get3A = arith.constant 0 : index
    %get3A_0 = arith.constant 0 : index
    %get3A_1 = vector.load %arg4[%get3A, %get3A_0] : memref<384x128xf32, #tpu.memory_space<vmem>>, vector<384x128xf32>
    %convert_element_type3A = arith.truncf %get3A_1 : vector<384x128xf32> to vector<384x128xbf16>
    %get3A_2 = arith.constant 0 : index
    %get3A_3 = arith.constant 0 : index
    %get3A_4 = vector.load %arg3[%get3A_2, %get3A_3] : memref<1000x128xf32, #tpu.memory_space<vmem>>, vector<1000x128xf32>
    %get3A_5 = arith.constant 0 : index
    %get3A_6 = arith.constant 0 : index
    %get3A_7 = vector.load %arg1[%get3A_5, %get3A_6] : memref<1000x128xf32, #tpu.memory_space<vmem>>, vector<1000x128xf32>
    %convert_element_type3A_8 = arith.truncf %get3A_7 : vector<1000x128xf32> to vector<1000x128xbf16>
    %slice3A = vector.extract_strided_slice %convert_element_type3A {offsets = [0, 0], sizes = [128, 128], strides = [1, 1]} : vector<384x128xbf16> to vector<128x128xbf16>
    %dot_general3A = arith.constant dense<0.000000e+00> : vector<1000x128xf32>
    %dot_general3A_9 = tpu.matmul %convert_element_type3A_8, %slice3A, %dot_general3A {dimension_numbers = #tpu.dot_dimension_numbers<[1], [0], [0], [1], [0, 0, 1, 1], [], []>, transpose_lhs_hint = false} : vector<1000x128xbf16>, vector<128x128xbf16>, vector<1000x128xf32> -> vector<1000x128xf32>
    %get3A_10 = arith.constant 0 : index
    %get3A_11 = arith.constant 0 : index
    %get3A_12 = vector.load %arg2[%get3A_10, %get3A_11] : memref<1000x128xf32, #tpu.memory_space<vmem>>, vector<1000x128xf32>
    %convert_element_type3A_13 = arith.truncf %get3A_12 : vector<1000x128xf32> to vector<1000x128xbf16>
    %slice3A_14 = vector.extract_strided_slice %convert_element_type3A {offsets = [128, 0], sizes = [128, 128], strides = [1, 1]} : vector<384x128xbf16> to vector<128x128xbf16>
    %dot_general3A_15 = arith.constant dense<0.000000e+00> : vector<1000x128xf32>
    %dot_general3A_16 = tpu.matmul %convert_element_type3A_13, %slice3A_14, %dot_general3A_15 {dimension_numbers = #tpu.dot_dimension_numbers<[1], [0], [0], [1], [0, 0, 1, 1], [], []>, transpose_lhs_hint = false} : vector<1000x128xbf16>, vector<128x128xbf16>, vector<1000x128xf32> -> vector<1000x128xf32>
    %add3A = arith.addf %dot_general3A_9, %dot_general3A_16 : vector<1000x128xf32>
    %convert_element_type3A_17 = arith.truncf %get3A_4 : vector<1000x128xf32> to vector<1000x128xbf16>
    %slice3A_18 = vector.extract_strided_slice %convert_element_type3A {offsets = [256, 0], sizes = [128, 128], strides = [1, 1]} : vector<384x128xbf16> to vector<128x128xbf16>
    %dot_general3A_19 = arith.constant dense<0.000000e+00> : vector<1000x128xf32>
    %dot_general3A_20 = tpu.matmul %convert_element_type3A_17, %slice3A_18, %dot_general3A_19 {dimension_numbers = #tpu.dot_dimension_numbers<[1], [0], [0], [1], [0, 0, 1, 1], [], []>, transpose_lhs_hint = false} : vector<1000x128xbf16>, vector<128x128xbf16>, vector<1000x128xf32> -> vector<1000x128xf32>
    %add3A_21 = arith.addf %add3A, %dot_general3A_20 : vector<1000x128xf32>
    %get3A_22 = arith.constant 0 : index
    %get3A_23 = arith.constant 0 : index
    %get3A_24 = vector.load %arg5[%get3A_22, %get3A_23] : memref<1x128xf32, #tpu.memory_space<vmem>>, vector<1x128xf32>
    %add3A_25 = vector.broadcast %get3A_24 : vector<1x128xf32> to vector<1000x128xf32>
    %add3A_26 = arith.addf %add3A_21, %add3A_25 : vector<1000x128xf32>
    %max3A = arith.constant 0.000000e+00 : f32
    %max3A_27 = vector.broadcast %max3A : f32 to vector<1000x128xf32>
    %max3A_28 = arith.maximumf %add3A_26, %max3A_27 : vector<1000x128xf32>
    %convert_element_type3A_29 = arith.truncf %max3A_28 : vector<1000x128xf32> to vector<1000x128xbf16>
    %get3A_30 = arith.constant 0 : index
    %get3A_31 = arith.constant 0 : index
    %get3A_32 = vector.load %arg6[%get3A_30, %get3A_31] : memref<128x128xf32, #tpu.memory_space<vmem>>, vector<128x128xf32>
    %convert_element_type3A_33 = arith.truncf %get3A_32 : vector<128x128xf32> to vector<128x128xbf16>
    %dot_general3A_34 = arith.constant dense<0.000000e+00> : vector<1000x128xf32>
    %dot_general3A_35 = tpu.matmul %convert_element_type3A_29, %convert_element_type3A_33, %dot_general3A_34 {dimension_numbers = #tpu.dot_dimension_numbers<[1], [0], [0], [1], [0, 0, 1, 1], [], []>, transpose_lhs_hint = false} : vector<1000x128xbf16>, vector<128x128xbf16>, vector<1000x128xf32> -> vector<1000x128xf32>
    %get3A_36 = arith.constant 0 : index
    %get3A_37 = arith.constant 0 : index
    %get3A_38 = vector.load %arg7[%get3A_36, %get3A_37] : memref<1x128xf32, #tpu.memory_space<vmem>>, vector<1x128xf32>
    %add3A_39 = vector.broadcast %get3A_38 : vector<1x128xf32> to vector<1000x128xf32>
    %add3A_40 = arith.addf %dot_general3A_35, %add3A_39 : vector<1000x128xf32>
    %swap3A = arith.constant 0 : index
    %swap3A_41 = arith.constant 0 : index
    %swap3A_42 = vector.load %arg8[%swap3A, %swap3A_41] : memref<1000x128xf32, #tpu.memory_space<vmem>>, vector<1000x128xf32>
    tpu.vector_store %arg8[%swap3A, %swap3A_41], %add3A_40 {strides = array<i32>} : memref<1000x128xf32, #tpu.memory_space<vmem>>, vector<1000x128xf32>,
    %add3A_43 = arith.addf %add3A_40, %get3A_4 : vector<1000x128xf32>
    %swap3A_44 = arith.constant 0 : index
    %swap3A_45 = arith.constant 0 : index
    %swap3A_46 = vector.load %arg9[%swap3A_44, %swap3A_45] : memref<1000x128xf32, #tpu.memory_space<vmem>>, vector<1000x128xf32>
    tpu.vector_store %arg9[%swap3A_44, %swap3A_45], %add3A_43 {strides = array<i32>} : memref<1000x128xf32, #tpu.memory_space<vmem>>, vector<1000x128xf32>,
    return
  }
  func.func @transform_0(%arg0: i32) -> (i32, i32) {
    %c0_i32 = arith.constant 0 : i32
    %c0_i32_0 = arith.constant 0 : i32
    return %arg0, %c0_i32 : i32, i32
  }
  func.func @transform_1(%arg0: i32) -> (i32, i32) {
    %c0_i32 = arith.constant 0 : i32
    %c0_i32_0 = arith.constant 0 : i32
    return %arg0, %c0_i32 : i32, i32
  }
  func.func @transform_2(%arg0: i32) -> (i32, i32) {
    %c0_i32 = arith.constant 0 : i32
    %c0_i32_0 = arith.constant 0 : i32
    return %arg0, %c0_i32 : i32, i32
  }
  func.func @transform_3(%arg0: i32) -> (i32, i32) {
    %c0_i32 = arith.constant 0 : i32
    %c0_i32_0 = arith.constant 0 : i32
    %c0_i32_1 = arith.constant 0 : i32
    return %c0_i32, %c0_i32_0 : i32, i32
  }
  func.func @transform_4(%arg0: i32) -> (i32, i32) {
    %c0_i32 = arith.constant 0 : i32
    %c0_i32_0 = arith.constant 0 : i32
    %c0_i32_1 = arith.constant 0 : i32
    return %c0_i32, %c0_i32_0 : i32, i32
  }
  func.func @transform_5(%arg0: i32) -> (i32, i32) {
    %c0_i32 = arith.constant 0 : i32
    %c0_i32_0 = arith.constant 0 : i32
    %c0_i32_1 = arith.constant 0 : i32
    return %c0_i32, %c0_i32_0 : i32, i32
  }
  func.func @transform_6(%arg0: i32) -> (i32, i32) {
    %c0_i32 = arith.constant 0 : i32
    %c0_i32_0 = arith.constant 0 : i32
    %c0_i32_1 = arith.constant 0 : i32
    return %c0_i32, %c0_i32_0 : i32, i32
  }
  func.func @transform_7(%arg0: i32) -> (i32, i32) {
    %c0_i32 = arith.constant 0 : i32
    %c0_i32_0 = arith.constant 0 : i32
    return %arg0, %c0_i32 : i32, i32
  }
  func.func @transform_8(%arg0: i32) -> (i32, i32) {
    %c0_i32 = arith.constant 0 : i32
    %c0_i32_0 = arith.constant 0 : i32
    return %arg0, %c0_i32 : i32, i32
  }
}

module attributes {stable_mosaic.version = 14 : i64} {
  func.func @body(%arg0: i32, %arg1: memref<1000x128xf32, #tpu.memory_space<vmem>>, %arg2: memref<1000x128xf32, #tpu.memory_space<vmem>>, %arg3: memref<1000x128xf32, #tpu.memory_space<vmem>>, %arg4: memref<384x128xf32, #tpu.memory_space<vmem>>, %arg5: memref<1x128xf32, #tpu.memory_space<vmem>>, %arg6: memref<128x128xf32, #tpu.memory_space<vmem>>, %arg7: memref<1x128xf32, #tpu.memory_space<vmem>>, %arg8: memref<1000x128xf32, #tpu.memory_space<vmem>>, %arg9: memref<1000x128xf32, #tpu.memory_space<vmem>>) attributes {dimension_semantics = [#tpu.dimension_semantics<arbitrary>], iteration_bounds = array<i64: 320>, scalar_prefetch = 0 : i64, scratch_operands = 0 : i64, tpu.core_type = #tpu.core_type<tc>, window_params = [{transform_indices = @transform_0, window_bounds = array<i64: 1000, 128>}, {transform_indices = @transform_1, window_bounds = array<i64: 1000, 128>}, {transform_indices = @transform_2, window_bounds = array<i64: 1000, 128>}, {pipeline_mode = #tpu.pipeline_mode<synchronous>, transform_indices = @transform_3, window_bounds = array<i64: 384, 128>}, {pipeline_mode = #tpu.pipeline_mode<synchronous>, transform_indices = @transform_4, window_bounds = array<i64: 1, 128>}, {pipeline_mode = #tpu.pipeline_mode<synchronous>, transform_indices = @transform_5, window_bounds = array<i64: 128, 128>}, {pipeline_mode = #tpu.pipeline_mode<synchronous>, transform_indices = @transform_6, window_bounds = array<i64: 1, 128>}, {transform_indices = @transform_7, window_bounds = array<i64: 1000, 128>}, {transform_indices = @transform_8, window_bounds = array<i64: 1000, 128>}]} {
    %get3A = arith.constant 0 : index
    %get3A_0 = arith.constant 0 : index
    %get3A_1 = vector.load %arg4[%get3A, %get3A_0] : memref<384x128xf32, #tpu.memory_space<vmem>>, vector<384x128xf32>
    %convert_element_type3A = arith.truncf %get3A_1 : vector<384x128xf32> to vector<384x128xbf16>
    %get3A_2 = arith.constant 0 : index
    %get3A_3 = arith.constant 0 : index
    %get3A_4 = vector.load %arg3[%get3A_2, %get3A_3] : memref<1000x128xf32, #tpu.memory_space<vmem>>, vector<1000x128xf32>
    %get3A_5 = arith.constant 0 : index
    %get3A_6 = arith.constant 0 : index
    %get3A_7 = vector.load %arg1[%get3A_5, %get3A_6] : memref<1000x128xf32, #tpu.memory_space<vmem>>, vector<1000x128xf32>
    %convert_element_type3A_8 = arith.truncf %get3A_7 : vector<1000x128xf32> to vector<1000x128xbf16>
    %slice3A = vector.extract_strided_slice %convert_element_type3A {offsets = [0, 0], sizes = [128, 128], strides = [1, 1]} : vector<384x128xbf16> to vector<128x128xbf16>
    %dot_general3A = arith.constant dense<0.000000e+00> : vector<1000x128xf32>
    %dot_general3A_9 = tpu.matmul %convert_element_type3A_8, %slice3A, %dot_general3A {dimension_numbers = #tpu.dot_dimension_numbers<[1], [0], [0], [1], [0, 0, 1, 1], [], []>, transpose_lhs_hint = false} : vector<1000x128xbf16>, vector<128x128xbf16>, vector<1000x128xf32> -> vector<1000x128xf32>
    %get3A_10 = arith.constant 0 : index
    %get3A_11 = arith.constant 0 : index
    %get3A_12 = vector.load %arg2[%get3A_10, %get3A_11] : memref<1000x128xf32, #tpu.memory_space<vmem>>, vector<1000x128xf32>
    %convert_element_type3A_13 = arith.truncf %get3A_12 : vector<1000x128xf32> to vector<1000x128xbf16>
    %slice3A_14 = vector.extract_strided_slice %convert_element_type3A {offsets = [128, 0], sizes = [128, 128], strides = [1, 1]} : vector<384x128xbf16> to vector<128x128xbf16>
    %dot_general3A_15 = arith.constant dense<0.000000e+00> : vector<1000x128xf32>
    %dot_general3A_16 = tpu.matmul %convert_element_type3A_13, %slice3A_14, %dot_general3A_15 {dimension_numbers = #tpu.dot_dimension_numbers<[1], [0], [0], [1], [0, 0, 1, 1], [], []>, transpose_lhs_hint = false} : vector<1000x128xbf16>, vector<128x128xbf16>, vector<1000x128xf32> -> vector<1000x128xf32>
    %add3A = arith.addf %dot_general3A_9, %dot_general3A_16 : vector<1000x128xf32>
    %convert_element_type3A_17 = arith.truncf %get3A_4 : vector<1000x128xf32> to vector<1000x128xbf16>
    %slice3A_18 = vector.extract_strided_slice %convert_element_type3A {offsets = [256, 0], sizes = [128, 128], strides = [1, 1]} : vector<384x128xbf16> to vector<128x128xbf16>
    %dot_general3A_19 = arith.constant dense<0.000000e+00> : vector<1000x128xf32>
    %dot_general3A_20 = tpu.matmul %convert_element_type3A_17, %slice3A_18, %dot_general3A_19 {dimension_numbers = #tpu.dot_dimension_numbers<[1], [0], [0], [1], [0, 0, 1, 1], [], []>, transpose_lhs_hint = false} : vector<1000x128xbf16>, vector<128x128xbf16>, vector<1000x128xf32> -> vector<1000x128xf32>
    %add3A_21 = arith.addf %add3A, %dot_general3A_20 : vector<1000x128xf32>
    %get3A_22 = arith.constant 0 : index
    %get3A_23 = arith.constant 0 : index
    %get3A_24 = vector.load %arg5[%get3A_22, %get3A_23] : memref<1x128xf32, #tpu.memory_space<vmem>>, vector<1x128xf32>
    %add3A_25 = vector.broadcast %get3A_24 : vector<1x128xf32> to vector<1000x128xf32>
    %add3A_26 = arith.addf %add3A_21, %add3A_25 : vector<1000x128xf32>
    %max3A = arith.constant 0.000000e+00 : f32
    %max3A_27 = vector.broadcast %max3A : f32 to vector<1000x128xf32>
    %max3A_28 = arith.maximumf %add3A_26, %max3A_27 : vector<1000x128xf32>
    %convert_element_type3A_29 = arith.truncf %max3A_28 : vector<1000x128xf32> to vector<1000x128xbf16>
    %get3A_30 = arith.constant 0 : index
    %get3A_31 = arith.constant 0 : index
    %get3A_32 = vector.load %arg6[%get3A_30, %get3A_31] : memref<128x128xf32, #tpu.memory_space<vmem>>, vector<128x128xf32>
    %convert_element_type3A_33 = arith.truncf %get3A_32 : vector<128x128xf32> to vector<128x128xbf16>
    %dot_general3A_34 = arith.constant dense<0.000000e+00> : vector<1000x128xf32>
    %dot_general3A_35 = tpu.matmul %convert_element_type3A_29, %convert_element_type3A_33, %dot_general3A_34 {dimension_numbers = #tpu.dot_dimension_numbers<[1], [0], [0], [1], [0, 0, 1, 1], [], []>, transpose_lhs_hint = false} : vector<1000x128xbf16>, vector<128x128xbf16>, vector<1000x128xf32> -> vector<1000x128xf32>
    %get3A_36 = arith.constant 0 : index
    %get3A_37 = arith.constant 0 : index
    %get3A_38 = vector.load %arg7[%get3A_36, %get3A_37] : memref<1x128xf32, #tpu.memory_space<vmem>>, vector<1x128xf32>
    %add3A_39 = vector.broadcast %get3A_38 : vector<1x128xf32> to vector<1000x128xf32>
    %add3A_40 = arith.addf %dot_general3A_35, %add3A_39 : vector<1000x128xf32>
    %swap3A = arith.constant 0 : index
    %swap3A_41 = arith.constant 0 : index
    %swap3A_42 = vector.load %arg8[%swap3A, %swap3A_41] : memref<1000x128xf32, #tpu.memory_space<vmem>>, vector<1000x128xf32>
    tpu.vector_store %arg8[%swap3A, %swap3A_41], %add3A_40 {strides = array<i32>} : memref<1000x128xf32, #tpu.memory_space<vmem>>, vector<1000x128xf32>,
    %add3A_43 = arith.addf %add3A_40, %get3A_4 : vector<1000x128xf32>
    %swap3A_44 = arith.constant 0 : index
    %swap3A_45 = arith.constant 0 : index
    %swap3A_46 = vector.load %arg9[%swap3A_44, %swap3A_45] : memref<1000x128xf32, #tpu.memory_space<vmem>>, vector<1000x128xf32>
    tpu.vector_store %arg9[%swap3A_44, %swap3A_45], %add3A_43 {strides = array<i32>} : memref<1000x128xf32, #tpu.memory_space<vmem>>, vector<1000x128xf32>,
    return
  }
  func.func @transform_0(%arg0: i32) -> (i32, i32) {
    %c0_i32 = arith.constant 0 : i32
    %c0_i32_0 = arith.constant 0 : i32
    return %arg0, %c0_i32 : i32, i32
  }
  func.func @transform_1(%arg0: i32) -> (i32, i32) {
    %c0_i32 = arith.constant 0 : i32
    %c0_i32_0 = arith.constant 0 : i32
    return %arg0, %c0_i32 : i32, i32
  }
  func.func @transform_2(%arg0: i32) -> (i32, i32) {
    %c0_i32 = arith.constant 0 : i32
    %c0_i32_0 = arith.constant 0 : i32
    return %arg0, %c0_i32 : i32, i32
  }
  func.func @transform_3(%arg0: i32) -> (i32, i32) {
    %c0_i32 = arith.constant 0 : i32
    %c0_i32_0 = arith.constant 0 : i32
    %c0_i32_1 = arith.constant 0 : i32
    return %c0_i32, %c0_i32_0 : i32, i32
  }
  func.func @transform_4(%arg0: i32) -> (i32, i32) {
    %c0_i32 = arith.constant 0 : i32
    %c0_i32_0 = arith.constant 0 : i32
    %c0_i32_1 = arith.constant 0 : i32
    return %c0_i32, %c0_i32_0 : i32, i32
  }
  func.func @transform_5(%arg0: i32) -> (i32, i32) {
    %c0_i32 = arith.constant 0 : i32
    %c0_i32_0 = arith.constant 0 : i32
    %c0_i32_1 = arith.constant 0 : i32
    return %c0_i32, %c0_i32_0 : i32, i32
  }
  func.func @transform_6(%arg0: i32) -> (i32, i32) {
    %c0_i32 = arith.constant 0 : i32
    %c0_i32_0 = arith.constant 0 : i32
    %c0_i32_1 = arith.constant 0 : i32
    return %c0_i32, %c0_i32_0 : i32, i32
  }
  func.func @transform_7(%arg0: i32) -> (i32, i32) {
    %c0_i32 = arith.constant 0 : i32
    %c0_i32_0 = arith.constant 0 : i32
    return %arg0, %c0_i32 : i32, i32
  }
  func.func @transform_8(%arg0: i32) -> (i32, i32) {
    %c0_i32 = arith.constant 0 : i32
    %c0_i32_0 = arith.constant 0 : i32
    return %arg0, %c0_i32 : i32, i32
  }
}

module attributes {stable_mosaic.version = 14 : i64} {
  func.func @body(%arg0: i32, %arg1: memref<1000x128xf32, #tpu.memory_space<vmem>>, %arg2: memref<2x1000x128xf32, #tpu.memory_space<vmem>>, %arg3: memref<2x1000x128xf32, #tpu.memory_space<vmem>>, %arg4: memref<384x128xf32, #tpu.memory_space<vmem>>, %arg5: memref<1x128xf32, #tpu.memory_space<vmem>>, %arg6: memref<128x128xf32, #tpu.memory_space<vmem>>, %arg7: memref<1x128xf32, #tpu.memory_space<vmem>>, %arg8: memref<1000x128xf32, #tpu.memory_space<vmem>>) attributes {dimension_semantics = [#tpu.dimension_semantics<arbitrary>], iteration_bounds = array<i64: 10>, scalar_prefetch = 0 : i64, scratch_operands = 0 : i64, tpu.core_type = #tpu.core_type<tc>, window_params = [{transform_indices = @transform_0, window_bounds = array<i64: 1000, 128>}, {transform_indices = @transform_1, window_bounds = array<i64: 2, 1000, 128>}, {transform_indices = @transform_2, window_bounds = array<i64: 2, 1000, 128>}, {pipeline_mode = #tpu.pipeline_mode<synchronous>, transform_indices = @transform_3, window_bounds = array<i64: 384, 128>}, {pipeline_mode = #tpu.pipeline_mode<synchronous>, transform_indices = @transform_4, window_bounds = array<i64: 1, 128>}, {pipeline_mode = #tpu.pipeline_mode<synchronous>, transform_indices = @transform_5, window_bounds = array<i64: 128, 128>}, {pipeline_mode = #tpu.pipeline_mode<synchronous>, transform_indices = @transform_6, window_bounds = array<i64: 1, 128>}, {transform_indices = @transform_7, window_bounds = array<i64: 1000, 128>}]} {
    %get3A = arith.constant 0 : index
    %get3A_0 = arith.constant 0 : index
    %get3A_1 = vector.load %arg4[%get3A, %get3A_0] : memref<384x128xf32, #tpu.memory_space<vmem>>, vector<384x128xf32>
    %convert_element_type3A = arith.truncf %get3A_1 : vector<384x128xf32> to vector<384x128xbf16>
    %get3A_2 = arith.constant 0 : index
    %get3A_3 = arith.constant 0 : index
    %get3A_4 = vector.load %arg1[%get3A_2, %get3A_3] : memref<1000x128xf32, #tpu.memory_space<vmem>>, vector<1000x128xf32>
    %get3A_5 = arith.constant 0 : index
    %get3A_6 = arith.constant 0 : index
    %get3A_7 = arith.constant 0 : index
    %get3A_8 = vector.load %arg2[%get3A_5, %get3A_6, %get3A_7] : memref<2x1000x128xf32, #tpu.memory_space<vmem>>, vector<1x1000x128xf32>
    %get3A_9 = vector.shape_cast %get3A_8 : vector<1x1000x128xf32> to vector<1000x128xf32>
    %get3A_10 = arith.constant 1 : index
    %get3A_11 = arith.constant 0 : index
    %get3A_12 = arith.constant 0 : index
    %get3A_13 = vector.load %arg2[%get3A_10, %get3A_11, %get3A_12] : memref<2x1000x128xf32, #tpu.memory_space<vmem>>, vector<1x1000x128xf32>
    %get3A_14 = vector.shape_cast %get3A_13 : vector<1x1000x128xf32> to vector<1000x128xf32>
    %add3A = arith.addf %get3A_9, %get3A_14 : vector<1000x128xf32>
    %convert_element_type3A_15 = arith.truncf %add3A : vector<1000x128xf32> to vector<1000x128xbf16>
    %get3A_16 = arith.constant 0 : index
    %get3A_17 = arith.constant 0 : index
    %get3A_18 = arith.constant 0 : index
    %get3A_19 = vector.load %arg3[%get3A_16, %get3A_17, %get3A_18] : memref<2x1000x128xf32, #tpu.memory_space<vmem>>, vector<1x1000x128xf32>
    %get3A_20 = vector.shape_cast %get3A_19 : vector<1x1000x128xf32> to vector<1000x128xf32>
    %get3A_21 = arith.constant 1 : index
    %get3A_22 = arith.constant 0 : index
    %get3A_23 = arith.constant 0 : index
    %get3A_24 = vector.load %arg3[%get3A_21, %get3A_22, %get3A_23] : memref<2x1000x128xf32, #tpu.memory_space<vmem>>, vector<1x1000x128xf32>
    %get3A_25 = vector.shape_cast %get3A_24 : vector<1x1000x128xf32> to vector<1000x128xf32>
    %add3A_26 = arith.addf %get3A_20, %get3A_25 : vector<1000x128xf32>
    %convert_element_type3A_27 = arith.truncf %add3A_26 : vector<1000x128xf32> to vector<1000x128xbf16>
    %convert_element_type3A_28 = arith.truncf %get3A_4 : vector<1000x128xf32> to vector<1000x128xbf16>
    %slice3A = vector.extract_strided_slice %convert_element_type3A {offsets = [0, 0], sizes = [128, 128], strides = [1, 1]} : vector<384x128xbf16> to vector<128x128xbf16>
    %dot_general3A = arith.constant dense<0.000000e+00> : vector<1000x128xf32>
    %dot_general3A_29 = tpu.matmul %convert_element_type3A_28, %slice3A, %dot_general3A {dimension_numbers = #tpu.dot_dimension_numbers<[1], [0], [0], [1], [0, 0, 1, 1], [], []>, transpose_lhs_hint = false} : vector<1000x128xbf16>, vector<128x128xbf16>, vector<1000x128xf32> -> vector<1000x128xf32>
    %slice3A_30 = vector.extract_strided_slice %convert_element_type3A {offsets = [128, 0], sizes = [128, 128], strides = [1, 1]} : vector<384x128xbf16> to vector<128x128xbf16>
    %dot_general3A_31 = arith.constant dense<0.000000e+00> : vector<1000x128xf32>
    %dot_general3A_32 = tpu.matmul %convert_element_type3A_15, %slice3A_30, %dot_general3A_31 {dimension_numbers = #tpu.dot_dimension_numbers<[1], [0], [0], [1], [0, 0, 1, 1], [], []>, transpose_lhs_hint = false} : vector<1000x128xbf16>, vector<128x128xbf16>, vector<1000x128xf32> -> vector<1000x128xf32>
    %add3A_33 = arith.addf %dot_general3A_29, %dot_general3A_32 : vector<1000x128xf32>
    %slice3A_34 = vector.extract_strided_slice %convert_element_type3A {offsets = [256, 0], sizes = [128, 128], strides = [1, 1]} : vector<384x128xbf16> to vector<128x128xbf16>
    %dot_general3A_35 = arith.constant dense<0.000000e+00> : vector<1000x128xf32>
    %dot_general3A_36 = tpu.matmul %convert_element_type3A_27, %slice3A_34, %dot_general3A_35 {dimension_numbers = #tpu.dot_dimension_numbers<[1], [0], [0], [1], [0, 0, 1, 1], [], []>, transpose_lhs_hint = false} : vector<1000x128xbf16>, vector<128x128xbf16>, vector<1000x128xf32> -> vector<1000x128xf32>
    %add3A_37 = arith.addf %add3A_33, %dot_general3A_36 : vector<1000x128xf32>
    %get3A_38 = arith.constant 0 : index
    %get3A_39 = arith.constant 0 : index
    %get3A_40 = vector.load %arg5[%get3A_38, %get3A_39] : memref<1x128xf32, #tpu.memory_space<vmem>>, vector<1x128xf32>
    %add3A_41 = vector.broadcast %get3A_40 : vector<1x128xf32> to vector<1000x128xf32>
    %add3A_42 = arith.addf %add3A_37, %add3A_41 : vector<1000x128xf32>
    %max3A = arith.constant 0.000000e+00 : f32
    %max3A_43 = vector.broadcast %max3A : f32 to vector<1000x128xf32>
    %max3A_44 = arith.maximumf %add3A_42, %max3A_43 : vector<1000x128xf32>
    %convert_element_type3A_45 = arith.truncf %max3A_44 : vector<1000x128xf32> to vector<1000x128xbf16>
    %get3A_46 = arith.constant 0 : index
    %get3A_47 = arith.constant 0 : index
    %get3A_48 = vector.load %arg6[%get3A_46, %get3A_47] : memref<128x128xf32, #tpu.memory_space<vmem>>, vector<128x128xf32>
    %convert_element_type3A_49 = arith.truncf %get3A_48 : vector<128x128xf32> to vector<128x128xbf16>
    %dot_general3A_50 = arith.constant dense<0.000000e+00> : vector<1000x128xf32>
    %dot_general3A_51 = tpu.matmul %convert_element_type3A_45, %convert_element_type3A_49, %dot_general3A_50 {dimension_numbers = #tpu.dot_dimension_numbers<[1], [0], [0], [1], [0, 0, 1, 1], [], []>, transpose_lhs_hint = false} : vector<1000x128xbf16>, vector<128x128xbf16>, vector<1000x128xf32> -> vector<1000x128xf32>
    %get3A_52 = arith.constant 0 : index
    %get3A_53 = arith.constant 0 : index
    %get3A_54 = vector.load %arg7[%get3A_52, %get3A_53] : memref<1x128xf32, #tpu.memory_space<vmem>>, vector<1x128xf32>
    %add3A_55 = vector.broadcast %get3A_54 : vector<1x128xf32> to vector<1000x128xf32>
    %add3A_56 = arith.addf %dot_general3A_51, %add3A_55 : vector<1000x128xf32>
    %add3A_57 = arith.addf %add3A_56, %get3A_4 : vector<1000x128xf32>
    %swap3A = arith.constant 0 : index
    %swap3A_58 = arith.constant 0 : index
    %swap3A_59 = vector.load %arg8[%swap3A, %swap3A_58] : memref<1000x128xf32, #tpu.memory_space<vmem>>, vector<1000x128xf32>
    tpu.vector_store %arg8[%swap3A, %swap3A_58], %add3A_57 {strides = array<i32>} : memref<1000x128xf32, #tpu.memory_space<vmem>>, vector<1000x128xf32>,
    return
  }
  func.func @transform_0(%arg0: i32) -> (i32, i32) {
    %c0_i32 = arith.constant 0 : i32
    %c0_i32_0 = arith.constant 0 : i32
    return %arg0, %c0_i32 : i32, i32
  }
  func.func @transform_1(%arg0: i32) -> (i32, i32, i32) {
    %c0_i32 = arith.constant 0 : i32
    %c0_i32_0 = arith.constant 0 : i32
    %c0_i32_1 = arith.constant 0 : i32
    return %c0_i32, %arg0, %c0_i32_0 : i32, i32, i32
  }
  func.func @transform_2(%arg0: i32) -> (i32, i32, i32) {
    %c0_i32 = arith.constant 0 : i32
    %c0_i32_0 = arith.constant 0 : i32
    %c0_i32_1 = arith.constant 0 : i32
    return %c0_i32, %arg0, %c0_i32_0 : i32, i32, i32
  }
  func.func @transform_3(%arg0: i32) -> (i32, i32) {
    %c0_i32 = arith.constant 0 : i32
    %c0_i32_0 = arith.constant 0 : i32
    %c0_i32_1 = arith.constant 0 : i32
    return %c0_i32, %c0_i32_0 : i32, i32
  }
  func.func @transform_4(%arg0: i32) -> (i32, i32) {
    %c0_i32 = arith.constant 0 : i32
    %c0_i32_0 = arith.constant 0 : i32
    %c0_i32_1 = arith.constant 0 : i32
    return %c0_i32, %c0_i32_0 : i32, i32
  }
  func.func @transform_5(%arg0: i32) -> (i32, i32) {
    %c0_i32 = arith.constant 0 : i32
    %c0_i32_0 = arith.constant 0 : i32
    %c0_i32_1 = arith.constant 0 : i32
    return %c0_i32, %c0_i32_0 : i32, i32
  }
  func.func @transform_6(%arg0: i32) -> (i32, i32) {
    %c0_i32 = arith.constant 0 : i32
    %c0_i32_0 = arith.constant 0 : i32
    %c0_i32_1 = arith.constant 0 : i32
    return %c0_i32, %c0_i32_0 : i32, i32
  }
  func.func @transform_7(%arg0: i32) -> (i32, i32) {
    %c0_i32 = arith.constant 0 : i32
    %c0_i32_0 = arith.constant 0 : i32
    return %arg0, %c0_i32 : i32, i32
  }
}

</mosaic_0001>

<sc_bundles>
// kernel: kernel.12.cloned.1.call-start
scs
__scs_entry_jumppad:
0x0: {  	(pc) =	sbr.rel $0x88, $3  }
0x1: {  	(tag) =	ssettag $0x0;
	lr =	simm.s32 $0x1  }
0x2: {  	[smem:$0x3F8E] =	sst lr;
	_ =	strace $0xD0000000  }
0x3: {  	_ = 	snop  }
0x4: {  	_ = 	snop  }
0x5: {  	_ = 	snop  }
0x6: {  	_ = 	snop  }
0x7: {  	_ = 	snop  }
__scs_overlays_trampoline_lowered:
0x8: {  	[smem:$0x3F9D] =	sst s0  }
0x9: {  	[smem:$0x3F9E] =	sst s1  }
0xa: {  	[smem:$0x3F9F] =	sst s2  }
0xb: {  	[smem:$0x3FA0] =	sst s3  }
0xc: {  	[smem:$0x3FA1] =	sst s4  }
0xd: {  	[smem:$0x3FA2] =	sst s5  }
0xe: {  	[smem:$0x3FA3] =	sst s6  }
0xf: {  	[smem:$0x3FA4] =	sst s7  }
0x10: {  	[smem:$0x3FA5] =	sst s8  }
0x11: {  	[smem:$0x3FA6] =	sst s9;
	s0 =	simm.s32 @!p0 $0x0  }
0x12: {  	s1 =	sld [smem:$0x3F8C];
	s0 =	simm.s32 @p0 $0x1  }
0x13: {  	[smem:$0x3FA7] =	sst s0;
	s0 =	simm.s32 @!p1 $0x0  }
0x14: {  	s2 =	sld [smem:$0x3F8B];
	s0 =	simm.s32 @p1 $0x1  }
0x15: {  	[smem:$0x3FA8] =	sst s0;
	s0 =	simm.s32 @!p2 $0x0  }
0x16: {  	s3 =	sld [smem:$0x3FDB];
	s0 =	simm.s32 @p2 $0x1  }
0x17: {  	s4 =	simm.s32 $0x1BF5;
	[smem:$0x3FAA] =	sst s0  }
0x18: {  	s0 =	sld [smem:$0x3F8D];
	_ =	swait.ge [sflag:s4], $0x0  }
0x19: {  	s7 =	sld [smem:$0x3F8E]  }
0x1a: {  	s8 =	sadd.s32 $0xFFFFE003, lr  }
0x1b: {  	s9 =	sadd.s32 $0xFFFFFEF7, lr;
	s5 =	simm.s32 $0xFFFFFFFF;
	p2 =	slt.u32 s8, $0xFFFFF086  }
0x1c: {  	p1 =	slt.u32 s9, $0xF7A;
	s5 =	simm.s32 @!p2 $0x0  }
0x1d: {  	s5 =	simm.s32 @p1 $0x1;
	p0 =	seq.s32 s7, s2  }
0x1e: {  	s7 =	smul.u32 @!p0 $0xF7A, s2;
	p2 =	seq.s32 @!p0 s5, $0x0  }
0x1f: {  	s9 =	smul.u32 $0xF7A, s1;
	s8 =	simm.s32 @!p0 $0x1BF5;
	p2 =	por !p2, p0  }
0x20: {  	[sflag:s8] =	ssyncset.s32 @!p0 $0xFFFFF086;
	s6 =	sadd.s32 @!p0 s3, s7;
	s7 =	simm.s32 @!p0 $0x108  }
0x21: {  	s3 =	sadd.s32 s3, s9;
	s6 =	sadd.s32 @!p0 $0x88, s6;
	s7 =	simm.s32 @p2 $0x1082  }
0x22: {  	[simem:s7], [sflag:s8] =	dma.local @!p0 [hbm:s6], $0xF7A  }
0x23: {  	s9 =	sor.u32 $0xD0000000, s2;
	s6 =	simm.s32 $0x108;
	_ =	swait.ge @!p0 [sflag:s8], $0x0  }
0x24: {  	s3 =	sadd.s32 $0x88, s3;
	s6 =	simm.s32 @!p1 $0x1082;
	[sflag:s4] =	ssyncset.s32 $0xFFFFF086  }
0x25: {  	[simem:s6], [sflag:s4] =	dma.local [hbm:s3], $0xF7A  }
0x26: {  	[smem:$0x3F8E] =	sst s1;
	(tag) =	ssettag s2;
	_ =	strace s9  }
0x27: {  	s1 =	sld [smem:$0x3F9E]  }
0x28: {  	s2 =	sld [smem:$0x3F9F]  }
0x29: {  	s4 =	sld [smem:$0x3FA1]  }
0x2a: {  	p0 =	seq.s32 s5, $0x0;
	s5 =	sld [smem:$0x3FA2]  }
0x2b: {  	s6 =	sld [smem:$0x3FA3]  }
0x2c: {  	s7 =	sld [smem:$0x3FA4]  }
0x2d: {  	s3 =	simm.s32 $0x108;
	s8 =	sld [smem:$0x3FA5]  }
0x2e: {  	s3 =	simm.s32 @!p0 $0x1082;
	s9 =	sld [smem:$0x3FA6]  }
0x2f: {  	lr =	sadd.s32 s0, s3;
	s0 =	sld [smem:$0x3F9D]  }
0x30: {  	s3 =	sld [smem:$0x3FA0]  }
0x31: {  	[smem:$0x3FA9] =	sst s10  }
0x32: {  	s10 =	sld [smem:$0x3FA7];
	_ =	sdelay $0x3  }
0x33: {  	p0 =	seq.s32 s10, $0x1;
	s10 =	sld [smem:$0x3FA9];
	_ =	sdelay $0x3  }
0x34: {  	[smem:$0x3FA9] =	sst s10  }
0x35: {  	s10 =	sld [smem:$0x3FA8];
	_ =	sdelay $0x3  }
0x36: {  	p1 =	seq.s32 s10, $0x1;
	s10 =	sld [smem:$0x3FA9];
	_ =	sdelay $0x3  }
0x37: {  	[smem:$0x3FA9] =	sst s10  }
0x38: {  	s10 =	sld [smem:$0x3FAA]  }
0x39: {  	_ = 	snop;
	(pc) =	sbr.ind lr, $3  }
0x3a: {  	_ = 	snop  }
0x3b: {  	_ = 	snop  }
0x3c: {  	p2 =	seq.s32 s10, $0x1;
	s10 =	sld [smem:$0x3FA9]  }
0x3d: {  	_ =	shalt  }
0x3e: {  	_ =	shalt  }
0x3f: {  	_ =	shalt  }
0x40: {  	_ =	shalt  }
0x41: {  	_ =	shalt  }
0x42: {  	_ =	shalt  }
0x43: {  	_ =	shalt  }
0x44: {  	_ =	shalt  }
0x45: {  	_ =	shalt  }
0x46: {  	_ =	shalt  }
0x47: {  	_ =	shalt  }
0x48: {  	_ =	shalt  }
0x49: {  	_ =	shalt  }
0x4a: {  	_ =	shalt  }
0x4b: {  	_ =	shalt  }
0x4c: {  	_ =	shalt  }
0x4d: {  	_ =	shalt  }
0x4e: {  	_ =	shalt  }
0x4f: {  	_ =	shalt  }
0x50: {  	_ =	shalt  }
0x51: {  	_ =	shalt  }
0x52: {  	_ =	shalt  }
0x53: {  	_ =	shalt  }
0x54: {  	_ =	shalt  }
0x55: {  	_ =	shalt  }
0x56: {  	_ =	shalt  }
0x57: {  	_ =	shalt  }
0x58: {  	_ =	shalt  }
0x59: {  	_ =	shalt  }
0x5a: {  	_ =	shalt  }
0x5b: {  	_ =	shalt  }
0x5c: {  	_ =	shalt  }
0x5d: {  	_ =	shalt  }
0x5e: {  	_ =	shalt  }
0x5f: {  	_ =	shalt  }
0x60: {  	_ =	shalt  }
0x61: {  	_ =	shalt  }
0x62: {  	_ =	shalt  }
0x63: {  	_ =	shalt  }
0x64: {  	_ =	shalt  }
0x65: {  	_ =	shalt  }
0x66: {  	_ =	shalt  }
0x67: {  	_ =	shalt  }
0x68: {  	_ =	shalt  }
0x69: {  	_ =	shalt  }
0x6a: {  	_ =	shalt  }
0x6b: {  	_ =	shalt  }
0x6c: {  	_ =	shalt  }
0x6d: {  	_ =	shalt  }
0x6e: {  	_ =	shalt  }
0x6f: {  	_ =	shalt  }
0x70: {  	_ =	shalt  }
0x71: {  	_ =	shalt  }
0x72: {  	_ =	shalt  }
0x73: {  	_ =	shalt  }
0x74: {  	_ =	shalt  }
0x75: {  	_ =	shalt  }
0x76: {  	_ =	shalt  }
0x77: {  	_ =	shalt  }
0x78: {  	_ =	shalt  }
0x79: {  	_ =	shalt  }
0x7a: {  	_ =	shalt  }
0x7b: {  	_ =	shalt  }
0x7c: {  	_ =	shalt  }
0x7d: {  	_ =	shalt  }
0x7e: {  	_ =	shalt  }
0x7f: {  	_ =	shalt  }
0x80: {  	_ =	shalt  }
0x81: {  	_ =	shalt  }
0x82: {  	_ =	shalt  }
0x83: {  	_ =	shalt  }
0x84: {  	_ =	shalt  }
0x85: {  	_ =	shalt  }
0x86: {  	_ =	shalt  }
0x87: {  	_ =	shalt  }
.Lfunc_end0:
.L_simem_size_0:
called_computation.1_lowered:
.L_overlay_start_0:
0x88: {  	s2 =	sld [smem:$0x3FD9]  }
0x89: {  	s3 =	sld [smem:$0x3FFE];
	_ =	sdelay $0x1  }
0x8a: {  	s1 =	srdreg.scid  }
0x8b: {  	s0 =	sand.u32 $0x1, s1  }
0x8c: {  	s17 =	sshll.u32 s0, $0xA;
	s2 =	sadd.s32 s3, s2  }
0x8d: {  	s2 =	sadd.s32 s2, s17  }
0x8e: {  	[smem:$0x3FB5] =	sst s2  }
0x8f: {  	_ = 	snop  }
0x90: {  	s18 =	sld [smem:$0x3FC9]  }
0x91: {  	s4 =	sld [smem:$0x3FC4]  }
0x92: {  	s5 =	sld [smem:$0x3FC3];
	(tm) =	ssettm $0x1  }
0x93: {  	s19 =	sld [smem:$0x3FFB];
	_ =	sdelay $0x3  }
0x94: {  	_ =	strace s19  }
0x95: {  	s2 =	sld [smem:$0x3FFC];
	_ =	sdelay $0x3  }
0x96: {  	_ =	strace s2  }
0x97: {  	s2 =	sld [smem:$0x3FFD];
	_ =	sdelay $0x3  }
0x98: {  	_ =	strace s2  }
0x99: {  	_ =	strace $0x8FFFFFFF  }
0x9a: {  	s20 =	sld [smem:$0x3FDB];
	_ =	sdelay $0x1  }
0x9b: {  	s6 =	simm.s32 $_scs_section_size  }
0x9c: {  	s7 =	simm.s32 $_size__tile_overlayer_lowered;
	s8 =	simm.s32 $_tile_overlayer_lowered  }
0x9d: {  	s9 =	simm.s32 $0x1BFF;
	s21 =	sshll.u32 s8, $0x1;
	s6 =	sadd.s32 s6, s20  }
0x9e: {  	s22 =	simm.s32 $0x0;
	s7 =	sshll.u32 s7, $0x1;
	s8 =	sadd.s32 s21, s6  }
0x9f: {  	[timem:s22], [sflag:s9] =	dma.local [hbm:s8], s7  }
0xa0: {  	_ =	swait.ge [sflag:s9], s7  }
0xa1: {  	s7 =	ssub.s32 $0x0, s7;
	[sflag:s9] =	ssyncset.done $0x0  }
0xa2: {  	[sflag:s9] =	ssyncadd.s32 s7;
	_ =	sdelay $0x1  }
0xa3: {  	s23 =	simm.s32 $0x1B8B  }
0xa4: {  	_ =	swait.ge [sflag:s23], $0x1  }
0xa5: {  	[sflag:s23] =	ssyncset.done $0x0  }
0xa6: {  	[sflag:s23] =	ssyncadd.s32 $0xFFFFFFFF  }
0xa7: {  	s7 =	sld [smem:$0x0]  }
0xa8: {  	s8 =	sand.u32 $0xFFFFFFFE, s1  }
0xa9: {  	p0 =	sne.s32 s1, s8  }
0xaa: {  	s8 =	sshll.u32 @p0 s8, $0xE  }
0xab: {  	s8 =	sadd.s32 @p0 $0x11B8D, s8;
	s9 =	sshll.u32 @p0 s7, $0x11  }
0xac: {  	s8 =	sor.u32 @p0 s9, s8  }
0xad: {  	[sflag:s8] =	ssyncadd.remote.s32 @p0 $0x1;
	_ =	sdelay $0x1  }
0xae: {  	s8 =	simm.s32 @p0 $0x1B8D  }
0xaf: {  	_ =	swait.eq @p0 [sflag:s8], $0x1  }
0xb0: {  	[sflag:s8] =	ssyncadd.s32 @p0 $0xFFFFFFFF  }
0xb1: {  	s9 =	sshll.u32 @!p0 s1, $0xE  }
0xb2: {  	s9 =	sor.u32 @!p0 $0x4000, s9;
	s8 =	simm.s32 @!p0 $0x1B8D  }
0xb3: {  	s7 =	sshll.u32 @!p0 s7, $0x11;
	s9 =	sadd.s32 @!p0 $0x11B8D, s9;
	_ =	swait.eq @!p0 [sflag:s8], $0x1  }
0xb4: {  	s7 =	sor.u32 @!p0 s7, s9;
	[sflag:s8] =	ssyncadd.s32 @!p0 $0xFFFFFFFF  }
0xb5: {  	s25 =	simm.s32 $0x1B8E;
	s24 =	sld [smem:$0x3FFE];
	[sflag:s7] =	ssyncadd.remote.s32 @!p0 $0x1  }
0xb6: {  	s26 =	simm.s32 $execute0_lowered;
	[smem:$0x3FD2] =	sst s25  }
0xb7: {  	s8 =	sshll.u32 s26, $0x1;
	_ =	strace $0x80000049;
	[dreg:$0x1] =	wrdreg $0xFFFFFFFF  }
0xb8: {  	s28 =	simm.s32 $_size_execute0_lowered;
	s6 =	sadd.s32 s6, s8;
	[dreg:$0x0] =	wrdreg $0x0  }
0xb9: {  	s8 =	sshll.u32 s28, $0x1;
	[dreg:$0x2] =	wrdreg s6  }
0xba: {  	[dreg:$0x3] =	wrdreg s8  }
0xbb: {  	[dreg:$0x4] =	wrdreg $0xC0  }
0xbc: {  	_ =	task [dreg:s22], $0x5FFFF  }
0xbd: {  	[dreg:$0x1] =	wrdreg $0xFFFFFFFF  }
0xbe: {  	[dreg:$0x0] =	wrdreg $0x60  }
0xbf: {  	[dreg:$0x2] =	wrdreg s18  }
0xc0: {  	[dreg:$0x3] =	wrdreg s4  }
0xc1: {  	[dreg:$0x4] =	wrdreg s5  }
0xc2: {  	[dreg:$0x5] =	wrdreg s24  }
0xc3: {  	[dreg:$0x6] =	wrdreg $0x9  }
0xc4: {  	_ =	task.clear_ibuf [dreg:s22], $0x7FFFF;
	_ =	strace $0x90000049  }
0xc5: {  	s29 =	simm.s32 $0x9;
	_ =	strace $0x8000004B  }
0xc6: {  	_ =	swait.ge [sflag:s29], $0x1  }
0xc7: {  	[sflag:s29] =	ssyncadd.s32 $0xFFFFFFFF  }
0xc8: {  	_ =	strace $0x9000004B  }
0xc9: {  	_ =	sfence  }
0xca: {  	s30 =	sld [smem:$0x0];
	_ =	sdelay $0x2  }
0xcb: {  	s31 =	sshll.u32 s1, $0xD;
	s1 =	sshrl.u32 s1, $0x2  }
0xcc: {  	s4 =	sand.u32 $0x4000, s31;
	s1 =	sadd.s32 s1, s30  }
0xcd: {  	s0 =	sor.u32 s4, s0;
	s1 =	sshll.u32 s1, $0x11  }
0xce: {  	s0 =	sor.u32 s1, s0  }
0xcf: {  	s0 =	sadd.s32 $0x8F2B, s0  }
0xd0: {  	[sflag:s0] =	ssyncadd.remote.s32 $0x1  }
0xd1: {  	_ =	sfence.sel $0xFFFF  }
0xd2: {  	[dreg:$0x0] =	wrdreg $0xFFFFFFFF;
	(pc) =	sbr.abs _section_cstart, $3  }
0xd3: {  	[dreg:$0x1] =	wrdreg $0xFFFFFFFF  }
0xd4: {  	_ =	task.clear_ibuf [dreg:s22], $0x2FFFF;
	_ =	strace $0x9FFFFFFF  }
0xd5: {  	(tm) =	ssettm $0x7FFFFFFF  }
tec
execute0_lowered:
.L_overlay_start_1:
0x0: {  	(tag) =	ssettag $0x1  }
0x1: {  	s0 =	srdreg.scid;
	s5 =	stileid.u32  }
0x2: {  	s0 =	sand.u32 $0x1, s0;
	s6 =	sshll.u32 s5, $0x1  }
0x3: {  	s6 =	sor.u32 s0, s6  }
0x4: {  	p0 =	sgt.u32 s6, $0x18  }
.Ltmp0:
0x5: {  	s1 =	rddreg [dreg:$0x0];
	(pc) =	sbr.rel @p0 .LBB2_5-.Ltmp0, $4  }
0x6: {  	s2 =	rddreg [dreg:$0x1]  }
0x7: {  	s4 =	rddreg [dreg:$0x2];
	s5 =	simm.s32 $0x0  }
0x8: {  	[smem:$0x7FF] =	sst s5  }
0x9: {  	s3 =	rddreg [dreg:$0x3];
	_ =	strace $0x8000004A  }
0xa: {  	s7 =	smul.u32 $0x64000, s6  }
0xb: {  	s8 =	sadd.s32 $0x9C7E00, s3;
	s23 =	smul.u32 $0xC80, s6  }
0xc: {  	s24 =	sadd.s32 $0xB00600, s3;
	s10 =	ssub.s32 $0x2, s0;
	s16 =	smul.u32 $0xC80, s0  }
0xd: {  	s13 =	stileid.u32;
	s19 =	smul.u32 $0xC800, s0;
	s28 =	simm.s32 $0x4200  }
0xe: {  	s29 =	simm.s32 $0xC200;
	s30 =	simm.s32 $0x6;
	s31 =	simm.s32 $0x8  }
0xf: {  	s25 =	sshrl.u32 s10, $0x1;
	s14 =	smul.u32 $0x1900, s13;
	s6 =	sshrl.u32 s23, $0x3  }
0x10: {  	s7 =	sshrl.u32 s7, $0x3;
	s11 =	sadd.s32 $0x80, s23;
	s15 =	sadd.s32 s4, s6  }
0x11: {  	s26 =	ssub.s32 s10, s25;
	s6 =	sadd.s32 s2, s6;
	[dreg:$0xd] =	wrdreg s15  }
0x12: {  	s9 =	sadd.s32 $0xC000, s7;
	s17 =	sadd.s32 s7, s24;
	[dreg:$0xe] =	wrdreg s6  }
0x13: {  	s18 =	sadd.s32 s7, s8;
	s20 =	smax.u32 s26, $0x1;
	[dreg:$0x5] =	wrdreg s17  }
0x14: {  	s22 =	sadd.s32 s16, s14;
	s16 =	simm.s32 $0x100;
	[dreg:$0xf] =	wrdreg s20  }
0x15: {  	s12 =	sadd.s32 s8, s9;
	s9 =	sadd.s32 s24, s9;
	[dreg:$0x6] =	wrdreg s18  }
0x16: {  	s23 =	sadd.s32 $0x180, s22;
	s26 =	sadd.s32 $0x100, s22;
	[dreg:$0x9] =	wrdreg s12  }
0x17: {  	s17 =	simm.s32 $0x80;
	s18 =	simm.s32 $0x180;
	[dreg:$0xa] =	wrdreg s9  }
0x18: {  	s20 =	simm.s32 $0x3;
	s12 =	sshrl.u32 s11, $0x3;
	[dreg:$0x12] =	wrdreg s26  }
0x19: {  	s11 =	sadd.s32 s4, s12;
	s10 =	sadd.s32 s2, s12;
	s12 =	smul.u32 $0x19000, s13  }
0x1a: {  	s22 =	simm.s32 $0x8200;
	s26 =	simm.s32 $0x4;
	[dreg:$0xb] =	wrdreg s11  }
0x1b: {  	[dreg:$0xc] =	wrdreg s10;
	s21 =	sadd.s32 s12, s8;
	s3 =	sadd.s32 s12, s24  }
0x1c: {  	s24 =	sshrl.u32 s23, $0x3;
	s23 =	simm.s32 $0x5;
	s8 =	simm.s32 $0x0  }
0x1d: {  	s6 =	sadd.s32 s19, s21;
	s0 =	sadd.s32 s19, s3;
	s25 =	sadd.s32 s24, s4  }
0x1e: {  	s3 =	sadd.s32 s24, s2;
	s19 =	simm.s32 $0x1;
	[dreg:$0x10] =	wrdreg s25  }
0x1f: {  	s21 =	simm.s32 $0x200;
	s6 =	sadd.s32 $0x800, s6;
	[dreg:$0x11] =	wrdreg s3  }
0x20: {  	s24 =	simm.s32 $0x7;
	s0 =	sadd.s32 $0x800, s0;
	[dreg:$0x7] =	wrdreg s6  }
0x21: {  	s25 =	simm.s32 $0x2;
	[dreg:$0x8] =	wrdreg s0;
	s0 =	simm.s32 $0xB  }
.LBB2_2:
0x22: {  	s6 =	simm.s32 $0x0;
	s3 =	rddreg [dreg:$0xe]  }
0x23: {  	[tilespmem:s6], [sflag:$0x1] =	stream.linear.gather [hbm4b:s3+s6], $0x80, $0x38;
	[tilespmem:$0x10200] =	vst v63  }
0x24: {  	s11 =	rddreg [dreg:$0xd]  }
0x25: {  	[tilespmem:s16], [sflag:$0x3] =	stream.linear.gather [hbm4b:s11+s6], $0x80, $0x38;
	[tilespmem:$0x10200] =	vst v63  }
0x26: {  	s12 =	rddreg [dreg:$0xc]  }
0x27: {  	[tilespmem:s17], [sflag:$0x2] =	stream.linear.gather [hbm4b:s12+s6], $0x80, $0x38;
	[tilespmem:$0x10200] =	vst v63  }
0x28: {  	s13 =	rddreg [dreg:$0xb]  }
0x29: {  	[tilespmem:s18], [sflag:$0x4] =	stream.linear.gather [hbm4b:s13+s6], $0x80, $0x38;
	[tilespmem:$0x10200] =	vst v63  }
0x2a: {  	_ =	swait.ge [sflag:s19], $0x80  }
0x2b: {  	[sflag:s19] =	ssyncset.done $0x0  }
0x2c: {  	[sflag:s19] =	ssyncadd.s32 $0xFFFFFF80  }
0x2d: {  	_ =	swait.ge [sflag:s20], $0x80  }
0x2e: {  	p0 =	por $0x1, $0x1;
	[sflag:s20] =	ssyncset.done $0x0  }
0x2f: {  	s6 =	simm.s32 @!p0 $0x9;
	[sflag:s20] =	ssyncadd.s32 $0xFFFFFF80  }
0x30: {  	_ =	swait.ge @!p0 [sflag:s6], $0x4000  }
0x31: {  	[sflag:s6] =	ssyncset.done @!p0 $0x0  }
0x32: {  	[sflag:s6] =	ssyncadd.s32 @!p0 $0xFFFFC000;
	s6 =	simm.s32 @!p0 $0xB  }
0x33: {  	_ =	swait.ge @!p0 [sflag:s6], $0x4000  }
0x34: {  	[sflag:s6] =	ssyncset.done @!p0 $0x0  }
0x35: {  	[sflag:s6] =	ssyncadd.s32 @!p0 $0xFFFFC000  }
0x36: {  	[tilespmem:s21], [sflag:$0x5] =	stream.indirect.gather [hbm4b:s1+s17], $0x80, s5, s17, $0xb8;
	[tilespmem:$0x10200] =	vst v63  }
0x37: {  	_ = 	snop  }
0x38: {  	[tilespmem:s22], [sflag:$0x7] =	stream.indirect.gather [hbm4b:s1+s17], $0x80, s16, s17, $0xb8;
	[tilespmem:$0x10200] =	vst v63  }
0x39: {  	_ =	swait.ge [sflag:s23], $0x4000  }
0x3a: {  	[sflag:s23] =	ssyncset.done $0x0  }
0x3b: {  	[sflag:s23] =	ssyncadd.s32 $0xFFFFC000  }
0x3c: {  	_ =	swait.ge [sflag:s24], $0x4000  }
0x3d: {  	s3 =	rddreg [dreg:$0x12]  }
0x3e: {  	[sflag:s24] =	ssyncset.done $0x0;
	s14 =	sshrl.u32 s3, $0x3  }
0x3f: {  	[sflag:s24] =	ssyncadd.s32 $0xFFFFC000;
	s7 =	sadd.s32 s2, s14  }
0x40: {  	[tilespmem:s5], [sflag:$0x1] =	stream.linear.gather [hbm4b:s7+s5], $0x80, $0x38;
	[tilespmem:$0x10200] =	vst v63  }
0x41: {  	s9 =	rddreg [dreg:$0x6];
	s6 =	sadd.s32 s4, s14  }
0x42: {  	[tilespmem:s16], [sflag:$0x3] =	stream.linear.gather [hbm4b:s6+s5], $0x80, $0x38;
	[tilespmem:$0x10200] =	vst v63  }
0x43: {  	s15 =	rddreg [dreg:$0x5];
	s10 =	sadd.s32 $0x0, s9  }
0x44: {  	[hbm4b:s10+s5] =	stream.linear.scatter [tilespmem:s21], [sflag:$0x9], $0x4000, $0x38;
	[tilespmem:$0x10200] =	vst v63  }
0x45: {  	s11 =	sadd.s32 $0x0, s15  }
0x46: {  	[hbm4b:s11+s5] =	stream.linear.scatter [tilespmem:s22], [sflag:$0xB], $0x4000, $0x38;
	[tilespmem:$0x10200] =	vst v63  }
0x47: {  	_ =	swait.ge [sflag:s25], $0x80  }
0x48: {  	[sflag:s25] =	ssyncset.done $0x0  }
0x49: {  	[sflag:s25] =	ssyncadd.s32 $0xFFFFFF80  }
0x4a: {  	_ =	swait.ge [sflag:s26], $0x80  }
0x4b: {  	[sflag:s26] =	ssyncset.done $0x0  }
0x4c: {  	s6 =	simm.s32 @!p0 $0xA;
	[sflag:s26] =	ssyncadd.s32 $0xFFFFFF80  }
0x4d: {  	_ =	swait.ge @!p0 [sflag:s6], $0x4000  }
0x4e: {  	[sflag:s6] =	ssyncset.done @!p0 $0x0  }
0x4f: {  	[sflag:s6] =	ssyncadd.s32 @!p0 $0xFFFFC000;
	s6 =	simm.s32 @!p0 $0xC  }
0x50: {  	_ =	swait.ge @!p0 [sflag:s6], $0x4000  }
0x51: {  	[sflag:s6] =	ssyncset.done @!p0 $0x0  }
0x52: {  	[sflag:s6] =	ssyncadd.s32 @!p0 $0xFFFFC000  }
0x53: {  	[tilespmem:s28], [sflag:$0x6] =	stream.indirect.gather [hbm4b:s1+s17], $0x80, s17, s17, $0xb8;
	[tilespmem:$0x10200] =	vst v63  }
0x54: {  	_ = 	snop  }
0x55: {  	[tilespmem:s29], [sflag:$0x8] =	stream.indirect.gather [hbm4b:s1+s17], $0x80, s18, s17, $0xb8;
	[tilespmem:$0x10200] =	vst v63  }
0x56: {  	_ =	swait.ge [sflag:s30], $0x4000  }
0x57: {  	[sflag:s30] =	ssyncset.done $0x0  }
0x58: {  	[sflag:s30] =	ssyncadd.s32 $0xFFFFC000  }
0x59: {  	_ =	swait.ge [sflag:s31], $0x4000  }
0x5a: {  	p0 =	por $0x0, $0x0;
	s12 =	rddreg [dreg:$0x7]  }
0x5b: {  	s7 =	simm.s32 @!p0 $0x0;
	[sflag:s31] =	ssyncset.done $0x0;
	s14 =	rddreg [dreg:$0x11]  }
0x5c: {  	s9 =	simm.s32 @!p0 $0x80;
	s13 =	rddreg [dreg:$0x10];
	[sflag:s31] =	ssyncadd.s32 $0xFFFFC000  }
0x5d: {  	[tilespmem:s9], [sflag:$0x2] =	stream.linear.gather @!p0 [hbm4b:s14+s7], $0x80, $0x38;
	[tilespmem:$0x10200] =	vst v63  }
0x5e: {  	s10 =	sadd.s32 $0x100, s3;
	s15 =	rddreg [dreg:$0x8];
	s9 =	simm.s32 @!p0 $0x180  }
0x5f: {  	[tilespmem:s9], [sflag:$0x4] =	stream.linear.gather @!p0 [hbm4b:s13+s7], $0x80, $0x38;
	[tilespmem:$0x10200] =	vst v63  }
0x60: {  	s6 =	sadd.s32 $0x0, s12;
	s9 =	simm.s32 $0x1000;
	s7 =	sadd.s32 $0x0, s15  }
0x61: {  	[hbm4b:s6+s5] =	stream.linear.scatter [tilespmem:s28], [sflag:$0xA], $0x4000, $0x38;
	[tilespmem:$0x10200] =	vst v63  }
.LBB2_3:
0x62: {  	[hbm4b:s7+s5] =	stream.linear.scatter [tilespmem:s29], [sflag:$0xC], $0x4000, $0x38;
	[tilespmem:$0x10200] =	vst v63  }
0x63: {  	_ =	swait.ge [sflag:s19], $0x80  }
0x64: {  	[sflag:s19] =	ssyncset.done $0x0  }
0x65: {  	[sflag:s19] =	ssyncadd.s32 $0xFFFFFF80  }
0x66: {  	s6 =	smov.u32 s9;
	_ =	swait.ge [sflag:s20], $0x80  }
0x67: {  	p1 =	seq.s32 s6, $0x0;
	[sflag:s20] =	ssyncset.done $0x0  }
0x68: {  	s7 =	simm.s32 @!p1 $0x9;
	[sflag:s20] =	ssyncadd.s32 $0xFFFFFF80  }
0x69: {  	_ =	swait.ge @!p1 [sflag:s7], $0x4000  }
0x6a: {  	[sflag:s7] =	ssyncset.done @!p1 $0x0  }
0x6b: {  	[sflag:s7] =	ssyncadd.s32 @!p1 $0xFFFFC000;
	s7 =	simm.s32 @!p1 $0xB  }
0x6c: {  	_ =	swait.ge @!p1 [sflag:s7], $0x4000  }
0x6d: {  	[sflag:s7] =	ssyncset.done @!p1 $0x0  }
0x6e: {  	[sflag:s7] =	ssyncadd.s32 @!p1 $0xFFFFC000  }
0x6f: {  	[tilespmem:s21], [sflag:$0x5] =	stream.indirect.gather [hbm4b:s1+s17], $0x80, s5, s17, $0xb8;
	[tilespmem:$0x10200] =	vst v63  }
0x70: {  	_ = 	snop  }
0x71: {  	[tilespmem:s22], [sflag:$0x7] =	stream.indirect.gather [hbm4b:s1+s17], $0x80, s16, s17, $0xb8;
	[tilespmem:$0x10200] =	vst v63  }
0x72: {  	_ =	swait.ge [sflag:s23], $0x4000  }
0x73: {  	[sflag:s23] =	ssyncset.done $0x0  }
0x74: {  	[sflag:s23] =	ssyncadd.s32 $0xFFFFC000  }
0x75: {  	_ =	swait.ge [sflag:s24], $0x4000  }
0x76: {  	s12 =	sshrl.u32 s10, $0x3;
	[sflag:s24] =	ssyncset.done $0x0  }
0x77: {  	s11 =	sadd.s32 s2, s12;
	[sflag:s24] =	ssyncadd.s32 $0xFFFFC000  }
0x78: {  	[tilespmem:s5], [sflag:$0x1] =	stream.linear.gather [hbm4b:s11+s5], $0x80, $0x38;
	[tilespmem:$0x10200] =	vst v63  }
0x79: {  	s7 =	sadd.s32 s4, s12;
	s15 =	rddreg [dreg:$0x6]  }
0x7a: {  	[tilespmem:s16], [sflag:$0x3] =	stream.linear.gather [hbm4b:s7+s5], $0x80, $0x38;
	[tilespmem:$0x10200] =	vst v63  }
0x7b: {  	s3 =	rddreg [dreg:$0x5];
	s12 =	sadd.s32 s6, s15  }
0x7c: {  	[hbm4b:s12+s5] =	stream.linear.scatter [tilespmem:s21], [sflag:$0x9], $0x4000, $0x38;
	[tilespmem:$0x10200] =	vst v63  }
0x7d: {  	s15 =	sadd.s32 s6, s3  }
0x7e: {  	[hbm4b:s15+s5] =	stream.linear.scatter [tilespmem:s22], [sflag:$0xB], $0x4000, $0x38;
	[tilespmem:$0x10200] =	vst v63  }
0x7f: {  	_ =	swait.ge [sflag:s25], $0x80  }
0x80: {  	[sflag:s25] =	ssyncset.done $0x0  }
0x81: {  	[sflag:s25] =	ssyncadd.s32 $0xFFFFFF80  }
0x82: {  	_ =	swait.ge [sflag:s26], $0x80  }
0x83: {  	[sflag:s26] =	ssyncset.done $0x0  }
0x84: {  	s7 =	simm.s32 @!p1 $0xA;
	[sflag:s26] =	ssyncadd.s32 $0xFFFFFF80  }
0x85: {  	_ =	swait.ge @!p1 [sflag:s7], $0x4000  }
0x86: {  	[sflag:s7] =	ssyncset.done @!p1 $0x0  }
0x87: {  	[sflag:s7] =	ssyncadd.s32 @!p1 $0xFFFFC000;
	s7 =	simm.s32 @!p1 $0xC  }
0x88: {  	_ =	swait.ge @!p1 [sflag:s7], $0x4000  }
0x89: {  	[sflag:s7] =	ssyncset.done @!p1 $0x0  }
0x8a: {  	[sflag:s7] =	ssyncadd.s32 @!p1 $0xFFFFC000  }
0x8b: {  	[tilespmem:s28], [sflag:$0x6] =	stream.indirect.gather [hbm4b:s1+s17], $0x80, s17, s17, $0xb8;
	[tilespmem:$0x10200] =	vst v63  }
0x8c: {  	_ = 	snop  }
0x8d: {  	[tilespmem:s29], [sflag:$0x8] =	stream.indirect.gather [hbm4b:s1+s17], $0x80, s18, s17, $0xb8;
	[tilespmem:$0x10200] =	vst v63  }
0x8e: {  	_ =	swait.ge [sflag:s30], $0x4000  }
0x8f: {  	[sflag:s30] =	ssyncset.done $0x0  }
0x90: {  	[sflag:s30] =	ssyncadd.s32 $0xFFFFC000  }
0x91: {  	s14 =	sadd.s32 $0x20, s14;
	s9 =	sadd.s32 $0x1000, s9;
	_ =	swait.ge [sflag:s31], $0x4000  }
0x92: {  	p0 =	sne.s32 s9, $0xC000;
	p1 =	seq.s32 s6, $0xB000;
	[sflag:s31] =	ssyncset.done $0x0  }
0x93: {  	s11 =	simm.s32 @!p1 $0x0;
	s12 =	simm.s32 @!p1 $0x80;
	[sflag:s31] =	ssyncadd.s32 $0xFFFFC000  }
0x94: {  	[tilespmem:s12], [sflag:$0x2] =	stream.linear.gather @!p1 [hbm4b:s14+s11], $0x80, $0x38;
	[tilespmem:$0x10200] =	vst v63  }
.Ltmp1:
0x95: {  	s7 =	rddreg [dreg:$0x7];
	(pc) =	sbr.rel @p0 .LBB2_3-.Ltmp1, $4  }
0x96: {  	s13 =	sadd.s32 $0x20, s13;
	s3 =	simm.s32 @!p1 $0x180;
	s15 =	rddreg [dreg:$0x8]  }
0x97: {  	[tilespmem:s3], [sflag:$0x4] =	stream.linear.gather @!p1 [hbm4b:s13+s11], $0x80, $0x38;
	[tilespmem:$0x10200] =	vst v63  }
0x98: {  	s10 =	sadd.s32 $0x100, s10;
	s12 =	sadd.s32 s6, s7;
	s7 =	sadd.s32 s6, s15  }
0x99: {  	[hbm4b:s12+s5] =	stream.linear.scatter [tilespmem:s28], [sflag:$0xA], $0x4000, $0x38;
	[tilespmem:$0x10200] =	vst v63  }
0x9a: {  	[hbm4b:s7+s5] =	stream.linear.scatter [tilespmem:s29], [sflag:$0xC], $0x4000, $0x38;
	[tilespmem:$0x10200] =	vst v63  }
0x9b: {  	_ =	swait.ge [sflag:s19], $0x80  }
0x9c: {  	[sflag:s19] =	ssyncset.done $0x0  }
0x9d: {  	[sflag:s19] =	ssyncadd.s32 $0xFFFFFF80  }
0x9e: {  	_ =	swait.ge [sflag:s20], $0x80  }
0x9f: {  	[sflag:s20] =	ssyncset.done $0x0  }
0xa0: {  	s6 =	simm.s32 $0x9;
	[sflag:s20] =	ssyncadd.s32 $0xFFFFFF80  }
0xa1: {  	_ =	swait.ge [sflag:s6], $0x4000  }
0xa2: {  	[sflag:s6] =	ssyncset.done $0x0  }
0xa3: {  	[sflag:s6] =	ssyncadd.s32 $0xFFFFC000  }
0xa4: {  	_ =	swait.ge [sflag:s0], $0x4000  }
0xa5: {  	[sflag:s0] =	ssyncset.done $0x0  }
0xa6: {  	[sflag:s0] =	ssyncadd.s32 $0xFFFFC000  }
0xa7: {  	[tilespmem:s21], [sflag:$0x5] =	stream.indirect.gather [hbm4b:s1+s17], $0x80, s5, s17, $0xb8;
	[tilespmem:$0x10200] =	vst v63  }
0xa8: {  	_ = 	snop  }
0xa9: {  	[tilespmem:s22], [sflag:$0x7] =	stream.indirect.gather [hbm4b:s1+s17], $0x80, s16, s17, $0xb8;
	[tilespmem:$0x10200] =	vst v63  }
0xaa: {  	_ =	swait.ge [sflag:s23], $0x4000  }
0xab: {  	[sflag:s23] =	ssyncset.done $0x0  }
0xac: {  	[sflag:s23] =	ssyncadd.s32 $0xFFFFC000  }
0xad: {  	_ =	swait.ge [sflag:s24], $0x4000  }
0xae: {  	[sflag:s24] =	ssyncset.done $0x0  }
0xaf: {  	s3 =	rddreg [dreg:$0x9];
	[sflag:s24] =	ssyncadd.s32 $0xFFFFC000  }
0xb0: {  	[hbm4b:s3+s5] =	stream.linear.scatter [tilespmem:s21], [sflag:$0x9], $0x4000, $0x38;
	[tilespmem:$0x10200] =	vst v63  }
0xb1: {  	s12 =	rddreg [dreg:$0xa]  }
0xb2: {  	[hbm4b:s12+s5] =	stream.linear.scatter [tilespmem:s22], [sflag:$0xB], $0x4000, $0x38;
	[tilespmem:$0x10200] =	vst v63  }
0xb3: {  	_ =	swait.ge [sflag:s6], $0x4000  }
0xb4: {  	[sflag:s6] =	ssyncset.done $0x0  }
0xb5: {  	[sflag:s6] =	ssyncadd.s32 $0xFFFFC000  }
0xb6: {  	_ =	swait.ge [sflag:s0], $0x4000  }
0xb7: {  	[sflag:s0] =	ssyncset.done $0x0  }
0xb8: {  	s13 =	simm.s32 $0xA;
	[sflag:s0] =	ssyncadd.s32 $0xFFFFC000  }
0xb9: {  	_ =	swait.ge [sflag:s13], $0x4000  }
0xba: {  	[sflag:s13] =	ssyncset.done $0x0  }
0xbb: {  	s14 =	simm.s32 $0xC;
	[sflag:s13] =	ssyncadd.s32 $0xFFFFC000  }
0xbc: {  	_ =	swait.ge [sflag:s14], $0x4000  }
0xbd: {  	s8 =	sadd.s32 $0x1, s8;
	s15 =	rddreg [dreg:$0xf]  }
0xbe: {  	p0 =	sne.s32 s8, s15  }
.Ltmp2:
0xbf: {  	_ = 	snop;
	(pc) =	sbr.rel @p0 .LBB2_2-.Ltmp2, $3  }
0xc0: {  	_ =	sdelay $0x1  }
0xc1: {  	[sflag:s14] =	ssyncset.done $0x0  }
0xc2: {  	[sflag:s14] =	ssyncadd.s32 $0xFFFFC000  }
.LBB2_5:
0xc3: {  	_ =	sfence.sel $0x180000  }
0xc4: {  	[bflag:$0x0] =	sbarrier.arrive $0xFFFF  }
0xc5: {  	_ =	strace $0x9000004A  }
0xc6: {  	s0 =	stileid.u32;
	[bflag:$0x2] =	sbarrier.arrive $0xFFFF  }
0xc7: {  	p0 =	sne.s32 s0, $0x0;
	s0 =	rddreg [dreg:$0x4]  }
0xc8: {  	s0 =	sadd.s32 @!p0 $0x100000, s0  }
0xc9: {  	[sflag:s0] =	ssyncadd.tile.s32 @!p0 $0x1;
	_ =	shalt  }
.Lfunc_end2:
_tile_overlayer_lowered:
.L_overlay_start_2:
0xca: {  	(tag) =	ssettag $0x2  }
0xcb: {  	s0 =	rddreg [dreg:$0x0];
	s2 =	stileid.u32  }
0xcc: {  	s1 =	rddreg [dreg:$0x1];
	p0 =	sne.s32 s2, $0x0  }
0xcd: {  	s3 =	rddreg [dreg:$0x2];
	[bflag:$0x3] =	sbarrier.arrive $0xFFFF;
	s2 =	simm.s32 @!p0 $0x1C0D  }
0xce: {  	[timem:s3], [sflag:s2] =	dma.local @!p0 [hbm:s0], s1  }
0xcf: {  	s0 =	simm.s32 @!p0 $0xD  }
0xd0: {  	_ =	swait.ge @!p0 [sflag:s0], s1  }
0xd1: {  	s1 =	ssub.s32 @!p0 $0x0, s1;
	[sflag:s0] =	ssyncset.done @!p0 $0x0  }
0xd2: {  	[sflag:s0] =	ssyncadd.s32 @!p0 s1  }
0xd3: {  	[bflag:$0x3] =	sbarrier.arrive $0xFFFF  }
0xd4: {  	_ =	shalt  }

// kernel: kernel.15.cloned.1.call-start
scs
__scs_entry_jumppad:
0x0: {  	(pc) =	sbr.rel $0x88, $3  }
0x1: {  	(tag) =	ssettag $0x0;
	lr =	simm.s32 $0x1  }
0x2: {  	[smem:$0x3F8E] =	sst lr;
	_ =	strace $0xD0000000  }
0x3: {  	_ = 	snop  }
0x4: {  	_ = 	snop  }
0x5: {  	_ = 	snop  }
0x6: {  	_ = 	snop  }
0x7: {  	_ = 	snop  }
__scs_overlays_trampoline_lowered:
0x8: {  	[smem:$0x3F9D] =	sst s0  }
0x9: {  	[smem:$0x3F9E] =	sst s1  }
0xa: {  	[smem:$0x3F9F] =	sst s2  }
0xb: {  	[smem:$0x3FA0] =	sst s3  }
0xc: {  	[smem:$0x3FA1] =	sst s4  }
0xd: {  	[smem:$0x3FA2] =	sst s5  }
0xe: {  	[smem:$0x3FA3] =	sst s6  }
0xf: {  	[smem:$0x3FA4] =	sst s7  }
0x10: {  	[smem:$0x3FA5] =	sst s8  }
0x11: {  	[smem:$0x3FA6] =	sst s9;
	s0 =	simm.s32 @!p0 $0x0  }
0x12: {  	s1 =	sld [smem:$0x3F8C];
	s0 =	simm.s32 @p0 $0x1  }
0x13: {  	[smem:$0x3FA7] =	sst s0;
	s0 =	simm.s32 @!p1 $0x0  }
0x14: {  	s2 =	sld [smem:$0x3F8B];
	s0 =	simm.s32 @p1 $0x1  }
0x15: {  	[smem:$0x3FA8] =	sst s0;
	s0 =	simm.s32 @!p2 $0x0  }
0x16: {  	s3 =	sld [smem:$0x3FDB];
	s0 =	simm.s32 @p2 $0x1  }
0x17: {  	s4 =	simm.s32 $0x1BF5;
	[smem:$0x3FAA] =	sst s0  }
0x18: {  	s0 =	sld [smem:$0x3F8D];
	_ =	swait.ge [sflag:s4], $0x0  }
0x19: {  	s7 =	sld [smem:$0x3F8E]  }
0x1a: {  	s8 =	sadd.s32 $0xFFFFE003, lr  }
0x1b: {  	s9 =	sadd.s32 $0xFFFFFEF7, lr;
	s5 =	simm.s32 $0xFFFFFFFF;
	p2 =	slt.u32 s8, $0xFFFFF086  }
0x1c: {  	p1 =	slt.u32 s9, $0xF7A;
	s5 =	simm.s32 @!p2 $0x0  }
0x1d: {  	s5 =	simm.s32 @p1 $0x1;
	p0 =	seq.s32 s7, s2  }
0x1e: {  	s7 =	smul.u32 @!p0 $0xF7A, s2;
	p2 =	seq.s32 @!p0 s5, $0x0  }
0x1f: {  	s9 =	smul.u32 $0xF7A, s1;
	s8 =	simm.s32 @!p0 $0x1BF5;
	p2 =	por !p2, p0  }
0x20: {  	[sflag:s8] =	ssyncset.s32 @!p0 $0xFFFFF086;
	s6 =	sadd.s32 @!p0 s3, s7;
	s7 =	simm.s32 @!p0 $0x108  }
0x21: {  	s3 =	sadd.s32 s3, s9;
	s6 =	sadd.s32 @!p0 $0x88, s6;
	s7 =	simm.s32 @p2 $0x1082  }
0x22: {  	[simem:s7], [sflag:s8] =	dma.local @!p0 [hbm:s6], $0xF7A  }
0x23: {  	s9 =	sor.u32 $0xD0000000, s2;
	s6 =	simm.s32 $0x108;
	_ =	swait.ge @!p0 [sflag:s8], $0x0  }
0x24: {  	s3 =	sadd.s32 $0x88, s3;
	s6 =	simm.s32 @!p1 $0x1082;
	[sflag:s4] =	ssyncset.s32 $0xFFFFF086  }
0x25: {  	[simem:s6], [sflag:s4] =	dma.local [hbm:s3], $0xF7A  }
0x26: {  	[smem:$0x3F8E] =	sst s1;
	(tag) =	ssettag s2;
	_ =	strace s9  }
0x27: {  	s1 =	sld [smem:$0x3F9E]  }
0x28: {  	s2 =	sld [smem:$0x3F9F]  }
0x29: {  	s4 =	sld [smem:$0x3FA1]  }
0x2a: {  	p0 =	seq.s32 s5, $0x0;
	s5 =	sld [smem:$0x3FA2]  }
0x2b: {  	s6 =	sld [smem:$0x3FA3]  }
0x2c: {  	s7 =	sld [smem:$0x3FA4]  }
0x2d: {  	s3 =	simm.s32 $0x108;
	s8 =	sld [smem:$0x3FA5]  }
0x2e: {  	s3 =	simm.s32 @!p0 $0x1082;
	s9 =	sld [smem:$0x3FA6]  }
0x2f: {  	lr =	sadd.s32 s0, s3;
	s0 =	sld [smem:$0x3F9D]  }
0x30: {  	s3 =	sld [smem:$0x3FA0]  }
0x31: {  	[smem:$0x3FA9] =	sst s10  }
0x32: {  	s10 =	sld [smem:$0x3FA7];
	_ =	sdelay $0x3  }
0x33: {  	p0 =	seq.s32 s10, $0x1;
	s10 =	sld [smem:$0x3FA9];
	_ =	sdelay $0x3  }
0x34: {  	[smem:$0x3FA9] =	sst s10  }
0x35: {  	s10 =	sld [smem:$0x3FA8];
	_ =	sdelay $0x3  }
0x36: {  	p1 =	seq.s32 s10, $0x1;
	s10 =	sld [smem:$0x3FA9];
	_ =	sdelay $0x3  }
0x37: {  	[smem:$0x3FA9] =	sst s10  }
0x38: {  	s10 =	sld [smem:$0x3FAA]  }
0x39: {  	_ = 	snop;
	(pc) =	sbr.ind lr, $3  }
0x3a: {  	_ = 	snop  }
0x3b: {  	_ = 	snop  }
0x3c: {  	p2 =	seq.s32 s10, $0x1;
	s10 =	sld [smem:$0x3FA9]  }
0x3d: {  	_ =	shalt  }
0x3e: {  	_ =	shalt  }
0x3f: {  	_ =	shalt  }
0x40: {  	_ =	shalt  }
0x41: {  	_ =	shalt  }
0x42: {  	_ =	shalt  }
0x43: {  	_ =	shalt  }
0x44: {  	_ =	shalt  }
0x45: {  	_ =	shalt  }
0x46: {  	_ =	shalt  }
0x47: {  	_ =	shalt  }
0x48: {  	_ =	shalt  }
0x49: {  	_ =	shalt  }
0x4a: {  	_ =	shalt  }
0x4b: {  	_ =	shalt  }
0x4c: {  	_ =	shalt  }
0x4d: {  	_ =	shalt  }
0x4e: {  	_ =	shalt  }
0x4f: {  	_ =	shalt  }
0x50: {  	_ =	shalt  }
0x51: {  	_ =	shalt  }
0x52: {  	_ =	shalt  }
0x53: {  	_ =	shalt  }
0x54: {  	_ =	shalt  }
0x55: {  	_ =	shalt  }
0x56: {  	_ =	shalt  }
0x57: {  	_ =	shalt  }
0x58: {  	_ =	shalt  }
0x59: {  	_ =	shalt  }
0x5a: {  	_ =	shalt  }
0x5b: {  	_ =	shalt  }
0x5c: {  	_ =	shalt  }
0x5d: {  	_ =	shalt  }
0x5e: {  	_ =	shalt  }
0x5f: {  	_ =	shalt  }
0x60: {  	_ =	shalt  }
0x61: {  	_ =	shalt  }
0x62: {  	_ =	shalt  }
0x63: {  	_ =	shalt  }
0x64: {  	_ =	shalt  }
0x65: {  	_ =	shalt  }
0x66: {  	_ =	shalt  }
0x67: {  	_ =	shalt  }
0x68: {  	_ =	shalt  }
0x69: {  	_ =	shalt  }
0x6a: {  	_ =	shalt  }
0x6b: {  	_ =	shalt  }
0x6c: {  	_ =	shalt  }
0x6d: {  	_ =	shalt  }
0x6e: {  	_ =	shalt  }
0x6f: {  	_ =	shalt  }
0x70: {  	_ =	shalt  }
0x71: {  	_ =	shalt  }
0x72: {  	_ =	shalt  }
0x73: {  	_ =	shalt  }
0x74: {  	_ =	shalt  }
0x75: {  	_ =	shalt  }
0x76: {  	_ =	shalt  }
0x77: {  	_ =	shalt  }
0x78: {  	_ =	shalt  }
0x79: {  	_ =	shalt  }
0x7a: {  	_ =	shalt  }
0x7b: {  	_ =	shalt  }
0x7c: {  	_ =	shalt  }
0x7d: {  	_ =	shalt  }
0x7e: {  	_ =	shalt  }
0x7f: {  	_ =	shalt  }
0x80: {  	_ =	shalt  }
0x81: {  	_ =	shalt  }
0x82: {  	_ =	shalt  }
0x83: {  	_ =	shalt  }
0x84: {  	_ =	shalt  }
0x85: {  	_ =	shalt  }
0x86: {  	_ =	shalt  }
0x87: {  	_ =	shalt  }
.Lfunc_end0:
.L_simem_size_0:
called_computation.2_lowered:
.L_overlay_start_0:
0x88: {  	s2 =	sld [smem:$0x3FD9]  }
0x89: {  	s3 =	sld [smem:$0x3FFE];
	_ =	sdelay $0x1  }
0x8a: {  	s1 =	srdreg.scid  }
0x8b: {  	s0 =	sand.u32 $0x1, s1  }
0x8c: {  	s15 =	sshll.u32 s0, $0xA;
	s2 =	sadd.s32 s3, s2  }
0x8d: {  	s2 =	sadd.s32 s2, s15  }
0x8e: {  	[smem:$0x3FB5] =	sst s2  }
0x8f: {  	_ = 	snop  }
0x90: {  	s16 =	sld [smem:$0x3FD0];
	_ =	sdelay $0x2  }
0x91: {  	s4 =	simm.s32 $0xB;
	s5 =	simm.s32 $0x10;
	s2 =	sld [smem:$0x3FC5]  }
0x92: {  	[smem:s5], [sflag:s4] =	dma.local [hbm:s16], $0x1  }
0x93: {  	_ =	swait.eq [sflag:s4], $0x1  }
0x94: {  	[sflag:s4] =	ssyncset.done $0x0  }
0x95: {  	[sflag:s4] =	ssyncadd.s32 $0xFFFFFFFF  }
0x96: {  	s17 =	sld [smem:$0x10];
	(tm) =	ssettm $0x1  }
0x97: {  	s18 =	sld [smem:$0x3FFB];
	_ =	sdelay $0x3  }
0x98: {  	_ =	strace s18  }
0x99: {  	s3 =	sld [smem:$0x3FFC];
	_ =	sdelay $0x3  }
0x9a: {  	_ =	strace s3  }
0x9b: {  	s3 =	sld [smem:$0x3FFD];
	_ =	sdelay $0x3  }
0x9c: {  	_ =	strace s3  }
0x9d: {  	_ =	strace $0x8FFFFFFF  }
0x9e: {  	s19 =	sld [smem:$0x3FDB];
	_ =	sdelay $0x1  }
0x9f: {  	s20 =	simm.s32 $_scs_section_size  }
0xa0: {  	s6 =	simm.s32 $_size__tile_overlayer_lowered;
	s7 =	simm.s32 $_tile_overlayer_lowered  }
0xa1: {  	s8 =	simm.s32 $0x1BFF;
	s21 =	sshll.u32 s7, $0x1;
	s5 =	sadd.s32 s20, s19  }
0xa2: {  	s22 =	simm.s32 $0x0;
	s6 =	sshll.u32 s6, $0x1;
	s7 =	sadd.s32 s21, s5  }
0xa3: {  	[timem:s22], [sflag:s8] =	dma.local [hbm:s7], s6  }
0xa4: {  	_ =	swait.ge [sflag:s8], s6  }
0xa5: {  	s6 =	ssub.s32 $0x0, s6;
	[sflag:s8] =	ssyncset.done $0x0  }
0xa6: {  	[sflag:s8] =	ssyncadd.s32 s6;
	_ =	sdelay $0x1  }
0xa7: {  	s23 =	simm.s32 $0x1B8B  }
0xa8: {  	_ =	swait.ge [sflag:s23], $0x1  }
0xa9: {  	[sflag:s23] =	ssyncset.done $0x0  }
0xaa: {  	[sflag:s23] =	ssyncadd.s32 $0xFFFFFFFF  }
0xab: {  	s6 =	sld [smem:$0x0]  }
0xac: {  	s7 =	sand.u32 $0xFFFFFFFE, s1  }
0xad: {  	p0 =	sne.s32 s1, s7  }
0xae: {  	s7 =	sshll.u32 @p0 s7, $0xE  }
0xaf: {  	s7 =	sadd.s32 @p0 $0x11B8D, s7;
	s8 =	sshll.u32 @p0 s6, $0x11  }
0xb0: {  	s7 =	sor.u32 @p0 s8, s7  }
0xb1: {  	[sflag:s7] =	ssyncadd.remote.s32 @p0 $0x1;
	_ =	sdelay $0x1  }
0xb2: {  	s7 =	simm.s32 @p0 $0x1B8D  }
0xb3: {  	_ =	swait.eq @p0 [sflag:s7], $0x1  }
0xb4: {  	[sflag:s7] =	ssyncadd.s32 @p0 $0xFFFFFFFF  }
0xb5: {  	s8 =	sshll.u32 @!p0 s1, $0xE  }
0xb6: {  	s8 =	sor.u32 @!p0 $0x4000, s8;
	s7 =	simm.s32 @!p0 $0x1B8D  }
0xb7: {  	s6 =	sshll.u32 @!p0 s6, $0x11;
	s8 =	sadd.s32 @!p0 $0x11B8D, s8;
	_ =	swait.eq @!p0 [sflag:s7], $0x1  }
0xb8: {  	s6 =	sor.u32 @!p0 s6, s8;
	[sflag:s7] =	ssyncadd.s32 @!p0 $0xFFFFFFFF  }
0xb9: {  	s25 =	simm.s32 $0x1B8E;
	s24 =	sld [smem:$0x3FFE];
	[sflag:s6] =	ssyncadd.remote.s32 @!p0 $0x1  }
0xba: {  	s26 =	simm.s32 $execute0_lowered;
	[smem:$0x3FD2] =	sst s25  }
0xbb: {  	s7 =	sshll.u32 s26, $0x1;
	_ =	strace $0x8000004C;
	[dreg:$0x1] =	wrdreg $0xFFFFFFFF  }
0xbc: {  	s28 =	simm.s32 $_size_execute0_lowered;
	s5 =	sadd.s32 s5, s7;
	[dreg:$0x0] =	wrdreg $0x0  }
0xbd: {  	s7 =	sshll.u32 s28, $0x1;
	[dreg:$0x2] =	wrdreg s5  }
0xbe: {  	[dreg:$0x3] =	wrdreg s7  }
0xbf: {  	[dreg:$0x4] =	wrdreg $0xC0  }
0xc0: {  	_ =	task [dreg:s22], $0x5FFFF  }
0xc1: {  	[dreg:$0x1] =	wrdreg $0xFFFFFFFF  }
0xc2: {  	[dreg:$0x0] =	wrdreg $0x60  }
0xc3: {  	[dreg:$0x2] =	wrdreg s24  }
0xc4: {  	[dreg:$0x3] =	wrdreg s2  }
0xc5: {  	[dreg:$0x4] =	wrdreg s17  }
0xc6: {  	[dreg:$0x5] =	wrdreg $0x51000  }
0xc7: {  	[dreg:$0x6] =	wrdreg $0xA  }
0xc8: {  	_ =	task.clear_ibuf [dreg:s22], $0x7FFFF;
	_ =	strace $0x9000004C  }
0xc9: {  	s29 =	simm.s32 $0xA;
	_ =	strace $0x8000004E  }
0xca: {  	_ =	swait.ge [sflag:s29], $0x1  }
0xcb: {  	[sflag:s29] =	ssyncadd.s32 $0xFFFFFFFF  }
0xcc: {  	_ =	strace $0x9000004E  }
0xcd: {  	_ =	sfence  }
0xce: {  	s30 =	sld [smem:$0x0];
	_ =	sdelay $0x2  }
0xcf: {  	s31 =	sshll.u32 s1, $0xD;
	s1 =	sshrl.u32 s1, $0x2  }
0xd0: {  	s4 =	sand.u32 $0x4000, s31;
	s1 =	sadd.s32 s1, s30  }
0xd1: {  	s0 =	sor.u32 s4, s0;
	s1 =	sshll.u32 s1, $0x11  }
0xd2: {  	s0 =	sor.u32 s1, s0  }
0xd3: {  	s0 =	sadd.s32 $0x8F2B, s0  }
0xd4: {  	[sflag:s0] =	ssyncadd.remote.s32 $0x1  }
0xd5: {  	_ =	sfence.sel $0xFFFF  }
0xd6: {  	[dreg:$0x0] =	wrdreg $0xFFFFFFFF;
	(pc) =	sbr.abs _section_cstart, $3  }
0xd7: {  	[dreg:$0x1] =	wrdreg $0xFFFFFFFF  }
0xd8: {  	_ =	task.clear_ibuf [dreg:s22], $0x2FFFF;
	_ =	strace $0x9FFFFFFF  }
0xd9: {  	(tm) =	ssettm $0x7FFFFFFF  }
tec
execute0_lowered:
.L_overlay_start_1:
0x0: {  	(tag) =	ssettag $0x1  }
0x1: {  	s0 =	rddreg [dreg:$0x0]  }
0x2: {  	s1 =	rddreg [dreg:$0x1]  }
0x3: {  	s3 =	rddreg [dreg:$0x3];
	s4 =	simm.s32 $0x0  }
0x4: {  	s2 =	srdreg.scid;
	s13 =	stileid.u32;
	s28 =	simm.s32 $0x50  }
0x5: {  	s29 =	simm.s32 $0x5;
	s30 =	simm.s32 $0x2;
	s8 =	smul.u32 $0x32000, s13  }
0x6: {  	s31 =	simm.s32 $0x4;
	[smem:$0x7FF] =	sst s4;
	s16 =	smul.u32 $0xC800, s13  }
0x7: {  	s5 =	sadd.s32 $0xC38E00, s0;
	s2 =	sand.u32 $0x1, s2;
	s19 =	smul.u32 $0x4E200, s13  }
0x8: {  	s0 =	sadd.s32 $0x3E00, s0;
	s9 =	sor.u32 $0x10, s13;
	s20 =	smul.u32 $0x4E20, s13  }
0x9: {  	s7 =	sshll.u32 s13, $0x1;
	s22 =	sshll.u32 s13, $0x6;
	s12 =	smul.u32 $0x32000, s9  }
0xa: {  	p0 =	sgt.u32 s13, $0x8;
	_ =	strace $0x8000004D;
	s26 =	smul.u32 $0x138800, s2  }
0xb: {  	s6 =	ssub.s32 $0x2, s2;
	s11 =	sor.u32 s2, s7;
	s9 =	smul.u32 $0xC800, s9  }
0xc: {  	s10 =	sshrl.u32 s6, $0x1;
	s21 =	sshrl.u32 s8, $0x2;
	s15 =	smul.u32 $0x2710, s11  }
0xd: {  	s11 =	smul.u32 $0x27100, s11;
	s6 =	ssub.s32 s6, s10;
	s7 =	sadd.s32 s21, s3  }
0xe: {  	s23 =	sshrl.u32 s12, $0x2;
	s18 =	sadd.s32 s16, s26;
	[dreg:$0x5] =	wrdreg s7  }
0xf: {  	s7 =	sor.u32 $0x1C07, s22;
	s24 =	sshrl.u32 s15, $0x3;
	s8 =	sadd.s32 s23, s3  }
0x10: {  	s12 =	sadd.s32 s5, s11;
	s14 =	sadd.s32 $0x50, s15;
	s21 =	sadd.s32 $0x26C0, s15  }
0x11: {  	s22 =	smul.u32 $0x2710, s2;
	s15 =	smax.u32 s6, $0x1;
	[dreg:$0x6] =	wrdreg s8  }
0x12: {  	s2 =	smul.u32 $0x27100, s2;
	s25 =	sadd.s32 s1, s24;
	[dreg:$0x8] =	wrdreg s12  }
0x13: {  	s17 =	sshrl.u32 s14, $0x3;
	s10 =	sshll.u32 s14, $0x4;
	s8 =	sadd.s32 s26, s9  }
0x14: {  	s23 =	sshrl.u32 s21, $0x3;
	s24 =	sadd.s32 s19, s5;
	[dreg:$0x7] =	wrdreg s25  }
0x15: {  	s12 =	sadd.s32 s1, s17;
	s10 =	sadd.s32 s5, s10;
	s8 =	sshrl.u32 s8, $0x3  }
0x16: {  	s16 =	sadd.s32 s1, s23;
	s2 =	sadd.s32 s2, s24;
	[dreg:$0x9] =	wrdreg s12  }
0x17: {  	s23 =	simm.s32 $0x80;
	s24 =	simm.s32 $0x2900;
	[dreg:$0xa] =	wrdreg s10  }
0x18: {  	s10 =	sshrl.u32 s18, $0x3;
	s14 =	sadd.s32 s0, s8;
	s8 =	sadd.s32 s22, s20  }
0x19: {  	s11 =	sadd.s32 $0xF00, s2;
	s22 =	simm.s32 $0x100;
	s10 =	sadd.s32 s0, s10  }
0x1a: {  	s0 =	sshll.u32 s21, $0x4;
	s25 =	sadd.s32 $0xF0, s8;
	s20 =	sadd.s32 $0xA0, s8  }
0x1b: {  	s21 =	simm.s32 $0x7;
	[dreg:$0xb] =	wrdreg s10;
	s17 =	sadd.s32 s5, s0  }
0x1c: {  	s26 =	sshrl.u32 s25, $0x3;
	s25 =	simm.s32 $0x1;
	s0 =	simm.s32 $0x6  }
0x1d: {  	s5 =	simm.s32 $0x0;
	s19 =	sadd.s32 s26, s1;
	s26 =	simm.s32 $0x3  }
.LBB2_1:
0x1e: {  	s2 =	rddreg [dreg:$0x5]  }
0x1f: {  	s8 =	rddreg [dreg:$0x2];
	s2 =	sshrl.u32 s2, $0x3  }
0x20: {  	[spmem:s2], [sflag:s7] =	dma.local [hbm:s8], $0x1900  }
0x21: {  	_ =	swait.ge [sflag:s21], $0x1900  }
0x22: {  	[sflag:s21] =	ssyncset.done $0x0;
	s6 =	rddreg [dreg:$0x6]  }
0x23: {  	[sflag:s21] =	ssyncadd.s32 $0xFFFFE700;
	s6 =	sshrl.u32 @!p0 s6, $0x3  }
0x24: {  	[spmem:s6], [sflag:s7] =	dma.local @!p0 [hbm:s8], $0x1900  }
0x25: {  	s8 =	simm.s32 @!p0 $0x7  }
0x26: {  	_ =	swait.ge @!p0 [sflag:s8], $0x1900  }
0x27: {  	[sflag:s8] =	ssyncset.done @!p0 $0x0  }
0x28: {  	[sflag:s8] =	ssyncadd.s32 @!p0 $0xFFFFE700  }
0x29: {  	s8 =	sld [smem:$0x0];
	_ =	sdelay $0x2  }
0x2a: {  	s8 =	sadd.s32 $0x1000, s8  }
0x2b: {  	[smem:$0x0] =	sst s8  }
0x2c: {  	[bflag:$0x0] =	sbarrier.arrive $0xFFFF  }
0x2d: {  	s13 =	rddreg [dreg:$0x7]  }
0x2e: {  	[tilespmem:s4], [sflag:$0x1] =	stream.linear.gather [hbm4b:s13+s4], $0x50, $0x38;
	[tilespmem:$0x18980] =	vst v63  }
0x2f: {  	s18 =	rddreg [dreg:$0x8]  }
0x30: {  	[tilespmem:s22], [sflag:$0x3] =	stream.linear.gather [hbm4b:s18+s4], $0x2800, $0x38;
	[tilespmem:$0x18980] =	vst v63  }
0x31: {  	s9 =	rddreg [dreg:$0x9]  }
0x32: {  	[tilespmem:s23], [sflag:$0x2] =	stream.linear.gather [hbm4b:s9+s4], $0x50, $0x38;
	[tilespmem:$0x18980] =	vst v63  }
0x33: {  	s10 =	rddreg [dreg:$0xa]  }
0x34: {  	[tilespmem:s24], [sflag:$0x4] =	stream.linear.gather [hbm4b:s10+s4], $0x2800, $0x38;
	[tilespmem:$0x18980] =	vst v63  }
0x35: {  	_ =	swait.ge [sflag:s25], $0x50  }
0x36: {  	[sflag:s25] =	ssyncset.done $0x0  }
0x37: {  	[sflag:s25] =	ssyncadd.s32 $0xFFFFFFB0  }
0x38: {  	_ =	swait.ge [sflag:s26], $0x2800  }
0x39: {  	[sflag:s26] =	ssyncset.done $0x0  }
0x3a: {  	[sflag:s26] =	ssyncadd.s32 $0xFFFFD800  }
0x3b: {  	[spmem:s3] =	stream.indirect.scatter.add.f32 [tilespmem:s22], [sflag:$0x5], $0x80, s4, s28, $0xb8;
	[tilespmem:$0x18980] =	vst v63  }
0x3c: {  	_ =	swait.ge [sflag:s29], $0x2800  }
0x3d: {  	s12 =	sshrl.u32 s20, $0x3;
	[sflag:s29] =	ssyncset.done $0x0  }
0x3e: {  	s8 =	sadd.s32 s1, s12;
	[sflag:s29] =	ssyncadd.s32 $0xFFFFD800  }
0x3f: {  	[tilespmem:s4], [sflag:$0x1] =	stream.linear.gather [hbm4b:s8+s4], $0x50, $0x38;
	[tilespmem:$0x18980] =	vst v63  }
0x40: {  	s13 =	sadd.s32 $0xFFFFFB00, s11  }
0x41: {  	[tilespmem:s22], [sflag:$0x3] =	stream.linear.gather [hbm4b:s13+s4], $0x2800, $0x38;
	[tilespmem:$0x18980] =	vst v63  }
0x42: {  	_ =	swait.ge [sflag:s30], $0x50  }
0x43: {  	[sflag:s30] =	ssyncset.done $0x0  }
0x44: {  	[sflag:s30] =	ssyncadd.s32 $0xFFFFFFB0  }
0x45: {  	_ =	swait.ge [sflag:s31], $0x2800  }
0x46: {  	[sflag:s31] =	ssyncset.done $0x0  }
0x47: {  	[sflag:s31] =	ssyncadd.s32 $0xFFFFD800  }
0x48: {  	[spmem:s3] =	stream.indirect.scatter.add.f32 [tilespmem:s24], [sflag:$0x6], $0x80, s23, s28, $0xb8;
	[tilespmem:$0x18980] =	vst v63  }
0x49: {  	_ =	swait.ge [sflag:s0], $0x2800  }
0x4a: {  	[sflag:s0] =	ssyncset.done $0x0  }
0x4b: {  	s18 =	sadd.s32 $0x0, s19;
	s9 =	sadd.s32 $0xA00, s11;
	[sflag:s0] =	ssyncadd.s32 $0xFFFFD800  }
0x4c: {  	[tilespmem:s23], [sflag:$0x2] =	stream.linear.gather [hbm4b:s18+s4], $0x50, $0x38;
	[tilespmem:$0x18980] =	vst v63  }
0x4d: {  	s10 =	sadd.s32 $0xA0, s20;
	s8 =	simm.s32 $0x14;
	s18 =	smov.u32 s11  }
.LBB2_2:
0x4e: {  	[tilespmem:s24], [sflag:$0x4] =	stream.linear.gather [hbm4b:s18+s4], $0x2800, $0x38;
	[tilespmem:$0x18980] =	vst v63  }
0x4f: {  	s12 =	smov.u32 s8;
	s18 =	smov.u32 s9  }
0x50: {  	p1 =	sne.s32 s8, $0x4B0;
	s8 =	sadd.s32 $0x14, s8;
	_ =	swait.ge [sflag:s25], $0x50  }
0x51: {  	[sflag:s25] =	ssyncset.done $0x0  }
0x52: {  	[sflag:s25] =	ssyncadd.s32 $0xFFFFFFB0  }
0x53: {  	_ =	swait.ge [sflag:s26], $0x2800  }
0x54: {  	[sflag:s26] =	ssyncset.done $0x0  }
0x55: {  	[sflag:s26] =	ssyncadd.s32 $0xFFFFD800  }
0x56: {  	[spmem:s3] =	stream.indirect.scatter.add.f32 [tilespmem:s22], [sflag:$0x5], $0x80, s4, s28, $0xb8;
	[tilespmem:$0x18980] =	vst v63  }
0x57: {  	_ =	swait.ge [sflag:s29], $0x2800  }
0x58: {  	s13 =	sshrl.u32 s10, $0x3;
	[sflag:s29] =	ssyncset.done $0x0  }
0x59: {  	s13 =	sadd.s32 s1, s13;
	[sflag:s29] =	ssyncadd.s32 $0xFFFFD800  }
0x5a: {  	[tilespmem:s4], [sflag:$0x1] =	stream.linear.gather [hbm4b:s13+s4], $0x50, $0x38;
	[tilespmem:$0x18980] =	vst v63  }
0x5b: {  	s13 =	sadd.s32 $0xFFFFFB00, s9  }
0x5c: {  	[tilespmem:s22], [sflag:$0x3] =	stream.linear.gather [hbm4b:s13+s4], $0x2800, $0x38;
	[tilespmem:$0x18980] =	vst v63  }
0x5d: {  	_ =	swait.ge [sflag:s30], $0x50  }
0x5e: {  	[sflag:s30] =	ssyncset.done $0x0  }
0x5f: {  	[sflag:s30] =	ssyncadd.s32 $0xFFFFFFB0  }
0x60: {  	_ =	swait.ge [sflag:s31], $0x2800  }
0x61: {  	[sflag:s31] =	ssyncset.done $0x0  }
0x62: {  	[sflag:s31] =	ssyncadd.s32 $0xFFFFD800  }
0x63: {  	[spmem:s3] =	stream.indirect.scatter.add.f32 [tilespmem:s24], [sflag:$0x6], $0x80, s23, s28, $0xb8;
	[tilespmem:$0x18980] =	vst v63  }
.Ltmp0:
0x64: {  	_ =	swait.ge [sflag:s0], $0x2800;
	(pc) =	sbr.rel @p1 .LBB2_2-.Ltmp0, $4  }
0x65: {  	[sflag:s0] =	ssyncset.done $0x0  }
0x66: {  	s12 =	sadd.s32 s12, s19;
	[sflag:s0] =	ssyncadd.s32 $0xFFFFD800  }
0x67: {  	[tilespmem:s23], [sflag:$0x2] =	stream.linear.gather [hbm4b:s12+s4], $0x50, $0x38;
	[tilespmem:$0x18980] =	vst v63  }
0x68: {  	s10 =	sadd.s32 $0xA0, s10;
	s9 =	sadd.s32 $0xA00, s9  }
0x69: {  	[tilespmem:s24], [sflag:$0x4] =	stream.linear.gather [hbm4b:s18+s4], $0x2800, $0x38;
	[tilespmem:$0x18980] =	vst v63  }
0x6a: {  	_ =	swait.ge [sflag:s25], $0x50  }
0x6b: {  	[sflag:s25] =	ssyncset.done $0x0  }
0x6c: {  	[sflag:s25] =	ssyncadd.s32 $0xFFFFFFB0  }
0x6d: {  	_ =	swait.ge [sflag:s26], $0x2800  }
0x6e: {  	[sflag:s26] =	ssyncset.done $0x0  }
0x6f: {  	[sflag:s26] =	ssyncadd.s32 $0xFFFFD800  }
0x70: {  	[spmem:s3] =	stream.indirect.scatter.add.f32 [tilespmem:s22], [sflag:$0x5], $0x80, s4, s28, $0xb8;
	[tilespmem:$0x18980] =	vst v63  }
0x71: {  	_ =	swait.ge [sflag:s29], $0x2800  }
0x72: {  	[sflag:s29] =	ssyncset.done $0x0  }
0x73: {  	[sflag:s29] =	ssyncadd.s32 $0xFFFFD800  }
0x74: {  	[tilespmem:s4], [sflag:$0x1] =	stream.linear.gather [hbm4b:s16+s4], $0x50, $0x38;
	[tilespmem:$0x18980] =	vst v63  }
0x75: {  	_ = 	snop  }
0x76: {  	[tilespmem:s22], [sflag:$0x3] =	stream.linear.gather [hbm4b:s17+s4], $0x2800, $0x38;
	[tilespmem:$0x18980] =	vst v63  }
0x77: {  	_ =	swait.ge [sflag:s30], $0x50  }
0x78: {  	[sflag:s30] =	ssyncset.done $0x0  }
0x79: {  	[sflag:s30] =	ssyncadd.s32 $0xFFFFFFB0  }
0x7a: {  	_ =	swait.ge [sflag:s31], $0x2800  }
0x7b: {  	[sflag:s31] =	ssyncset.done $0x0  }
0x7c: {  	[sflag:s31] =	ssyncadd.s32 $0xFFFFD800  }
0x7d: {  	[spmem:s3] =	stream.indirect.scatter.add.f32 [tilespmem:s24], [sflag:$0x6], $0x80, s23, s28, $0xb8;
	[tilespmem:$0x18980] =	vst v63  }
0x7e: {  	_ =	swait.ge [sflag:s0], $0x2800  }
0x7f: {  	[sflag:s0] =	ssyncset.done $0x0  }
0x80: {  	[sflag:s0] =	ssyncadd.s32 $0xFFFFD800  }
0x81: {  	_ =	swait.ge [sflag:s25], $0x50  }
0x82: {  	[sflag:s25] =	ssyncset.done $0x0  }
0x83: {  	[sflag:s25] =	ssyncadd.s32 $0xFFFFFFB0  }
0x84: {  	_ =	swait.ge [sflag:s26], $0x2800  }
0x85: {  	[sflag:s26] =	ssyncset.done $0x0  }
0x86: {  	[sflag:s26] =	ssyncadd.s32 $0xFFFFD800  }
0x87: {  	[spmem:s3] =	stream.indirect.scatter.add.f32 [tilespmem:s22], [sflag:$0x5], $0x80, s4, s28, $0xb8;
	[tilespmem:$0x18980] =	vst v63  }
0x88: {  	_ =	swait.ge [sflag:s29], $0x2800  }
0x89: {  	[sflag:s29] =	ssyncset.done $0x0  }
0x8a: {  	[sflag:s29] =	ssyncadd.s32 $0xFFFFD800  }
0x8b: {  	s8 =	sld [smem:$0x0];
	_ =	sdelay $0x2  }
0x8c: {  	s8 =	sadd.s32 $0x1000, s8  }
0x8d: {  	[smem:$0x0] =	sst s8  }
0x8e: {  	[bflag:$0x0] =	sbarrier.arrive $0xFFFF  }
0x8f: {  	s18 =	rddreg [dreg:$0xb]  }
0x90: {  	[hbm:s18], [sflag:s7] =	dma.local [spmem:s2], $0x1900  }
0x91: {  	s5 =	sadd.s32 $0x1, s5;
	_ =	swait.ge [sflag:s21], $0x1900  }
0x92: {  	p1 =	sne.s32 s5, s15;
	[sflag:s21] =	ssyncset.done $0x0  }
.Ltmp1:
0x93: {  	s2 =	simm.s32 @!p0 $0x7;
	[sflag:s21] =	ssyncadd.s32 $0xFFFFE700;
	(pc) =	sbr.rel @p1 .LBB2_1-.Ltmp1, $4  }
0x94: {  	[hbm:s14], [sflag:s7] =	dma.local @!p0 [spmem:s6], $0x1900  }
0x95: {  	_ =	swait.ge @!p0 [sflag:s2], $0x1900  }
0x96: {  	[sflag:s2] =	ssyncset.done @!p0 $0x0  }
0x97: {  	[sflag:s2] =	ssyncadd.s32 @!p0 $0xFFFFE700  }
0x98: {  	_ =	sfence.sel $0x180000  }
0x99: {  	[bflag:$0x0] =	sbarrier.arrive $0xFFFF  }
0x9a: {  	_ =	strace $0x9000004D  }
0x9b: {  	s0 =	stileid.u32;
	[bflag:$0x2] =	sbarrier.arrive $0xFFFF  }
0x9c: {  	p0 =	sne.s32 s0, $0x0;
	s0 =	rddreg [dreg:$0x4]  }
0x9d: {  	s0 =	sadd.s32 @!p0 $0x100000, s0  }
0x9e: {  	[sflag:s0] =	ssyncadd.tile.s32 @!p0 $0x1;
	_ =	shalt  }
.Lfunc_end2:
_tile_overlayer_lowered:
.L_overlay_start_2:
0x9f: {  	(tag) =	ssettag $0x2  }
0xa0: {  	s0 =	rddreg [dreg:$0x0];
	s2 =	stileid.u32  }
0xa1: {  	s1 =	rddreg [dreg:$0x1];
	p0 =	sne.s32 s2, $0x0  }
0xa2: {  	s3 =	rddreg [dreg:$0x2];
	[bflag:$0x3] =	sbarrier.arrive $0xFFFF;
	s2 =	simm.s32 @!p0 $0x1C07  }
0xa3: {  	[timem:s3], [sflag:s2] =	dma.local @!p0 [hbm:s0], s1  }
0xa4: {  	s0 =	simm.s32 @!p0 $0x7  }
0xa5: {  	_ =	swait.ge @!p0 [sflag:s0], s1  }
0xa6: {  	s1 =	ssub.s32 @!p0 $0x0, s1;
	[sflag:s0] =	ssyncset.done @!p0 $0x0  }
0xa7: {  	[sflag:s0] =	ssyncadd.s32 @!p0 s1  }
0xa8: {  	[bflag:$0x3] =	sbarrier.arrive $0xFFFF  }
0xa9: {  	_ =	shalt  }

// kernel: kernel.18.cloned.1.call-start
scs
__scs_entry_jumppad:
0x0: {  	(pc) =	sbr.rel $0x88, $3  }
0x1: {  	(tag) =	ssettag $0x0;
	lr =	simm.s32 $0x1  }
0x2: {  	[smem:$0x3F8E] =	sst lr;
	_ =	strace $0xD0000000  }
0x3: {  	_ = 	snop  }
0x4: {  	_ = 	snop  }
0x5: {  	_ = 	snop  }
0x6: {  	_ = 	snop  }
0x7: {  	_ = 	snop  }
__scs_overlays_trampoline_lowered:
0x8: {  	[smem:$0x3F9D] =	sst s0  }
0x9: {  	[smem:$0x3F9E] =	sst s1  }
0xa: {  	[smem:$0x3F9F] =	sst s2  }
0xb: {  	[smem:$0x3FA0] =	sst s3  }
0xc: {  	[smem:$0x3FA1] =	sst s4  }
0xd: {  	[smem:$0x3FA2] =	sst s5  }
0xe: {  	[smem:$0x3FA3] =	sst s6  }
0xf: {  	[smem:$0x3FA4] =	sst s7  }
0x10: {  	[smem:$0x3FA5] =	sst s8  }
0x11: {  	[smem:$0x3FA6] =	sst s9;
	s0 =	simm.s32 @!p0 $0x0  }
0x12: {  	s1 =	sld [smem:$0x3F8C];
	s0 =	simm.s32 @p0 $0x1  }
0x13: {  	[smem:$0x3FA7] =	sst s0;
	s0 =	simm.s32 @!p1 $0x0  }
0x14: {  	s2 =	sld [smem:$0x3F8B];
	s0 =	simm.s32 @p1 $0x1  }
0x15: {  	[smem:$0x3FA8] =	sst s0;
	s0 =	simm.s32 @!p2 $0x0  }
0x16: {  	s3 =	sld [smem:$0x3FDB];
	s0 =	simm.s32 @p2 $0x1  }
0x17: {  	s4 =	simm.s32 $0x1BF5;
	[smem:$0x3FAA] =	sst s0  }
0x18: {  	s0 =	sld [smem:$0x3F8D];
	_ =	swait.ge [sflag:s4], $0x0  }
0x19: {  	s7 =	sld [smem:$0x3F8E]  }
0x1a: {  	s8 =	sadd.s32 $0xFFFFE003, lr  }
0x1b: {  	s9 =	sadd.s32 $0xFFFFFEF7, lr;
	s5 =	simm.s32 $0xFFFFFFFF;
	p2 =	slt.u32 s8, $0xFFFFF086  }
0x1c: {  	p1 =	slt.u32 s9, $0xF7A;
	s5 =	simm.s32 @!p2 $0x0  }
0x1d: {  	s5 =	simm.s32 @p1 $0x1;
	p0 =	seq.s32 s7, s2  }
0x1e: {  	s7 =	smul.u32 @!p0 $0xF7A, s2;
	p2 =	seq.s32 @!p0 s5, $0x0  }
0x1f: {  	s9 =	smul.u32 $0xF7A, s1;
	s8 =	simm.s32 @!p0 $0x1BF5;
	p2 =	por !p2, p0  }
0x20: {  	[sflag:s8] =	ssyncset.s32 @!p0 $0xFFFFF086;
	s6 =	sadd.s32 @!p0 s3, s7;
	s7 =	simm.s32 @!p0 $0x108  }
0x21: {  	s3 =	sadd.s32 s3, s9;
	s6 =	sadd.s32 @!p0 $0x88, s6;
	s7 =	simm.s32 @p2 $0x1082  }
0x22: {  	[simem:s7], [sflag:s8] =	dma.local @!p0 [hbm:s6], $0xF7A  }
0x23: {  	s9 =	sor.u32 $0xD0000000, s2;
	s6 =	simm.s32 $0x108;
	_ =	swait.ge @!p0 [sflag:s8], $0x0  }
0x24: {  	s3 =	sadd.s32 $0x88, s3;
	s6 =	simm.s32 @!p1 $0x1082;
	[sflag:s4] =	ssyncset.s32 $0xFFFFF086  }
0x25: {  	[simem:s6], [sflag:s4] =	dma.local [hbm:s3], $0xF7A  }
0x26: {  	[smem:$0x3F8E] =	sst s1;
	(tag) =	ssettag s2;
	_ =	strace s9  }
0x27: {  	s1 =	sld [smem:$0x3F9E]  }
0x28: {  	s2 =	sld [smem:$0x3F9F]  }
0x29: {  	s4 =	sld [smem:$0x3FA1]  }
0x2a: {  	p0 =	seq.s32 s5, $0x0;
	s5 =	sld [smem:$0x3FA2]  }
0x2b: {  	s6 =	sld [smem:$0x3FA3]  }
0x2c: {  	s7 =	sld [smem:$0x3FA4]  }
0x2d: {  	s3 =	simm.s32 $0x108;
	s8 =	sld [smem:$0x3FA5]  }
0x2e: {  	s3 =	simm.s32 @!p0 $0x1082;
	s9 =	sld [smem:$0x3FA6]  }
0x2f: {  	lr =	sadd.s32 s0, s3;
	s0 =	sld [smem:$0x3F9D]  }
0x30: {  	s3 =	sld [smem:$0x3FA0]  }
0x31: {  	[smem:$0x3FA9] =	sst s10  }
0x32: {  	s10 =	sld [smem:$0x3FA7];
	_ =	sdelay $0x3  }
0x33: {  	p0 =	seq.s32 s10, $0x1;
	s10 =	sld [smem:$0x3FA9];
	_ =	sdelay $0x3  }
0x34: {  	[smem:$0x3FA9] =	sst s10  }
0x35: {  	s10 =	sld [smem:$0x3FA8];
	_ =	sdelay $0x3  }
0x36: {  	p1 =	seq.s32 s10, $0x1;
	s10 =	sld [smem:$0x3FA9];
	_ =	sdelay $0x3  }
0x37: {  	[smem:$0x3FA9] =	sst s10  }
0x38: {  	s10 =	sld [smem:$0x3FAA]  }
0x39: {  	_ = 	snop;
	(pc) =	sbr.ind lr, $3  }
0x3a: {  	_ = 	snop  }
0x3b: {  	_ = 	snop  }
0x3c: {  	p2 =	seq.s32 s10, $0x1;
	s10 =	sld [smem:$0x3FA9]  }
0x3d: {  	_ =	shalt  }
0x3e: {  	_ =	shalt  }
0x3f: {  	_ =	shalt  }
0x40: {  	_ =	shalt  }
0x41: {  	_ =	shalt  }
0x42: {  	_ =	shalt  }
0x43: {  	_ =	shalt  }
0x44: {  	_ =	shalt  }
0x45: {  	_ =	shalt  }
0x46: {  	_ =	shalt  }
0x47: {  	_ =	shalt  }
0x48: {  	_ =	shalt  }
0x49: {  	_ =	shalt  }
0x4a: {  	_ =	shalt  }
0x4b: {  	_ =	shalt  }
0x4c: {  	_ =	shalt  }
0x4d: {  	_ =	shalt  }
0x4e: {  	_ =	shalt  }
0x4f: {  	_ =	shalt  }
0x50: {  	_ =	shalt  }
0x51: {  	_ =	shalt  }
0x52: {  	_ =	shalt  }
0x53: {  	_ =	shalt  }
0x54: {  	_ =	shalt  }
0x55: {  	_ =	shalt  }
0x56: {  	_ =	shalt  }
0x57: {  	_ =	shalt  }
0x58: {  	_ =	shalt  }
0x59: {  	_ =	shalt  }
0x5a: {  	_ =	shalt  }
0x5b: {  	_ =	shalt  }
0x5c: {  	_ =	shalt  }
0x5d: {  	_ =	shalt  }
0x5e: {  	_ =	shalt  }
0x5f: {  	_ =	shalt  }
0x60: {  	_ =	shalt  }
0x61: {  	_ =	shalt  }
0x62: {  	_ =	shalt  }
0x63: {  	_ =	shalt  }
0x64: {  	_ =	shalt  }
0x65: {  	_ =	shalt  }
0x66: {  	_ =	shalt  }
0x67: {  	_ =	shalt  }
0x68: {  	_ =	shalt  }
0x69: {  	_ =	shalt  }
0x6a: {  	_ =	shalt  }
0x6b: {  	_ =	shalt  }
0x6c: {  	_ =	shalt  }
0x6d: {  	_ =	shalt  }
0x6e: {  	_ =	shalt  }
0x6f: {  	_ =	shalt  }
0x70: {  	_ =	shalt  }
0x71: {  	_ =	shalt  }
0x72: {  	_ =	shalt  }
0x73: {  	_ =	shalt  }
0x74: {  	_ =	shalt  }
0x75: {  	_ =	shalt  }
0x76: {  	_ =	shalt  }
0x77: {  	_ =	shalt  }
0x78: {  	_ =	shalt  }
0x79: {  	_ =	shalt  }
0x7a: {  	_ =	shalt  }
0x7b: {  	_ =	shalt  }
0x7c: {  	_ =	shalt  }
0x7d: {  	_ =	shalt  }
0x7e: {  	_ =	shalt  }
0x7f: {  	_ =	shalt  }
0x80: {  	_ =	shalt  }
0x81: {  	_ =	shalt  }
0x82: {  	_ =	shalt  }
0x83: {  	_ =	shalt  }
0x84: {  	_ =	shalt  }
0x85: {  	_ =	shalt  }
0x86: {  	_ =	shalt  }
0x87: {  	_ =	shalt  }
.Lfunc_end0:
.L_simem_size_0:
called_computation.3_lowered:
.L_overlay_start_0:
0x88: {  	s2 =	sld [smem:$0x3FD9]  }
0x89: {  	s3 =	sld [smem:$0x3FFE];
	_ =	sdelay $0x1  }
0x8a: {  	s1 =	srdreg.scid  }
0x8b: {  	s0 =	sand.u32 $0x1, s1  }
0x8c: {  	s15 =	sshll.u32 s0, $0xA;
	s2 =	sadd.s32 s3, s2  }
0x8d: {  	s2 =	sadd.s32 s2, s15  }
0x8e: {  	[smem:$0x3FB5] =	sst s2  }
0x8f: {  	_ = 	snop  }
0x90: {  	s16 =	sld [smem:$0x3FD0];
	_ =	sdelay $0x2  }
0x91: {  	s4 =	simm.s32 $0xB;
	s5 =	simm.s32 $0x10;
	s2 =	sld [smem:$0x3FC3]  }
0x92: {  	[smem:s5], [sflag:s4] =	dma.local [hbm:s16], $0x1  }
0x93: {  	_ =	swait.eq [sflag:s4], $0x1  }
0x94: {  	[sflag:s4] =	ssyncset.done $0x0  }
0x95: {  	[sflag:s4] =	ssyncadd.s32 $0xFFFFFFFF  }
0x96: {  	s17 =	sld [smem:$0x10];
	(tm) =	ssettm $0x1  }
0x97: {  	s18 =	sld [smem:$0x3FFB];
	_ =	sdelay $0x3  }
0x98: {  	_ =	strace s18  }
0x99: {  	s3 =	sld [smem:$0x3FFC];
	_ =	sdelay $0x3  }
0x9a: {  	_ =	strace s3  }
0x9b: {  	s3 =	sld [smem:$0x3FFD];
	_ =	sdelay $0x3  }
0x9c: {  	_ =	strace s3  }
0x9d: {  	_ =	strace $0x8FFFFFFF  }
0x9e: {  	s19 =	sld [smem:$0x3FDB];
	_ =	sdelay $0x1  }
0x9f: {  	s20 =	simm.s32 $_scs_section_size  }
0xa0: {  	s6 =	simm.s32 $_size__tile_overlayer_lowered;
	s7 =	simm.s32 $_tile_overlayer_lowered  }
0xa1: {  	s8 =	simm.s32 $0x1BFF;
	s21 =	sshll.u32 s7, $0x1;
	s5 =	sadd.s32 s20, s19  }
0xa2: {  	s22 =	simm.s32 $0x0;
	s6 =	sshll.u32 s6, $0x1;
	s7 =	sadd.s32 s21, s5  }
0xa3: {  	[timem:s22], [sflag:s8] =	dma.local [hbm:s7], s6  }
0xa4: {  	_ =	swait.ge [sflag:s8], s6  }
0xa5: {  	s6 =	ssub.s32 $0x0, s6;
	[sflag:s8] =	ssyncset.done $0x0  }
0xa6: {  	[sflag:s8] =	ssyncadd.s32 s6;
	_ =	sdelay $0x1  }
0xa7: {  	s23 =	simm.s32 $0x1B8B  }
0xa8: {  	_ =	swait.ge [sflag:s23], $0x1  }
0xa9: {  	[sflag:s23] =	ssyncset.done $0x0  }
0xaa: {  	[sflag:s23] =	ssyncadd.s32 $0xFFFFFFFF  }
0xab: {  	s6 =	sld [smem:$0x0]  }
0xac: {  	s7 =	sand.u32 $0xFFFFFFFE, s1  }
0xad: {  	p0 =	sne.s32 s1, s7  }
0xae: {  	s7 =	sshll.u32 @p0 s7, $0xE  }
0xaf: {  	s7 =	sadd.s32 @p0 $0x11B8D, s7;
	s8 =	sshll.u32 @p0 s6, $0x11  }
0xb0: {  	s7 =	sor.u32 @p0 s8, s7  }
0xb1: {  	[sflag:s7] =	ssyncadd.remote.s32 @p0 $0x1;
	_ =	sdelay $0x1  }
0xb2: {  	s7 =	simm.s32 @p0 $0x1B8D  }
0xb3: {  	_ =	swait.eq @p0 [sflag:s7], $0x1  }
0xb4: {  	[sflag:s7] =	ssyncadd.s32 @p0 $0xFFFFFFFF  }
0xb5: {  	s8 =	sshll.u32 @!p0 s1, $0xE  }
0xb6: {  	s8 =	sor.u32 @!p0 $0x4000, s8;
	s7 =	simm.s32 @!p0 $0x1B8D  }
0xb7: {  	s6 =	sshll.u32 @!p0 s6, $0x11;
	s8 =	sadd.s32 @!p0 $0x11B8D, s8;
	_ =	swait.eq @!p0 [sflag:s7], $0x1  }
0xb8: {  	s6 =	sor.u32 @!p0 s6, s8;
	[sflag:s7] =	ssyncadd.s32 @!p0 $0xFFFFFFFF  }
0xb9: {  	s25 =	simm.s32 $0x1B8E;
	s24 =	sld [smem:$0x3FFE];
	[sflag:s6] =	ssyncadd.remote.s32 @!p0 $0x1  }
0xba: {  	s26 =	simm.s32 $execute0_lowered;
	[smem:$0x3FD2] =	sst s25  }
0xbb: {  	s7 =	sshll.u32 s26, $0x1;
	_ =	strace $0x8000004F;
	[dreg:$0x1] =	wrdreg $0xFFFFFFFF  }
0xbc: {  	s28 =	simm.s32 $_size_execute0_lowered;
	s5 =	sadd.s32 s5, s7;
	[dreg:$0x0] =	wrdreg $0x0  }
0xbd: {  	s7 =	sshll.u32 s28, $0x1;
	[dreg:$0x2] =	wrdreg s5  }
0xbe: {  	[dreg:$0x3] =	wrdreg s7  }
0xbf: {  	[dreg:$0x4] =	wrdreg $0xC0  }
0xc0: {  	_ =	task [dreg:s22], $0x5FFFF  }
0xc1: {  	[dreg:$0x1] =	wrdreg $0xFFFFFFFF  }
0xc2: {  	[dreg:$0x0] =	wrdreg $0x60  }
0xc3: {  	[dreg:$0x2] =	wrdreg s24  }
0xc4: {  	[dreg:$0x3] =	wrdreg s2  }
0xc5: {  	[dreg:$0x4] =	wrdreg s17  }
0xc6: {  	[dreg:$0x5] =	wrdreg $0x81000  }
0xc7: {  	[dreg:$0x6] =	wrdreg $0x9  }
0xc8: {  	_ =	task.clear_ibuf [dreg:s22], $0x7FFFF;
	_ =	strace $0x9000004F  }
0xc9: {  	s29 =	simm.s32 $0x9;
	_ =	strace $0x80000051  }
0xca: {  	_ =	swait.ge [sflag:s29], $0x1  }
0xcb: {  	[sflag:s29] =	ssyncadd.s32 $0xFFFFFFFF  }
0xcc: {  	_ =	strace $0x90000051  }
0xcd: {  	_ =	sfence  }
0xce: {  	s30 =	sld [smem:$0x0];
	_ =	sdelay $0x2  }
0xcf: {  	s31 =	sshll.u32 s1, $0xD;
	s1 =	sshrl.u32 s1, $0x2  }
0xd0: {  	s4 =	sand.u32 $0x4000, s31;
	s1 =	sadd.s32 s1, s30  }
0xd1: {  	s0 =	sor.u32 s4, s0;
	s1 =	sshll.u32 s1, $0x11  }
0xd2: {  	s0 =	sor.u32 s1, s0  }
0xd3: {  	s0 =	sadd.s32 $0x8F2B, s0  }
0xd4: {  	[sflag:s0] =	ssyncadd.remote.s32 $0x1  }
0xd5: {  	_ =	sfence.sel $0xFFFF  }
0xd6: {  	[dreg:$0x0] =	wrdreg $0xFFFFFFFF;
	(pc) =	sbr.abs _section_cstart, $3  }
0xd7: {  	[dreg:$0x1] =	wrdreg $0xFFFFFFFF  }
0xd8: {  	_ =	task.clear_ibuf [dreg:s22], $0x2FFFF;
	_ =	strace $0x9FFFFFFF  }
0xd9: {  	(tm) =	ssettm $0x7FFFFFFF  }
tec
execute0_lowered:
.L_overlay_start_1:
0x0: {  	(tag) =	ssettag $0x1  }
0x1: {  	s0 =	rddreg [dreg:$0x0]  }
0x2: {  	s1 =	rddreg [dreg:$0x1]  }
0x3: {  	s18 =	rddreg [dreg:$0x2]  }
0x4: {  	s3 =	rddreg [dreg:$0x3]  }
0x5: {  	s4 =	simm.s32 $0x0;
	s5 =	srdreg.scid;
	s2 =	stileid.u32  }
0x6: {  	s28 =	simm.s32 $0x5;
	s29 =	simm.s32 $0x2;
	s8 =	smul.u32 $0x32000, s2  }
0x7: {  	s30 =	simm.s32 $0x4;
	s31 =	simm.s32 $0x6;
	s16 =	smul.u32 $0xC800, s2  }
0x8: {  	[smem:$0x7FF] =	sst s4;
	s9 =	sadd.s32 $0x52000, s0;
	s25 =	smul.u32 $0x19000, s2  }
0x9: {  	s5 =	sand.u32 $0x1, s5;
	s10 =	sor.u32 $0x10, s2;
	s26 =	smul.u32 $0x1900, s2  }
0xa: {  	s0 =	sadd.s32 $0x18A800, s0;
	s7 =	sshll.u32 s2, $0x1;
	s13 =	smul.u32 $0x32000, s10  }
0xb: {  	s19 =	sshll.u32 s2, $0x6;
	p0 =	sgt.u32 s2, $0x8;
	s22 =	smul.u32 $0x138800, s5  }
0xc: {  	_ =	strace $0x80000050;
	s12 =	sor.u32 s5, s7;
	s10 =	smul.u32 $0xC800, s10  }
0xd: {  	s6 =	ssub.s32 $0x2, s5;
	s7 =	sor.u32 $0x1C07, s19;
	s15 =	smul.u32 $0xC80, s12  }
0xe: {  	s11 =	sshrl.u32 s6, $0x1;
	s17 =	sshrl.u32 s8, $0x2;
	s14 =	smul.u32 $0xC800, s12  }
0xf: {  	p1 =	sgt.u32 s12, $0x18;
	s11 =	ssub.s32 s6, s11;
	s6 =	sadd.s32 s17, s3  }
0x10: {  	s20 =	sshrl.u32 s13, $0x2;
	s24 =	sadd.s32 s16, s22;
	s10 =	sadd.s32 s22, s10  }
0x11: {  	s21 =	sshrl.u32 s15, $0x3;
	s8 =	sadd.s32 s20, s3;
	s14 =	sadd.s32 s9, s14  }
0x12: {  	s23 =	sadd.s32 $0x80, s15;
	s10 =	sshrl.u32 s10, $0x3;
	s19 =	sadd.s32 $0xC00, s15  }
0x13: {  	s13 =	sadd.s32 s1, s21;
	[dreg:$0x6] =	wrdreg s14;
	s17 =	sshrl.u32 s23, $0x3  }
0x14: {  	s14 =	sshll.u32 s23, $0x4;
	s20 =	sadd.s32 s0, s10;
	s21 =	smul.u32 $0xC80, s5  }
0x15: {  	s22 =	sshrl.u32 s19, $0x3;
	[dreg:$0x5] =	wrdreg s13;
	s17 =	sadd.s32 s1, s17  }
0x16: {  	s5 =	smul.u32 $0xC800, s5;
	s14 =	sadd.s32 s9, s14;
	[dreg:$0x7] =	wrdreg s17  }
0x17: {  	s23 =	sadd.s32 s25, s9;
	[dreg:$0x8] =	wrdreg s14;
	s14 =	sshrl.u32 s24, $0x3  }
0x18: {  	s10 =	sadd.s32 s21, s26;
	s5 =	sadd.s32 s5, s23;
	s21 =	simm.s32 $0x7  }
0x19: {  	s23 =	simm.s32 $0x80;
	s13 =	sadd.s32 s0, s14;
	s14 =	smax.u32 s11, $0x1  }
0x1a: {  	s11 =	sadd.s32 s1, s22;
	s0 =	sshll.u32 s19, $0x4;
	s24 =	sadd.s32 $0x180, s10  }
.Ltmp0:
0x1b: {  	s26 =	sadd.s32 $0x100, s10;
	[dreg:$0xa] =	wrdreg s11;
	(pc) =	sbr.rel .LBB2_1-.Ltmp0, $4  }
0x1c: {  	s17 =	sadd.s32 $0x1800, s5;
	s22 =	simm.s32 $0x100;
	[dreg:$0xc] =	wrdreg s26  }
0x1d: {  	s0 =	sadd.s32 s9, s0;
	s25 =	sshrl.u32 s24, $0x3;
	[dreg:$0x9] =	wrdreg s14  }
0x1e: {  	s24 =	simm.s32 $0x4100;
	s26 =	simm.s32 $0x3;
	[dreg:$0xb] =	wrdreg s0  }
0x1f: {  	s19 =	sadd.s32 s25, s1;
	s25 =	simm.s32 $0x1;
	s0 =	simm.s32 $0x0  }
.LBB2_4:
0x20: {  	[tilespmem:s24], [sflag:$0x4] =	stream.linear.gather [hbm4b:s18+s4], $0x4000, $0x38;
	[tilespmem:$0x1B980] =	vst v63  }
0x21: {  	_ =	swait.ge [sflag:s25], $0x80  }
0x22: {  	[sflag:s25] =	ssyncset.done $0x0  }
0x23: {  	[sflag:s25] =	ssyncadd.s32 $0xFFFFFF80  }
0x24: {  	_ =	swait.ge [sflag:s26], $0x4000  }
0x25: {  	[sflag:s26] =	ssyncset.done $0x0  }
0x26: {  	[sflag:s26] =	ssyncadd.s32 $0xFFFFC000  }
0x27: {  	[spmem:s3] =	stream.indirect.scatter.add.f32 [tilespmem:s22], [sflag:$0x5], $0x80, s4, s23, $0xb8;
	[tilespmem:$0x1B980] =	vst v63  }
0x28: {  	_ =	swait.ge [sflag:s28], $0x4000  }
0x29: {  	[sflag:s28] =	ssyncset.done $0x0  }
0x2a: {  	s2 =	rddreg [dreg:$0xa];
	[sflag:s28] =	ssyncadd.s32 $0xFFFFC000  }
0x2b: {  	[tilespmem:s4], [sflag:$0x1] =	stream.linear.gather [hbm4b:s2+s4], $0x80, $0x38;
	[tilespmem:$0x1B980] =	vst v63  }
0x2c: {  	s18 =	rddreg [dreg:$0xb]  }
0x2d: {  	[tilespmem:s22], [sflag:$0x3] =	stream.linear.gather [hbm4b:s18+s4], $0x4000, $0x38;
	[tilespmem:$0x1B980] =	vst v63  }
0x2e: {  	_ =	swait.ge [sflag:s29], $0x80  }
0x2f: {  	[sflag:s29] =	ssyncset.done $0x0  }
0x30: {  	[sflag:s29] =	ssyncadd.s32 $0xFFFFFF80  }
0x31: {  	_ =	swait.ge [sflag:s30], $0x4000  }
0x32: {  	[sflag:s30] =	ssyncset.done $0x0  }
0x33: {  	[sflag:s30] =	ssyncadd.s32 $0xFFFFC000  }
0x34: {  	[spmem:s3] =	stream.indirect.scatter.add.f32 [tilespmem:s24], [sflag:$0x6], $0x80, s23, s23, $0xb8;
	[tilespmem:$0x1B980] =	vst v63  }
0x35: {  	_ =	swait.ge [sflag:s31], $0x4000  }
0x36: {  	[sflag:s31] =	ssyncset.done $0x0  }
0x37: {  	[sflag:s31] =	ssyncadd.s32 $0xFFFFC000  }
0x38: {  	_ =	swait.ge [sflag:s25], $0x80  }
0x39: {  	[sflag:s25] =	ssyncset.done $0x0  }
0x3a: {  	[sflag:s25] =	ssyncadd.s32 $0xFFFFFF80  }
0x3b: {  	_ =	swait.ge [sflag:s26], $0x4000  }
0x3c: {  	[sflag:s26] =	ssyncset.done $0x0  }
0x3d: {  	[sflag:s26] =	ssyncadd.s32 $0xFFFFC000  }
0x3e: {  	[spmem:s3] =	stream.indirect.scatter.add.f32 [tilespmem:s22], [sflag:$0x5], $0x80, s4, s23, $0xb8;
	[tilespmem:$0x1B980] =	vst v63  }
0x3f: {  	s6 =	smov.u32 s13;
	_ =	swait.ge [sflag:s28], $0x4000  }
0x40: {  	s13 =	smov.u32 s15;
	s18 =	smov.u32 s8;
	[sflag:s28] =	ssyncset.done $0x0  }
0x41: {  	s8 =	smov.u32 s14;
	s14 =	rddreg [dreg:$0x9];
	[sflag:s28] =	ssyncadd.s32 $0xFFFFC000  }
.LBB2_5:
0x42: {  	s2 =	sld [smem:$0x0];
	_ =	sdelay $0x2  }
0x43: {  	s2 =	sadd.s32 $0x1000, s2  }
0x44: {  	[smem:$0x0] =	sst s2  }
0x45: {  	[bflag:$0x0] =	sbarrier.arrive $0xFFFF  }
0x46: {  	[hbm:s13], [sflag:s7] =	dma.local [spmem:s9], $0x1900  }
0x47: {  	s0 =	sadd.s32 $0x1, s0;
	_ =	swait.ge [sflag:s21], $0x1900  }
0x48: {  	p2 =	sne.s32 s0, s14;
	[sflag:s21] =	ssyncset.done $0x0  }
.Ltmp1:
0x49: {  	[sflag:s21] =	ssyncadd.s32 $0xFFFFE700;
	(pc) =	sbr.rel @!p2 .LBB2_6-.Ltmp1, $4  }
0x4a: {  	[hbm:s20], [sflag:s7] =	dma.local @!p0 [spmem:s10], $0x1900  }
0x4b: {  	_ =	swait.ge @!p0 [sflag:s5], $0x1900  }
0x4c: {  	[sflag:s5] =	ssyncset.done @!p0 $0x0  }
0x4d: {  	[sflag:s5] =	ssyncadd.s32 @!p0 $0xFFFFE700  }
.LBB2_1:
0x4e: {  	s9 =	sshrl.u32 s6, $0x3  }
0x4f: {  	[spmem:s9], [sflag:s7] =	dma.local [hbm:s18], $0x1900  }
0x50: {  	_ =	swait.ge [sflag:s21], $0x1900  }
0x51: {  	[sflag:s21] =	ssyncset.done $0x0  }
0x52: {  	s10 =	sshrl.u32 @!p0 s8, $0x3;
	s5 =	simm.s32 @!p0 $0x7;
	[sflag:s21] =	ssyncadd.s32 $0xFFFFE700  }
0x53: {  	[spmem:s10], [sflag:s7] =	dma.local @!p0 [hbm:s18], $0x1900  }
0x54: {  	_ =	swait.ge @!p0 [sflag:s5], $0x1900  }
0x55: {  	[sflag:s5] =	ssyncset.done @!p0 $0x0  }
0x56: {  	[sflag:s5] =	ssyncadd.s32 @!p0 $0xFFFFE700  }
0x57: {  	s11 =	sld [smem:$0x0];
	_ =	sdelay $0x1  }
.Ltmp2:
0x58: {  	_ = 	snop;
	(pc) =	sbr.rel @p1 .LBB2_5-.Ltmp2, $3  }
0x59: {  	s11 =	sadd.s32 $0x1000, s11  }
0x5a: {  	[smem:$0x0] =	sst s11  }
0x5b: {  	[bflag:$0x0] =	sbarrier.arrive $0xFFFF;
	_ =	sdelay $0x1  }
0x5c: {  	s11 =	simm.s32 $0x0;
	s2 =	rddreg [dreg:$0x5]  }
0x5d: {  	[tilespmem:s11], [sflag:$0x1] =	stream.linear.gather [hbm4b:s2+s11], $0x80, $0x38;
	[tilespmem:$0x1B980] =	vst v63  }
0x5e: {  	s12 =	rddreg [dreg:$0x6]  }
0x5f: {  	[tilespmem:s22], [sflag:$0x3] =	stream.linear.gather [hbm4b:s12+s11], $0x4000, $0x38;
	[tilespmem:$0x1B980] =	vst v63  }
0x60: {  	s16 =	rddreg [dreg:$0x7]  }
0x61: {  	[tilespmem:s23], [sflag:$0x2] =	stream.linear.gather [hbm4b:s16+s11], $0x80, $0x38;
	[tilespmem:$0x1B980] =	vst v63  }
0x62: {  	s14 =	smov.u32 s8;
	s8 =	smov.u32 s18;
	s18 =	rddreg [dreg:$0x8]  }
0x63: {  	[tilespmem:s24], [sflag:$0x4] =	stream.linear.gather [hbm4b:s18+s11], $0x4000, $0x38;
	[tilespmem:$0x1B980] =	vst v63  }
0x64: {  	_ =	swait.ge [sflag:s25], $0x80  }
0x65: {  	[sflag:s25] =	ssyncset.done $0x0  }
0x66: {  	[sflag:s25] =	ssyncadd.s32 $0xFFFFFF80  }
0x67: {  	_ =	swait.ge [sflag:s26], $0x4000  }
0x68: {  	[sflag:s26] =	ssyncset.done $0x0  }
0x69: {  	[sflag:s26] =	ssyncadd.s32 $0xFFFFC000  }
0x6a: {  	[spmem:s3] =	stream.indirect.scatter.add.f32 [tilespmem:s22], [sflag:$0x5], $0x80, s4, s23, $0xb8;
	[tilespmem:$0x1B980] =	vst v63  }
0x6b: {  	_ =	swait.ge [sflag:s28], $0x4000  }
0x6c: {  	s15 =	smov.u32 s13;
	s13 =	smov.u32 s6;
	s6 =	rddreg [dreg:$0xc]  }
0x6d: {  	[sflag:s28] =	ssyncset.done $0x0;
	s12 =	sshrl.u32 s6, $0x3  }
0x6e: {  	[sflag:s28] =	ssyncadd.s32 $0xFFFFC000;
	s11 =	sadd.s32 s1, s12  }
0x6f: {  	[tilespmem:s4], [sflag:$0x1] =	stream.linear.gather [hbm4b:s11+s4], $0x80, $0x38;
	[tilespmem:$0x1B980] =	vst v63  }
0x70: {  	s16 =	sadd.s32 $0xFFFFF800, s17  }
0x71: {  	[tilespmem:s22], [sflag:$0x3] =	stream.linear.gather [hbm4b:s16+s4], $0x4000, $0x38;
	[tilespmem:$0x1B980] =	vst v63  }
0x72: {  	_ =	swait.ge [sflag:s29], $0x80  }
0x73: {  	[sflag:s29] =	ssyncset.done $0x0  }
0x74: {  	[sflag:s29] =	ssyncadd.s32 $0xFFFFFF80  }
0x75: {  	_ =	swait.ge [sflag:s30], $0x4000  }
0x76: {  	[sflag:s30] =	ssyncset.done $0x0  }
0x77: {  	[sflag:s30] =	ssyncadd.s32 $0xFFFFC000  }
0x78: {  	[spmem:s3] =	stream.indirect.scatter.add.f32 [tilespmem:s24], [sflag:$0x6], $0x80, s23, s23, $0xb8;
	[tilespmem:$0x1B980] =	vst v63  }
0x79: {  	_ =	swait.ge [sflag:s31], $0x4000  }
0x7a: {  	[sflag:s31] =	ssyncset.done $0x0  }
0x7b: {  	s18 =	sadd.s32 $0x0, s19;
	s12 =	sadd.s32 $0x1000, s17;
	[sflag:s31] =	ssyncadd.s32 $0xFFFFC000  }
0x7c: {  	[tilespmem:s23], [sflag:$0x2] =	stream.linear.gather [hbm4b:s18+s4], $0x80, $0x38;
	[tilespmem:$0x1B980] =	vst v63  }
0x7d: {  	s11 =	simm.s32 $0x20;
	s16 =	sadd.s32 $0x100, s6;
	s18 =	smov.u32 s17  }
.LBB2_3:
0x7e: {  	[tilespmem:s24], [sflag:$0x4] =	stream.linear.gather [hbm4b:s18+s4], $0x4000, $0x38;
	[tilespmem:$0x1B980] =	vst v63  }
0x7f: {  	s2 =	smov.u32 s11;
	s18 =	smov.u32 s12  }
0x80: {  	p2 =	sne.s32 s11, $0x140;
	s11 =	sadd.s32 $0x20, s11;
	_ =	swait.ge [sflag:s25], $0x80  }
0x81: {  	[sflag:s25] =	ssyncset.done $0x0  }
0x82: {  	[sflag:s25] =	ssyncadd.s32 $0xFFFFFF80  }
0x83: {  	_ =	swait.ge [sflag:s26], $0x4000  }
0x84: {  	[sflag:s26] =	ssyncset.done $0x0  }
0x85: {  	[sflag:s26] =	ssyncadd.s32 $0xFFFFC000  }
0x86: {  	[spmem:s3] =	stream.indirect.scatter.add.f32 [tilespmem:s22], [sflag:$0x5], $0x80, s4, s23, $0xb8;
	[tilespmem:$0x1B980] =	vst v63  }
0x87: {  	_ =	swait.ge [sflag:s28], $0x4000  }
0x88: {  	s6 =	sshrl.u32 s16, $0x3;
	[sflag:s28] =	ssyncset.done $0x0  }
0x89: {  	s6 =	sadd.s32 s1, s6;
	[sflag:s28] =	ssyncadd.s32 $0xFFFFC000  }
0x8a: {  	[tilespmem:s4], [sflag:$0x1] =	stream.linear.gather [hbm4b:s6+s4], $0x80, $0x38;
	[tilespmem:$0x1B980] =	vst v63  }
0x8b: {  	s6 =	sadd.s32 $0xFFFFF800, s12  }
0x8c: {  	[tilespmem:s22], [sflag:$0x3] =	stream.linear.gather [hbm4b:s6+s4], $0x4000, $0x38;
	[tilespmem:$0x1B980] =	vst v63  }
0x8d: {  	_ =	swait.ge [sflag:s29], $0x80  }
0x8e: {  	[sflag:s29] =	ssyncset.done $0x0  }
0x8f: {  	[sflag:s29] =	ssyncadd.s32 $0xFFFFFF80  }
0x90: {  	_ =	swait.ge [sflag:s30], $0x4000  }
0x91: {  	[sflag:s30] =	ssyncset.done $0x0  }
0x92: {  	[sflag:s30] =	ssyncadd.s32 $0xFFFFC000  }
0x93: {  	[spmem:s3] =	stream.indirect.scatter.add.f32 [tilespmem:s24], [sflag:$0x6], $0x80, s23, s23, $0xb8;
	[tilespmem:$0x1B980] =	vst v63  }
.Ltmp3:
0x94: {  	_ =	swait.ge [sflag:s31], $0x4000;
	(pc) =	sbr.rel @p2 .LBB2_3-.Ltmp3, $4  }
0x95: {  	[sflag:s31] =	ssyncset.done $0x0  }
0x96: {  	s2 =	sadd.s32 s2, s19;
	[sflag:s31] =	ssyncadd.s32 $0xFFFFC000  }
0x97: {  	[tilespmem:s23], [sflag:$0x2] =	stream.linear.gather [hbm4b:s2+s4], $0x80, $0x38;
	[tilespmem:$0x1B980] =	vst v63  }
0x98: {  	s16 =	sadd.s32 $0x100, s16;
	s12 =	sadd.s32 $0x1000, s12  }
.Ltmp4:
0x99: {  	_ = 	snop;
	(pc) =	sbr.rel .LBB2_4-.Ltmp4, $1  }
0x9a: {  	_ =	sdelay $0x3  }
.LBB2_6:
0x9b: {  	_ =	sfence.sel $0x180000  }
0x9c: {  	[bflag:$0x0] =	sbarrier.arrive $0xFFFF  }
0x9d: {  	_ =	strace $0x90000050  }
0x9e: {  	s0 =	stileid.u32;
	[bflag:$0x2] =	sbarrier.arrive $0xFFFF  }
0x9f: {  	p0 =	sne.s32 s0, $0x0;
	s0 =	rddreg [dreg:$0x4]  }
0xa0: {  	s0 =	sadd.s32 @!p0 $0x100000, s0  }
0xa1: {  	[sflag:s0] =	ssyncadd.tile.s32 @!p0 $0x1;
	_ =	shalt  }
.Lfunc_end2:
_tile_overlayer_lowered:
.L_overlay_start_2:
0xa2: {  	(tag) =	ssettag $0x2  }
0xa3: {  	s0 =	rddreg [dreg:$0x0];
	s2 =	stileid.u32  }
0xa4: {  	s1 =	rddreg [dreg:$0x1];
	p0 =	sne.s32 s2, $0x0  }
0xa5: {  	s3 =	rddreg [dreg:$0x2];
	[bflag:$0x3] =	sbarrier.arrive $0xFFFF;
	s2 =	simm.s32 @!p0 $0x1C07  }
0xa6: {  	[timem:s3], [sflag:s2] =	dma.local @!p0 [hbm:s0], s1  }
0xa7: {  	s0 =	simm.s32 @!p0 $0x7  }
0xa8: {  	_ =	swait.ge @!p0 [sflag:s0], s1  }
0xa9: {  	s1 =	ssub.s32 @!p0 $0x0, s1;
	[sflag:s0] =	ssyncset.done @!p0 $0x0  }
0xaa: {  	[sflag:s0] =	ssyncadd.s32 @!p0 s1  }
0xab: {  	[bflag:$0x3] =	sbarrier.arrive $0xFFFF  }
0xac: {  	_ =	shalt  }

// kernel: kernel.9.cloned.1.call-start
scs
__scs_entry_jumppad:
0x0: {  	(pc) =	sbr.rel $0x88, $3  }
0x1: {  	(tag) =	ssettag $0x0;
	lr =	simm.s32 $0x1  }
0x2: {  	[smem:$0x3F8E] =	sst lr;
	_ =	strace $0xD0000000  }
0x3: {  	_ = 	snop  }
0x4: {  	_ = 	snop  }
0x5: {  	_ = 	snop  }
0x6: {  	_ = 	snop  }
0x7: {  	_ = 	snop  }
__scs_overlays_trampoline_lowered:
0x8: {  	[smem:$0x3F9D] =	sst s0  }
0x9: {  	[smem:$0x3F9E] =	sst s1  }
0xa: {  	[smem:$0x3F9F] =	sst s2  }
0xb: {  	[smem:$0x3FA0] =	sst s3  }
0xc: {  	[smem:$0x3FA1] =	sst s4  }
0xd: {  	[smem:$0x3FA2] =	sst s5  }
0xe: {  	[smem:$0x3FA3] =	sst s6  }
0xf: {  	[smem:$0x3FA4] =	sst s7  }
0x10: {  	[smem:$0x3FA5] =	sst s8  }
0x11: {  	[smem:$0x3FA6] =	sst s9;
	s0 =	simm.s32 @!p0 $0x0  }
0x12: {  	s1 =	sld [smem:$0x3F8C];
	s0 =	simm.s32 @p0 $0x1  }
0x13: {  	[smem:$0x3FA7] =	sst s0;
	s0 =	simm.s32 @!p1 $0x0  }
0x14: {  	s2 =	sld [smem:$0x3F8B];
	s0 =	simm.s32 @p1 $0x1  }
0x15: {  	[smem:$0x3FA8] =	sst s0;
	s0 =	simm.s32 @!p2 $0x0  }
0x16: {  	s3 =	sld [smem:$0x3FDB];
	s0 =	simm.s32 @p2 $0x1  }
0x17: {  	s4 =	simm.s32 $0x1BF5;
	[smem:$0x3FAA] =	sst s0  }
0x18: {  	s0 =	sld [smem:$0x3F8D];
	_ =	swait.ge [sflag:s4], $0x0  }
0x19: {  	s7 =	sld [smem:$0x3F8E]  }
0x1a: {  	s8 =	sadd.s32 $0xFFFFE003, lr  }
0x1b: {  	s9 =	sadd.s32 $0xFFFFFEF7, lr;
	s5 =	simm.s32 $0xFFFFFFFF;
	p2 =	slt.u32 s8, $0xFFFFF086  }
0x1c: {  	p1 =	slt.u32 s9, $0xF7A;
	s5 =	simm.s32 @!p2 $0x0  }
0x1d: {  	s5 =	simm.s32 @p1 $0x1;
	p0 =	seq.s32 s7, s2  }
0x1e: {  	s7 =	smul.u32 @!p0 $0xF7A, s2;
	p2 =	seq.s32 @!p0 s5, $0x0  }
0x1f: {  	s9 =	smul.u32 $0xF7A, s1;
	s8 =	simm.s32 @!p0 $0x1BF5;
	p2 =	por !p2, p0  }
0x20: {  	[sflag:s8] =	ssyncset.s32 @!p0 $0xFFFFF086;
	s6 =	sadd.s32 @!p0 s3, s7;
	s7 =	simm.s32 @!p0 $0x108  }
0x21: {  	s3 =	sadd.s32 s3, s9;
	s6 =	sadd.s32 @!p0 $0x88, s6;
	s7 =	simm.s32 @p2 $0x1082  }
0x22: {  	[simem:s7], [sflag:s8] =	dma.local @!p0 [hbm:s6], $0xF7A  }
0x23: {  	s9 =	sor.u32 $0xD0000000, s2;
	s6 =	simm.s32 $0x108;
	_ =	swait.ge @!p0 [sflag:s8], $0x0  }
0x24: {  	s3 =	sadd.s32 $0x88, s3;
	s6 =	simm.s32 @!p1 $0x1082;
	[sflag:s4] =	ssyncset.s32 $0xFFFFF086  }
0x25: {  	[simem:s6], [sflag:s4] =	dma.local [hbm:s3], $0xF7A  }
0x26: {  	[smem:$0x3F8E] =	sst s1;
	(tag) =	ssettag s2;
	_ =	strace s9  }
0x27: {  	s1 =	sld [smem:$0x3F9E]  }
0x28: {  	s2 =	sld [smem:$0x3F9F]  }
0x29: {  	s4 =	sld [smem:$0x3FA1]  }
0x2a: {  	p0 =	seq.s32 s5, $0x0;
	s5 =	sld [smem:$0x3FA2]  }
0x2b: {  	s6 =	sld [smem:$0x3FA3]  }
0x2c: {  	s7 =	sld [smem:$0x3FA4]  }
0x2d: {  	s3 =	simm.s32 $0x108;
	s8 =	sld [smem:$0x3FA5]  }
0x2e: {  	s3 =	simm.s32 @!p0 $0x1082;
	s9 =	sld [smem:$0x3FA6]  }
0x2f: {  	lr =	sadd.s32 s0, s3;
	s0 =	sld [smem:$0x3F9D]  }
0x30: {  	s3 =	sld [smem:$0x3FA0]  }
0x31: {  	[smem:$0x3FA9] =	sst s10  }
0x32: {  	s10 =	sld [smem:$0x3FA7];
	_ =	sdelay $0x3  }
0x33: {  	p0 =	seq.s32 s10, $0x1;
	s10 =	sld [smem:$0x3FA9];
	_ =	sdelay $0x3  }
0x34: {  	[smem:$0x3FA9] =	sst s10  }
0x35: {  	s10 =	sld [smem:$0x3FA8];
	_ =	sdelay $0x3  }
0x36: {  	p1 =	seq.s32 s10, $0x1;
	s10 =	sld [smem:$0x3FA9];
	_ =	sdelay $0x3  }
0x37: {  	[smem:$0x3FA9] =	sst s10  }
0x38: {  	s10 =	sld [smem:$0x3FAA]  }
0x39: {  	_ = 	snop;
	(pc) =	sbr.ind lr, $3  }
0x3a: {  	_ = 	snop  }
0x3b: {  	_ = 	snop  }
0x3c: {  	p2 =	seq.s32 s10, $0x1;
	s10 =	sld [smem:$0x3FA9]  }
0x3d: {  	_ =	shalt  }
0x3e: {  	_ =	shalt  }
0x3f: {  	_ =	shalt  }
0x40: {  	_ =	shalt  }
0x41: {  	_ =	shalt  }
0x42: {  	_ =	shalt  }
0x43: {  	_ =	shalt  }
0x44: {  	_ =	shalt  }
0x45: {  	_ =	shalt  }
0x46: {  	_ =	shalt  }
0x47: {  	_ =	shalt  }
0x48: {  	_ =	shalt  }
0x49: {  	_ =	shalt  }
0x4a: {  	_ =	shalt  }
0x4b: {  	_ =	shalt  }
0x4c: {  	_ =	shalt  }
0x4d: {  	_ =	shalt  }
0x4e: {  	_ =	shalt  }
0x4f: {  	_ =	shalt  }
0x50: {  	_ =	shalt  }
0x51: {  	_ =	shalt  }
0x52: {  	_ =	shalt  }
0x53: {  	_ =	shalt  }
0x54: {  	_ =	shalt  }
0x55: {  	_ =	shalt  }
0x56: {  	_ =	shalt  }
0x57: {  	_ =	shalt  }
0x58: {  	_ =	shalt  }
0x59: {  	_ =	shalt  }
0x5a: {  	_ =	shalt  }
0x5b: {  	_ =	shalt  }
0x5c: {  	_ =	shalt  }
0x5d: {  	_ =	shalt  }
0x5e: {  	_ =	shalt  }
0x5f: {  	_ =	shalt  }
0x60: {  	_ =	shalt  }
0x61: {  	_ =	shalt  }
0x62: {  	_ =	shalt  }
0x63: {  	_ =	shalt  }
0x64: {  	_ =	shalt  }
0x65: {  	_ =	shalt  }
0x66: {  	_ =	shalt  }
0x67: {  	_ =	shalt  }
0x68: {  	_ =	shalt  }
0x69: {  	_ =	shalt  }
0x6a: {  	_ =	shalt  }
0x6b: {  	_ =	shalt  }
0x6c: {  	_ =	shalt  }
0x6d: {  	_ =	shalt  }
0x6e: {  	_ =	shalt  }
0x6f: {  	_ =	shalt  }
0x70: {  	_ =	shalt  }
0x71: {  	_ =	shalt  }
0x72: {  	_ =	shalt  }
0x73: {  	_ =	shalt  }
0x74: {  	_ =	shalt  }
0x75: {  	_ =	shalt  }
0x76: {  	_ =	shalt  }
0x77: {  	_ =	shalt  }
0x78: {  	_ =	shalt  }
0x79: {  	_ =	shalt  }
0x7a: {  	_ =	shalt  }
0x7b: {  	_ =	shalt  }
0x7c: {  	_ =	shalt  }
0x7d: {  	_ =	shalt  }
0x7e: {  	_ =	shalt  }
0x7f: {  	_ =	shalt  }
0x80: {  	_ =	shalt  }
0x81: {  	_ =	shalt  }
0x82: {  	_ =	shalt  }
0x83: {  	_ =	shalt  }
0x84: {  	_ =	shalt  }
0x85: {  	_ =	shalt  }
0x86: {  	_ =	shalt  }
0x87: {  	_ =	shalt  }
.Lfunc_end0:
.L_simem_size_0:
called_computation_lowered:
.L_overlay_start_0:
0x88: {  	s2 =	sld [smem:$0x3FD9]  }
0x89: {  	s3 =	sld [smem:$0x3FFE];
	_ =	sdelay $0x1  }
0x8a: {  	s1 =	srdreg.scid  }
0x8b: {  	s0 =	sand.u32 $0x1, s1  }
0x8c: {  	s17 =	sshll.u32 s0, $0xA;
	s2 =	sadd.s32 s3, s2  }
0x8d: {  	s2 =	sadd.s32 s2, s17  }
0x8e: {  	[smem:$0x3FB5] =	sst s2  }
0x8f: {  	_ = 	snop  }
0x90: {  	s2 =	sld [smem:$0x3FC9]  }
0x91: {  	s18 =	sld [smem:$0x3FC6]  }
0x92: {  	s4 =	sld [smem:$0x3FC5];
	(tm) =	ssettm $0x1  }
0x93: {  	s5 =	sld [smem:$0x3FFB];
	_ =	sdelay $0x3  }
0x94: {  	_ =	strace s5  }
0x95: {  	s5 =	sld [smem:$0x3FFC];
	_ =	sdelay $0x3  }
0x96: {  	_ =	strace s5  }
0x97: {  	s5 =	sld [smem:$0x3FFD];
	_ =	sdelay $0x3  }
0x98: {  	_ =	strace s5  }
0x99: {  	_ =	strace $0x8FFFFFFF  }
0x9a: {  	s19 =	sld [smem:$0x3FDB];
	_ =	sdelay $0x1  }
0x9b: {  	s6 =	simm.s32 $_scs_section_size  }
0x9c: {  	s7 =	simm.s32 $_size__tile_overlayer_lowered;
	s8 =	simm.s32 $_tile_overlayer_lowered  }
0x9d: {  	s22 =	simm.s32 $0x1BFF;
	s21 =	sshll.u32 s8, $0x1;
	s5 =	sadd.s32 s6, s19  }
0x9e: {  	s9 =	simm.s32 $0x0;
	s20 =	sshll.u32 s7, $0x1;
	s7 =	sadd.s32 s21, s5  }
0x9f: {  	[timem:s9], [sflag:s22] =	dma.local [hbm:s7], s20  }
0xa0: {  	_ =	swait.ge [sflag:s22], s20  }
0xa1: {  	s6 =	ssub.s32 $0x0, s20;
	[sflag:s22] =	ssyncset.done $0x0  }
0xa2: {  	[sflag:s22] =	ssyncadd.s32 s6;
	_ =	sdelay $0x1  }
0xa3: {  	s23 =	simm.s32 $0x1B8B  }
0xa4: {  	_ =	swait.ge [sflag:s23], $0x1  }
0xa5: {  	[sflag:s23] =	ssyncset.done $0x0  }
0xa6: {  	s25 =	simm.s32 $0x1B8E;
	s24 =	sld [smem:$0x3FFE];
	[sflag:s23] =	ssyncadd.s32 $0xFFFFFFFF  }
0xa7: {  	s26 =	simm.s32 $execute0_lowered;
	[smem:$0x3FD2] =	sst s25  }
0xa8: {  	s7 =	sshll.u32 s26, $0x1;
	_ =	strace $0x80000046;
	[dreg:$0x1] =	wrdreg $0xFFFFFFFF  }
0xa9: {  	s28 =	simm.s32 $_size_execute0_lowered;
	s5 =	sadd.s32 s5, s7;
	[dreg:$0x0] =	wrdreg $0x0  }
0xaa: {  	s7 =	sshll.u32 s28, $0x1;
	[dreg:$0x2] =	wrdreg s5  }
0xab: {  	[dreg:$0x3] =	wrdreg s7  }
0xac: {  	[dreg:$0x4] =	wrdreg $0xC0  }
0xad: {  	_ =	task [dreg:s9], $0x5FFFF  }
0xae: {  	[dreg:$0x1] =	wrdreg $0xFFFFFFFF  }
0xaf: {  	[dreg:$0x0] =	wrdreg $0x60  }
0xb0: {  	[dreg:$0x2] =	wrdreg s2  }
0xb1: {  	[dreg:$0x3] =	wrdreg s18  }
0xb2: {  	[dreg:$0x4] =	wrdreg s4  }
0xb3: {  	[dreg:$0x5] =	wrdreg s24  }
0xb4: {  	[dreg:$0x6] =	wrdreg $0xA  }
0xb5: {  	_ =	task.clear_ibuf [dreg:s9], $0x7FFFF;
	_ =	strace $0x90000046  }
0xb6: {  	s29 =	simm.s32 $0xA;
	_ =	strace $0x80000048  }
0xb7: {  	_ =	swait.ge [sflag:s29], $0x1  }
0xb8: {  	[sflag:s29] =	ssyncadd.s32 $0xFFFFFFFF  }
0xb9: {  	_ =	strace $0x90000048  }
0xba: {  	_ =	sfence  }
0xbb: {  	s30 =	sld [smem:$0x0];
	_ =	sdelay $0x2  }
0xbc: {  	s31 =	sshll.u32 s1, $0xD;
	s1 =	sshrl.u32 s1, $0x2  }
0xbd: {  	s3 =	sand.u32 $0x4000, s31;
	s1 =	sadd.s32 s1, s30  }
0xbe: {  	s0 =	sor.u32 s3, s0;
	s1 =	sshll.u32 s1, $0x11  }
0xbf: {  	s0 =	sor.u32 s1, s0  }
0xc0: {  	s0 =	sadd.s32 $0x8F2B, s0  }
0xc1: {  	[sflag:s0] =	ssyncadd.remote.s32 $0x1  }
0xc2: {  	_ =	sfence.sel $0xFFFF  }
0xc3: {  	[dreg:$0x0] =	wrdreg $0xFFFFFFFF;
	(pc) =	sbr.abs _section_cstart, $3  }
0xc4: {  	[dreg:$0x1] =	wrdreg $0xFFFFFFFF  }
0xc5: {  	_ =	task.clear_ibuf [dreg:s9], $0x2FFFF;
	_ =	strace $0x9FFFFFFF  }
0xc6: {  	(tm) =	ssettm $0x7FFFFFFF  }
0xc7: {  	_ =	shalt  }
tec
execute0_lowered:
.L_overlay_start_1:
0x0: {  	(tag) =	ssettag $0x1  }
0x1: {  	s1 =	rddreg [dreg:$0x0]  }
0x2: {  	s2 =	rddreg [dreg:$0x1]  }
0x3: {  	s4 =	rddreg [dreg:$0x2]  }
0x4: {  	s0 =	rddreg [dreg:$0x3]  }
0x5: {  	s3 =	srdreg.scid;
	s12 =	stileid.u32  }
0x6: {  	s5 =	simm.s32 $0x0;
	s28 =	simm.s32 $0x4;
	s29 =	simm.s32 $0x2A00  }
0x7: {  	s30 =	simm.s32 $0x7A00;
	s31 =	simm.s32 $0x6;
	s18 =	smul.u32 $0x4E20, s12  }
0x8: {  	s3 =	sand.u32 $0x1, s3;
	s6 =	sshll.u32 s12, $0x1;
	s21 =	smul.u32 $0x4E200, s12  }
0x9: {  	[smem:$0x7FF] =	sst s5;
	s8 =	sadd.s32 $0x3E00, s0;
	s19 =	smul.u32 $0x2710, s3  }
0xa: {  	s6 =	sor.u32 s3, s6;
	s9 =	ssub.s32 $0x2, s3;
	s3 =	smul.u32 $0x27100, s3  }
0xb: {  	s0 =	sadd.s32 $0x4E5E00, s0;
	s7 =	smul.u32 $0x2710, s6;
	s10 =	sshrl.u32 s9, $0x1  }
0xc: {  	_ =	strace $0x80000047;
	s6 =	smul.u32 $0x138800, s6;
	s9 =	ssub.s32 s9, s10  }
0xd: {  	s22 =	sadd.s32 s19, s18;
	s18 =	simm.s32 $0x180;
	s19 =	simm.s32 $0x1  }
0xe: {  	s7 =	sshrl.u32 s7, $0x3;
	s6 =	sshrl.u32 s6, $0x3;
	s9 =	smax.u32 s9, $0x1  }
0xf: {  	s23 =	sadd.s32 $0xF0, s22;
	s26 =	sadd.s32 $0xA0, s22;
	s22 =	simm.s32 $0x200  }
0x10: {  	s16 =	sadd.s32 s2, s7;
	s17 =	sadd.s32 s4, s7;
	[dreg:$0xd] =	wrdreg s9  }
0x11: {  	s7 =	sadd.s32 $0xA, s7;
	s6 =	sadd.s32 $0x26C00, s6;
	[dreg:$0x10] =	wrdreg s26  }
0x12: {  	s9 =	sshrl.u32 s23, $0x3;
	s23 =	simm.s32 $0x5200;
	[dreg:$0x7] =	wrdreg s16  }
0x13: {  	s26 =	simm.s32 $0x2;
	[dreg:$0x8] =	wrdreg s17;
	s11 =	sadd.s32 s2, s7  }
0x14: {  	s7 =	sadd.s32 s4, s7;
	s20 =	sadd.s32 s8, s6;
	s6 =	sadd.s32 s0, s6  }
0x15: {  	s8 =	sadd.s32 s21, s8;
	s0 =	sadd.s32 s21, s0;
	[dreg:$0x9] =	wrdreg s11  }
0x16: {  	s24 =	sadd.s32 s9, s4;
	s25 =	sadd.s32 s9, s2;
	[dreg:$0xa] =	wrdreg s7  }
0x17: {  	s16 =	simm.s32 $0x100;
	s17 =	simm.s32 $0x80;
	[dreg:$0xb] =	wrdreg s20  }
0x18: {  	s21 =	simm.s32 $0x50;
	s9 =	simm.s32 $0x0;
	[dreg:$0xc] =	wrdreg s6  }
0x19: {  	s8 =	sadd.s32 s3, s8;
	[dreg:$0xe] =	wrdreg s24;
	s0 =	sadd.s32 s3, s0  }
0x1a: {  	[dreg:$0xf] =	wrdreg s25;
	s20 =	simm.s32 $0x3;
	s24 =	simm.s32 $0x5  }
0x1b: {  	s25 =	simm.s32 $0x7;
	s3 =	simm.s32 $0x9;
	[dreg:$0x5] =	wrdreg s8  }
0x1c: {  	s6 =	simm.s32 $0xB;
	[dreg:$0x6] =	wrdreg s0;
	s0 =	simm.s32 $0x8  }
.LBB2_1:
0x1d: {  	s7 =	rddreg [dreg:$0x7]  }
0x1e: {  	[tilespmem:s5], [sflag:$0x1] =	stream.linear.gather [hbm4b:s7+s5], $0x50, $0x38;
	[tilespmem:$0xA200] =	vst v63  }
0x1f: {  	s8 =	rddreg [dreg:$0x8]  }
0x20: {  	[tilespmem:s16], [sflag:$0x3] =	stream.linear.gather [hbm4b:s8+s5], $0x50, $0x38;
	[tilespmem:$0xA200] =	vst v63  }
0x21: {  	s10 =	rddreg [dreg:$0x9]  }
0x22: {  	[tilespmem:s17], [sflag:$0x2] =	stream.linear.gather [hbm4b:s10+s5], $0x50, $0x38;
	[tilespmem:$0xA200] =	vst v63  }
0x23: {  	s11 =	rddreg [dreg:$0xa]  }
0x24: {  	[tilespmem:s18], [sflag:$0x4] =	stream.linear.gather [hbm4b:s11+s5], $0x50, $0x38;
	[tilespmem:$0xA200] =	vst v63  }
0x25: {  	_ =	swait.ge [sflag:s19], $0x50  }
0x26: {  	[sflag:s19] =	ssyncset.done $0x0  }
0x27: {  	[sflag:s19] =	ssyncadd.s32 $0xFFFFFFB0  }
0x28: {  	_ =	swait.ge [sflag:s20], $0x50  }
0x29: {  	p0 =	por $0x1, $0x1;
	[sflag:s20] =	ssyncset.done $0x0  }
0x2a: {  	s7 =	simm.s32 @!p0 $0x9;
	[sflag:s20] =	ssyncadd.s32 $0xFFFFFFB0  }
0x2b: {  	_ =	swait.ge @!p0 [sflag:s7], $0x2800  }
0x2c: {  	[sflag:s7] =	ssyncset.done @!p0 $0x0  }
0x2d: {  	[sflag:s7] =	ssyncadd.s32 @!p0 $0xFFFFD800;
	s7 =	simm.s32 @!p0 $0xB  }
0x2e: {  	_ =	swait.ge @!p0 [sflag:s7], $0x2800  }
0x2f: {  	[sflag:s7] =	ssyncset.done @!p0 $0x0  }
0x30: {  	[sflag:s7] =	ssyncadd.s32 @!p0 $0xFFFFD800  }
0x31: {  	[tilespmem:s22], [sflag:$0x5] =	stream.indirect.gather [hbm4b:s1+s21], $0x80, s5, s21, $0xb8;
	[tilespmem:$0xA200] =	vst v63  }
0x32: {  	_ = 	snop  }
0x33: {  	[tilespmem:s23], [sflag:$0x7] =	stream.indirect.gather [hbm4b:s1+s21], $0x80, s16, s21, $0xb8;
	[tilespmem:$0xA200] =	vst v63  }
0x34: {  	_ =	swait.ge [sflag:s24], $0x2800  }
0x35: {  	[sflag:s24] =	ssyncset.done $0x0  }
0x36: {  	[sflag:s24] =	ssyncadd.s32 $0xFFFFD800  }
0x37: {  	_ =	swait.ge [sflag:s25], $0x2800  }
0x38: {  	s14 =	rddreg [dreg:$0x10]  }
0x39: {  	[sflag:s25] =	ssyncset.done $0x0;
	s12 =	sshrl.u32 s14, $0x3  }
0x3a: {  	[sflag:s25] =	ssyncadd.s32 $0xFFFFD800;
	s8 =	sadd.s32 s2, s12  }
0x3b: {  	[tilespmem:s5], [sflag:$0x1] =	stream.linear.gather [hbm4b:s8+s5], $0x50, $0x38;
	[tilespmem:$0xA200] =	vst v63  }
0x3c: {  	s10 =	rddreg [dreg:$0x5];
	s7 =	sadd.s32 s4, s12  }
0x3d: {  	[tilespmem:s16], [sflag:$0x3] =	stream.linear.gather [hbm4b:s7+s5], $0x50, $0x38;
	[tilespmem:$0xA200] =	vst v63  }
0x3e: {  	s13 =	rddreg [dreg:$0x6];
	s15 =	sadd.s32 $0x0, s10  }
0x3f: {  	[hbm4b:s15+s5] =	stream.linear.scatter [tilespmem:s22], [sflag:$0x9], $0x2800, $0x38;
	[tilespmem:$0xA200] =	vst v63  }
0x40: {  	s8 =	sadd.s32 $0x0, s13  }
0x41: {  	[hbm4b:s8+s5] =	stream.linear.scatter [tilespmem:s23], [sflag:$0xB], $0x2800, $0x38;
	[tilespmem:$0xA200] =	vst v63  }
0x42: {  	_ =	swait.ge [sflag:s26], $0x50  }
0x43: {  	[sflag:s26] =	ssyncset.done $0x0  }
0x44: {  	[sflag:s26] =	ssyncadd.s32 $0xFFFFFFB0  }
0x45: {  	_ =	swait.ge [sflag:s28], $0x50  }
0x46: {  	[sflag:s28] =	ssyncset.done $0x0  }
0x47: {  	s10 =	simm.s32 @!p0 $0xA;
	[sflag:s28] =	ssyncadd.s32 $0xFFFFFFB0  }
0x48: {  	_ =	swait.ge @!p0 [sflag:s10], $0x2800  }
0x49: {  	[sflag:s10] =	ssyncset.done @!p0 $0x0  }
0x4a: {  	[sflag:s10] =	ssyncadd.s32 @!p0 $0xFFFFD800;
	s10 =	simm.s32 @!p0 $0xC  }
0x4b: {  	_ =	swait.ge @!p0 [sflag:s10], $0x2800  }
0x4c: {  	[sflag:s10] =	ssyncset.done @!p0 $0x0  }
0x4d: {  	[sflag:s10] =	ssyncadd.s32 @!p0 $0xFFFFD800  }
0x4e: {  	[tilespmem:s29], [sflag:$0x6] =	stream.indirect.gather [hbm4b:s1+s21], $0x80, s17, s21, $0xb8;
	[tilespmem:$0xA200] =	vst v63  }
0x4f: {  	_ = 	snop  }
0x50: {  	[tilespmem:s30], [sflag:$0x8] =	stream.indirect.gather [hbm4b:s1+s21], $0x80, s18, s21, $0xb8;
	[tilespmem:$0xA200] =	vst v63  }
0x51: {  	_ =	swait.ge [sflag:s31], $0x2800  }
0x52: {  	[sflag:s31] =	ssyncset.done $0x0  }
0x53: {  	[sflag:s31] =	ssyncadd.s32 $0xFFFFD800  }
0x54: {  	p0 =	por $0x0, $0x0;
	_ =	swait.ge [sflag:s0], $0x2800  }
0x55: {  	s10 =	simm.s32 @!p0 $0x0;
	[sflag:s0] =	ssyncset.done $0x0  }
0x56: {  	s11 =	simm.s32 @!p0 $0x80;
	s13 =	rddreg [dreg:$0xf];
	[sflag:s0] =	ssyncadd.s32 $0xFFFFD800  }
0x57: {  	[tilespmem:s11], [sflag:$0x2] =	stream.linear.gather @!p0 [hbm4b:s13+s10], $0x50, $0x38;
	[tilespmem:$0xA200] =	vst v63  }
0x58: {  	s12 =	rddreg [dreg:$0xe];
	s11 =	simm.s32 @!p0 $0x180  }
0x59: {  	[tilespmem:s11], [sflag:$0x4] =	stream.linear.gather @!p0 [hbm4b:s12+s10], $0x50, $0x38;
	[tilespmem:$0xA200] =	vst v63  }
0x5a: {  	s7 =	sadd.s32 $0x500, s15;
	s8 =	sadd.s32 $0x500, s8;
	s10 =	simm.s32 $0xA00  }
0x5b: {  	[hbm4b:s7+s5] =	stream.linear.scatter [tilespmem:s29], [sflag:$0xA], $0x2800, $0x38;
	[tilespmem:$0xA200] =	vst v63  }
0x5c: {  	s11 =	sadd.s32 $0xA0, s14;
	s12 =	sadd.s32 $0x14, s12;
	s7 =	sadd.s32 $0x14, s13  }
.LBB2_2:
0x5d: {  	[hbm4b:s8+s5] =	stream.linear.scatter [tilespmem:s30], [sflag:$0xC], $0x2800, $0x38;
	[tilespmem:$0xA200] =	vst v63  }
0x5e: {  	_ =	swait.ge [sflag:s19], $0x50  }
0x5f: {  	[sflag:s19] =	ssyncset.done $0x0  }
0x60: {  	[sflag:s19] =	ssyncadd.s32 $0xFFFFFFB0  }
0x61: {  	s8 =	smov.u32 s10;
	_ =	swait.ge [sflag:s20], $0x50  }
0x62: {  	p1 =	seq.s32 s8, $0x0;
	[sflag:s20] =	ssyncset.done $0x0  }
0x63: {  	s13 =	simm.s32 @!p1 $0x9;
	[sflag:s20] =	ssyncadd.s32 $0xFFFFFFB0  }
0x64: {  	_ =	swait.ge @!p1 [sflag:s13], $0x2800  }
0x65: {  	[sflag:s13] =	ssyncset.done @!p1 $0x0  }
0x66: {  	[sflag:s13] =	ssyncadd.s32 @!p1 $0xFFFFD800;
	s13 =	simm.s32 @!p1 $0xB  }
0x67: {  	_ =	swait.ge @!p1 [sflag:s13], $0x2800  }
0x68: {  	[sflag:s13] =	ssyncset.done @!p1 $0x0  }
0x69: {  	[sflag:s13] =	ssyncadd.s32 @!p1 $0xFFFFD800  }
0x6a: {  	[tilespmem:s22], [sflag:$0x5] =	stream.indirect.gather [hbm4b:s1+s21], $0x80, s5, s21, $0xb8;
	[tilespmem:$0xA200] =	vst v63  }
0x6b: {  	_ = 	snop  }
0x6c: {  	[tilespmem:s23], [sflag:$0x7] =	stream.indirect.gather [hbm4b:s1+s21], $0x80, s16, s21, $0xb8;
	[tilespmem:$0xA200] =	vst v63  }
0x6d: {  	_ =	swait.ge [sflag:s24], $0x2800  }
0x6e: {  	[sflag:s24] =	ssyncset.done $0x0  }
0x6f: {  	[sflag:s24] =	ssyncadd.s32 $0xFFFFD800  }
0x70: {  	_ =	swait.ge [sflag:s25], $0x2800  }
0x71: {  	s13 =	sshrl.u32 s11, $0x3;
	[sflag:s25] =	ssyncset.done $0x0  }
0x72: {  	s14 =	sadd.s32 s2, s13;
	[sflag:s25] =	ssyncadd.s32 $0xFFFFD800  }
0x73: {  	[tilespmem:s5], [sflag:$0x1] =	stream.linear.gather [hbm4b:s14+s5], $0x50, $0x38;
	[tilespmem:$0xA200] =	vst v63  }
0x74: {  	s13 =	sadd.s32 s4, s13;
	s15 =	rddreg [dreg:$0x5]  }
0x75: {  	[tilespmem:s16], [sflag:$0x3] =	stream.linear.gather [hbm4b:s13+s5], $0x50, $0x38;
	[tilespmem:$0xA200] =	vst v63  }
0x76: {  	s14 =	rddreg [dreg:$0x6];
	s13 =	sadd.s32 s8, s15  }
0x77: {  	[hbm4b:s13+s5] =	stream.linear.scatter [tilespmem:s22], [sflag:$0x9], $0x2800, $0x38;
	[tilespmem:$0xA200] =	vst v63  }
0x78: {  	s14 =	sadd.s32 s8, s14  }
0x79: {  	[hbm4b:s14+s5] =	stream.linear.scatter [tilespmem:s23], [sflag:$0xB], $0x2800, $0x38;
	[tilespmem:$0xA200] =	vst v63  }
0x7a: {  	_ =	swait.ge [sflag:s26], $0x50  }
0x7b: {  	[sflag:s26] =	ssyncset.done $0x0  }
0x7c: {  	[sflag:s26] =	ssyncadd.s32 $0xFFFFFFB0  }
0x7d: {  	_ =	swait.ge [sflag:s28], $0x50  }
0x7e: {  	[sflag:s28] =	ssyncset.done $0x0  }
0x7f: {  	s15 =	simm.s32 @!p1 $0xA;
	[sflag:s28] =	ssyncadd.s32 $0xFFFFFFB0  }
0x80: {  	_ =	swait.ge @!p1 [sflag:s15], $0x2800  }
0x81: {  	[sflag:s15] =	ssyncset.done @!p1 $0x0  }
0x82: {  	[sflag:s15] =	ssyncadd.s32 @!p1 $0xFFFFD800;
	s15 =	simm.s32 @!p1 $0xC  }
0x83: {  	_ =	swait.ge @!p1 [sflag:s15], $0x2800  }
0x84: {  	[sflag:s15] =	ssyncset.done @!p1 $0x0  }
0x85: {  	[sflag:s15] =	ssyncadd.s32 @!p1 $0xFFFFD800  }
0x86: {  	[tilespmem:s29], [sflag:$0x6] =	stream.indirect.gather [hbm4b:s1+s21], $0x80, s17, s21, $0xb8;
	[tilespmem:$0xA200] =	vst v63  }
0x87: {  	_ = 	snop  }
0x88: {  	[tilespmem:s30], [sflag:$0x8] =	stream.indirect.gather [hbm4b:s1+s21], $0x80, s18, s21, $0xb8;
	[tilespmem:$0xA200] =	vst v63  }
0x89: {  	_ =	swait.ge [sflag:s31], $0x2800  }
0x8a: {  	[sflag:s31] =	ssyncset.done $0x0  }
0x8b: {  	[sflag:s31] =	ssyncadd.s32 $0xFFFFD800  }
0x8c: {  	s10 =	sadd.s32 $0xA00, s10;
	_ =	swait.ge [sflag:s0], $0x2800  }
0x8d: {  	p0 =	sne.s32 s10, $0x26C00;
	p1 =	seq.s32 s8, $0x26200;
	[sflag:s0] =	ssyncset.done $0x0  }
0x8e: {  	s8 =	simm.s32 @!p1 $0x0;
	s15 =	simm.s32 @!p1 $0x80;
	[sflag:s0] =	ssyncadd.s32 $0xFFFFD800  }
0x8f: {  	[tilespmem:s15], [sflag:$0x2] =	stream.linear.gather @!p1 [hbm4b:s7+s8], $0x50, $0x38;
	[tilespmem:$0xA200] =	vst v63  }
.Ltmp0:
0x90: {  	_ = 	snop;
	(pc) =	sbr.rel @p0 .LBB2_2-.Ltmp0, $4  }
0x91: {  	s11 =	sadd.s32 $0xA0, s11;
	s15 =	simm.s32 @!p1 $0x180;
	s7 =	sadd.s32 $0x14, s7  }
0x92: {  	[tilespmem:s15], [sflag:$0x4] =	stream.linear.gather @!p1 [hbm4b:s12+s8], $0x50, $0x38;
	[tilespmem:$0xA200] =	vst v63  }
0x93: {  	s15 =	sadd.s32 $0x500, s13;
	s8 =	sadd.s32 $0x500, s14;
	s12 =	sadd.s32 $0x14, s12  }
0x94: {  	[hbm4b:s15+s5] =	stream.linear.scatter [tilespmem:s29], [sflag:$0xA], $0x2800, $0x38;
	[tilespmem:$0xA200] =	vst v63  }
0x95: {  	[hbm4b:s8+s5] =	stream.linear.scatter [tilespmem:s30], [sflag:$0xC], $0x2800, $0x38;
	[tilespmem:$0xA200] =	vst v63  }
0x96: {  	_ =	swait.ge [sflag:s19], $0x50  }
0x97: {  	[sflag:s19] =	ssyncset.done $0x0  }
0x98: {  	[sflag:s19] =	ssyncadd.s32 $0xFFFFFFB0  }
0x99: {  	_ =	swait.ge [sflag:s20], $0x50  }
0x9a: {  	[sflag:s20] =	ssyncset.done $0x0  }
0x9b: {  	[sflag:s20] =	ssyncadd.s32 $0xFFFFFFB0  }
0x9c: {  	_ =	swait.ge [sflag:s3], $0x2800  }
0x9d: {  	[sflag:s3] =	ssyncset.done $0x0  }
0x9e: {  	[sflag:s3] =	ssyncadd.s32 $0xFFFFD800  }
0x9f: {  	_ =	swait.ge [sflag:s6], $0x2800  }
0xa0: {  	[sflag:s6] =	ssyncset.done $0x0  }
0xa1: {  	[sflag:s6] =	ssyncadd.s32 $0xFFFFD800  }
0xa2: {  	[tilespmem:s22], [sflag:$0x5] =	stream.indirect.gather [hbm4b:s1+s21], $0x80, s5, s21, $0xb8;
	[tilespmem:$0xA200] =	vst v63  }
0xa3: {  	_ = 	snop  }
0xa4: {  	[tilespmem:s23], [sflag:$0x7] =	stream.indirect.gather [hbm4b:s1+s21], $0x80, s16, s21, $0xb8;
	[tilespmem:$0xA200] =	vst v63  }
0xa5: {  	_ =	swait.ge [sflag:s24], $0x2800  }
0xa6: {  	[sflag:s24] =	ssyncset.done $0x0  }
0xa7: {  	[sflag:s24] =	ssyncadd.s32 $0xFFFFD800  }
0xa8: {  	_ =	swait.ge [sflag:s25], $0x2800  }
0xa9: {  	[sflag:s25] =	ssyncset.done $0x0  }
0xaa: {  	s7 =	rddreg [dreg:$0xb];
	[sflag:s25] =	ssyncadd.s32 $0xFFFFD800  }
0xab: {  	[hbm4b:s7+s5] =	stream.linear.scatter [tilespmem:s22], [sflag:$0x9], $0x2800, $0x38;
	[tilespmem:$0xA200] =	vst v63  }
0xac: {  	s12 =	rddreg [dreg:$0xc]  }
0xad: {  	[hbm4b:s12+s5] =	stream.linear.scatter [tilespmem:s23], [sflag:$0xB], $0x2800, $0x38;
	[tilespmem:$0xA200] =	vst v63  }
0xae: {  	_ =	swait.ge [sflag:s3], $0x2800  }
0xaf: {  	[sflag:s3] =	ssyncset.done $0x0  }
0xb0: {  	[sflag:s3] =	ssyncadd.s32 $0xFFFFD800  }
0xb1: {  	_ =	swait.ge [sflag:s6], $0x2800  }
0xb2: {  	[sflag:s6] =	ssyncset.done $0x0  }
0xb3: {  	s13 =	simm.s32 $0xA;
	[sflag:s6] =	ssyncadd.s32 $0xFFFFD800  }
0xb4: {  	_ =	swait.ge [sflag:s13], $0x2800  }
0xb5: {  	[sflag:s13] =	ssyncset.done $0x0  }
0xb6: {  	s14 =	simm.s32 $0xC;
	[sflag:s13] =	ssyncadd.s32 $0xFFFFD800  }
0xb7: {  	_ =	swait.ge [sflag:s14], $0x2800  }
0xb8: {  	s9 =	sadd.s32 $0x1, s9;
	s15 =	rddreg [dreg:$0xd]  }
0xb9: {  	p0 =	sne.s32 s9, s15  }
.Ltmp1:
0xba: {  	_ = 	snop;
	(pc) =	sbr.rel @p0 .LBB2_1-.Ltmp1, $3  }
0xbb: {  	_ =	sdelay $0x1  }
0xbc: {  	[sflag:s14] =	ssyncset.done $0x0  }
0xbd: {  	[sflag:s14] =	ssyncadd.s32 $0xFFFFD800  }
0xbe: {  	_ =	sfence.sel $0x180000  }
0xbf: {  	[bflag:$0x0] =	sbarrier.arrive $0xFFFF  }
0xc0: {  	_ =	strace $0x90000047  }
0xc1: {  	s0 =	stileid.u32;
	[bflag:$0x2] =	sbarrier.arrive $0xFFFF  }
0xc2: {  	p0 =	sne.s32 s0, $0x0;
	s0 =	rddreg [dreg:$0x4]  }
0xc3: {  	s0 =	sadd.s32 @!p0 $0x100000, s0  }
0xc4: {  	[sflag:s0] =	ssyncadd.tile.s32 @!p0 $0x1;
	_ =	shalt  }
.Lfunc_end2:
_tile_overlayer_lowered:
.L_overlay_start_2:
0xc5: {  	(tag) =	ssettag $0x2  }
0xc6: {  	s0 =	rddreg [dreg:$0x0];
	s2 =	stileid.u32  }
0xc7: {  	s1 =	rddreg [dreg:$0x1];
	p0 =	sne.s32 s2, $0x0  }
0xc8: {  	s3 =	rddreg [dreg:$0x2];
	[bflag:$0x3] =	sbarrier.arrive $0xFFFF;
	s2 =	simm.s32 @!p0 $0x1C0D  }
0xc9: {  	[timem:s3], [sflag:s2] =	dma.local @!p0 [hbm:s0], s1  }
0xca: {  	s0 =	simm.s32 @!p0 $0xD  }
0xcb: {  	_ =	swait.ge @!p0 [sflag:s0], s1  }
0xcc: {  	s1 =	ssub.s32 @!p0 $0x0, s1;
	[sflag:s0] =	ssyncset.done @!p0 $0x0  }
0xcd: {  	[sflag:s0] =	ssyncadd.s32 @!p0 s1  }
0xce: {  	[bflag:$0x3] =	sbarrier.arrive $0xFFFF  }
0xcf: {  	_ =	shalt  }

</sc_bundles>
